<compile_context>
chip_gen: v7x
topology: tpu7x:2x2x1
jax: 0.10.2.dev20260603
libtpu: 0.0.44.dev20260713+nightly
codegen_flags: <defaults>
</compile_context>

<pallas_src>
import functools

import jax
import jax.numpy as jnp
from jax import lax
from jax.experimental import pallas as pl
from jax.experimental.pallas import tpu as pltpu
from jax.experimental.pallas import tpu_sc as plsc

N_ROWS = 100000
D = 128
N_SEG = 1024
BLOCK = 160
SUB = 16
N_BLOCKS = (N_ROWS + BLOCK - 1) // BLOCK
TAIL = N_ROWS - (N_BLOCKS - 1) * BLOCK
NC, NS = 2, 16
NW = NC * NS
BASE_BLK = N_BLOCKS // NW
REM_BLK = N_BLOCKS % NW
MAX_BLK = BASE_BLK + 1
IDX_WIN = MAX_BLK * BLOCK
LAST_WIN = N_ROWS - ((NW - 1) * BASE_BLK + REM_BLK) * BLOCK
NBUF = 5
ACC_ROWS = 1040
Z_PER_TILE = ACC_ROWS // NS
O_PER_TILE = N_SEG // NS


def _sc_segment_sum(x_hbm, b_hbm, out_hbm, rowbuf, idx1d, acc, sems, scsems, isem):
    c = lax.axis_index("c")
    s = lax.axis_index("s")
    wid = s * NC + c

    lo = wid * BASE_BLK + jnp.minimum(wid, REM_BLK)
    nblk = BASE_BLK + jnp.where(wid < REM_BLK, 1, 0)
    base = lo * BLOCK

    @pl.when(wid < NW - 1)
    def _ids_full():
        pltpu.async_copy(b_hbm.at[pl.ds(base, IDX_WIN)], idx1d, isem)

    @pl.when(wid == NW - 1)
    def _ids_last():
        pltpu.async_copy(
            b_hbm.at[pl.ds(base, LAST_WIN)], idx1d.at[pl.ds(0, LAST_WIN)], isem
        )
        for k in range((IDX_WIN - LAST_WIN) // SUB):
            idx1d[pl.ds(LAST_WIN + k * SUB, SUB)] = jnp.full(
                (SUB,), N_SEG, jnp.int32
            )

    def wait_ids():
        @pl.when(wid < NW - 1)
        def _full():
            pltpu.make_async_copy(
                b_hbm.at[pl.ds(base, IDX_WIN)], idx1d, isem
            ).wait()

        @pl.when(wid == NW - 1)
        def _last():
            pltpu.make_async_copy(
                b_hbm.at[pl.ds(base, LAST_WIN)], idx1d.at[pl.ds(0, LAST_WIN)], isem
            ).wait()

    assert N_BLOCKS * BLOCK == N_ROWS

    def start_load(blk, b):
        pltpu.async_copy(
            x_hbm.at[pl.ds(blk * BLOCK, BLOCK)], rowbuf.at[b], sems.at[b]
        )

    def wait_load(blk, b):
        pltpu.make_async_copy(
            x_hbm.at[pl.ds(blk * BLOCK, BLOCK)], rowbuf.at[b], sems.at[b]
        ).wait()

    def start_scatter(t, b):
        for k in range(BLOCK // SUB):
            iv = idx1d[pl.ds(t * BLOCK + k * SUB, SUB)]
            pltpu.async_copy(
                rowbuf.at[b, pl.ds(k * SUB, SUB)],
                acc.at[iv],
                scsems.at[b],
                add=True,
            )

    def wait_scatter(b):
        iv = idx1d[pl.ds(0, SUB)]
        for _ in range(BLOCK // SUB):
            pltpu.make_async_copy(
                rowbuf.at[b, pl.ds(0, SUB)], acc.at[iv], scsems.at[b]
            ).wait()

    start_load(lo, 0)
    start_load(lo + 1, 1)

    def zrow(i, _):
        for v in range(D // 16):
            rowbuf[NBUF - 1, i, pl.ds(v * 16, 16)] = jnp.zeros((16,), jnp.float32)
        return 0

    lax.fori_loop(0, Z_PER_TILE, zrow, 0)
    pltpu.sync_copy(
        rowbuf.at[NBUF - 1, pl.ds(0, Z_PER_TILE)],
        acc.at[pl.ds(s * Z_PER_TILE, Z_PER_TILE)],
    )
    plsc.subcore_barrier()
    wait_ids()

    def body(t, _):
        a = lax.rem(t, NBUF)
        blk = lo + t
        wait_load(blk, a)
        start_scatter(t, a)

        @pl.when(t + 2 < nblk)
        def _next():
            nb = lax.rem(t + 2, NBUF)

            @pl.when(t >= NBUF - 2)
            def _drain():
                wait_scatter(nb)

            start_load(blk + 2, nb)

        return 0

    lax.fori_loop(0, nblk, body, 0)
    for b in range(NBUF):
        wait_scatter(b)
    plsc.subcore_barrier()

    pltpu.sync_copy(
        acc.at[pl.ds(s * O_PER_TILE, O_PER_TILE)],
        out_hbm.at[c, pl.ds(s * O_PER_TILE, O_PER_TILE)],
    )


_sc_call = functools.partial(
    pl.kernel,
    mesh=plsc.VectorSubcoreMesh(core_axis_name="c", subcore_axis_name="s"),
    out_type=jax.ShapeDtypeStruct((NC, N_SEG, D), jnp.float32),
    scratch_types=[
        pltpu.VMEM((NBUF, BLOCK, D), jnp.float32),
        pltpu.VMEM((IDX_WIN,), jnp.int32),
        pltpu.VMEM_SHARED((ACC_ROWS, D), jnp.float32),
        pltpu.SemaphoreType.DMA((NBUF,)),
        pltpu.SemaphoreType.DMA((NBUF,)),
        pltpu.SemaphoreType.DMA,
    ],
)(_sc_segment_sum)


def _combine(parts_ref, o_ref):
    o_ref[...] = parts_ref[0] + parts_ref[1]


@jax.jit
def kernel(x, edge_index, batch):
    del edge_index
    parts = _sc_call(x, batch.astype(jnp.int32))
    out = pl.pallas_call(
        _combine,
        out_shape=jax.ShapeDtypeStruct((N_SEG, D), jnp.float32),
    )(parts)
    return out

# --- scband reference (transcript-rebuilt; emitter-appended) ---
"""Pipeline reference for scband-global-add-pool-28922309771726 (READ-ONLY COPY).

The authoritative reference and input builder live on the scoring server;
editing this copy changes nothing except your own understanding.
"""

import jax, jax.numpy as jnp
import numpy as np

NUM_SEGMENTS = 1024

def setup_inputs(seed: int = 0) -> dict:
    key = jax.random.key(seed)
    k1, k2, k3 = jax.random.split(key, 3)
    x = jax.random.normal(k1, (100000, 128), dtype=jnp.float32)
    edge_index = jax.random.randint(k2, (2, 1600000), 0, 100000, dtype=jnp.int64)
    batch = jnp.sort(jax.random.randint(k3, (100000,), 0, NUM_SEGMENTS, dtype=jnp.int64))
    return {"x": x, "edge_index": edge_index, "batch": batch}

def reference(x, edge_index, batch):
    # global_add_pool: sum node features per graph id in `batch`
    out = jax.ops.segment_sum(x, batch, num_segments=NUM_SEGMENTS)
    return out

if __name__ == "__main__":
    import jax
    _d = setup_inputs()
    print(jax.jit(kernel)(*tuple(_d.values())))

</pallas_src>

<mosaic_0001>
#map = affine_map<(d0, d1) -> (0, 0)>
#map1 = affine_map<(d0, d1) -> (0)>
#map2 = affine_map<(d0, d1) -> (0, 0, 0)>
module attributes {stable_mosaic.version = 14 : i64} {
  func.func @_sc_segment_sum(%arg0: i32, %arg1: i32, %arg2: memref<100000x128xf32, #tpu.memory_space<hbm>>, %arg3: memref<100000xi32, #tpu.memory_space<hbm>>, %arg4: memref<2x1024x128xf32, #tpu.memory_space<hbm>>, %arg5: memref<5x160x128xf32, #tpu.memory_space<vmem>>, %arg6: memref<3200xi32, #tpu.memory_space<vmem>>, %arg7: memref<1040x128xf32, #tpu.memory_space<vmem_shared>>, %arg8: memref<5x!tpu.dma_semaphore, #tpu.memory_space<semaphore_mem>>, %arg9: memref<5x!tpu.dma_semaphore, #tpu.memory_space<semaphore_mem>>, %arg10: memref<!tpu.dma_semaphore, #tpu.memory_space<semaphore_mem>>) attributes {dimension_semantics = [#tpu.dimension_semantics<core_parallel>, #tpu.dimension_semantics<subcore_parallel>], iteration_bounds = array<i64: 2, 16>, scalar_prefetch = 0 : i64, scratch_operands = 6 : i64, tpu.core_type = #tpu.core_type<sc_vector_subcore>, window_params = [{transform_indices = #map}, {transform_indices = #map1}, {transform_indices = #map2}]} {
    %mul3A = arith.constant 2 : i32
    %mul3A_0 = arith.muli %arg1, %mul3A : i32
    %add3A = arith.addi %mul3A_0, %arg0 : i32
    %mul3A_1 = arith.constant 19 : i32
    %mul3A_2 = arith.muli %add3A, %mul3A_1 : i32
    %min3A = arith.constant 17 : i32
    %min3A_3 = arith.minsi %add3A, %min3A : i32
    %add3A_4 = arith.addi %mul3A_2, %min3A_3 : i32
    %lt3A = arith.constant 17 : i32
    %lt3A_5 = arith.cmpi slt, %add3A, %lt3A : i32
    %jit3A = arith.constant 1 : i32
    %jit3A_6 = arith.constant 0 : i32
    %select_n3A = arith.select %lt3A_5, %jit3A, %jit3A_6 : i32
    %add3A_7 = arith.constant 19 : i32
    %add3A_8 = arith.addi %add3A_7, %select_n3A : i32
    %mul3A_9 = arith.constant 160 : i32
    %mul3A_10 = arith.muli %add3A_4, %mul3A_9 : i32
    %lt3A_11 = arith.constant 31 : i32
    %lt3A_12 = arith.cmpi slt, %add3A, %lt3A_11 : i32
    %convert_element_type3A = arith.extui %lt3A_12 : i1 to i32
    %cond3A = arith.constant 0 : i32
    %cond3A_13 = arith.cmpi ne, %convert_element_type3A, %cond3A : i32
    scf.if %cond3A_13 {
      %dma_start3A_652 = tpu.memref_slice %arg3[%mul3A_10] : memref<100000xi32, #tpu.memory_space<hbm>> -> memref<3200xi32, #tpu.memory_space<hbm>>
      %dma_start3A_653 = tpu.memref_slice %arg3[%mul3A_10] : memref<100000xi32, #tpu.memory_space<hbm>> -> memref<3200xi32, #tpu.memory_space<hbm>>
      tpu.enqueue_dma source(%dma_start3A_653 : memref<3200xi32, #tpu.memory_space<hbm>>) target(%arg6 : memref<3200xi32, #tpu.memory_space<vmem>>) target_semaphore(%arg10 : memref<!tpu.dma_semaphore, #tpu.memory_space<semaphore_mem>>)
    } else {
    }
    %eq3A = arith.constant 31 : i32
    %eq3A_14 = arith.cmpi eq, %add3A, %eq3A : i32
    %convert_element_type3A_15 = arith.extui %eq3A_14 : i1 to i32
    %cond3A_16 = arith.constant 0 : i32
    %cond3A_17 = arith.cmpi ne, %convert_element_type3A_15, %cond3A_16 : i32
    scf.if %cond3A_17 {
      %dma_start3A_652 = arith.constant 0 : i32
      %dma_start3A_653 = tpu.memref_slice %arg6[%dma_start3A_652] : memref<3200xi32, #tpu.memory_space<vmem>> -> memref<3040xi32, #tpu.memory_space<vmem>>
      %dma_start3A_654 = tpu.memref_slice %arg3[%mul3A_10] : memref<100000xi32, #tpu.memory_space<hbm>> -> memref<3040xi32, #tpu.memory_space<hbm>>
      %dma_start3A_655 = arith.constant 0 : i32
      %dma_start3A_656 = tpu.memref_slice %arg6[%dma_start3A_655] : memref<3200xi32, #tpu.memory_space<vmem>> -> memref<3040xi32, #tpu.memory_space<vmem>>
      %dma_start3A_657 = tpu.memref_slice %arg3[%mul3A_10] : memref<100000xi32, #tpu.memory_space<hbm>> -> memref<3040xi32, #tpu.memory_space<hbm>>
      tpu.enqueue_dma source(%dma_start3A_657 : memref<3040xi32, #tpu.memory_space<hbm>>) target(%dma_start3A_656 : memref<3040xi32, #tpu.memory_space<vmem>>) target_semaphore(%arg10 : memref<!tpu.dma_semaphore, #tpu.memory_space<semaphore_mem>>)
      %broadcast_in_dim3A = arith.constant 1024 : i32
      %broadcast_in_dim3A_658 = vector.broadcast %broadcast_in_dim3A : i32 to vector<16xi32>
      %swap3A = arith.constant 3040 : index
      %swap3A_659 = tpu.vector_load %arg6[%swap3A] {strides = array<i32>} : memref<3200xi32, #tpu.memory_space<vmem>>, vector<16xi32>,
      %swap3A_660 = vector.shape_cast %swap3A_659 : vector<16xi32> to vector<16xi32>
      %swap3A_661 = vector.shape_cast %broadcast_in_dim3A_658 : vector<16xi32> to vector<16xi32>
      tpu.vector_store %arg6[%swap3A], %swap3A_661 {strides = array<i32>} : memref<3200xi32, #tpu.memory_space<vmem>>, vector<16xi32>,
      %broadcast_in_dim3A_662 = arith.constant 1024 : i32
      %broadcast_in_dim3A_663 = vector.broadcast %broadcast_in_dim3A_662 : i32 to vector<16xi32>
      %swap3A_664 = arith.constant 3056 : index
      %swap3A_665 = tpu.vector_load %arg6[%swap3A_664] {strides = array<i32>} : memref<3200xi32, #tpu.memory_space<vmem>>, vector<16xi32>,
      %swap3A_666 = vector.shape_cast %swap3A_665 : vector<16xi32> to vector<16xi32>
      %swap3A_667 = vector.shape_cast %broadcast_in_dim3A_663 : vector<16xi32> to vector<16xi32>
      tpu.vector_store %arg6[%swap3A_664], %swap3A_667 {strides = array<i32>} : memref<3200xi32, #tpu.memory_space<vmem>>, vector<16xi32>,
      %broadcast_in_dim3A_668 = arith.constant 1024 : i32
      %broadcast_in_dim3A_669 = vector.broadcast %broadcast_in_dim3A_668 : i32 to vector<16xi32>
      %swap3A_670 = arith.constant 3072 : index
      %swap3A_671 = tpu.vector_load %arg6[%swap3A_670] {strides = array<i32>} : memref<3200xi32, #tpu.memory_space<vmem>>, vector<16xi32>,
      %swap3A_672 = vector.shape_cast %swap3A_671 : vector<16xi32> to vector<16xi32>
      %swap3A_673 = vector.shape_cast %broadcast_in_dim3A_669 : vector<16xi32> to vector<16xi32>
      tpu.vector_store %arg6[%swap3A_670], %swap3A_673 {strides = array<i32>} : memref<3200xi32, #tpu.memory_space<vmem>>, vector<16xi32>,
      %broadcast_in_dim3A_674 = arith.constant 1024 : i32
      %broadcast_in_dim3A_675 = vector.broadcast %broadcast_in_dim3A_674 : i32 to vector<16xi32>
      %swap3A_676 = arith.constant 3088 : index
      %swap3A_677 = tpu.vector_load %arg6[%swap3A_676] {strides = array<i32>} : memref<3200xi32, #tpu.memory_space<vmem>>, vector<16xi32>,
      %swap3A_678 = vector.shape_cast %swap3A_677 : vector<16xi32> to vector<16xi32>
      %swap3A_679 = vector.shape_cast %broadcast_in_dim3A_675 : vector<16xi32> to vector<16xi32>
      tpu.vector_store %arg6[%swap3A_676], %swap3A_679 {strides = array<i32>} : memref<3200xi32, #tpu.memory_space<vmem>>, vector<16xi32>,
      %broadcast_in_dim3A_680 = arith.constant 1024 : i32
      %broadcast_in_dim3A_681 = vector.broadcast %broadcast_in_dim3A_680 : i32 to vector<16xi32>
      %swap3A_682 = arith.constant 3104 : index
      %swap3A_683 = tpu.vector_load %arg6[%swap3A_682] {strides = array<i32>} : memref<3200xi32, #tpu.memory_space<vmem>>, vector<16xi32>,
      %swap3A_684 = vector.shape_cast %swap3A_683 : vector<16xi32> to vector<16xi32>
      %swap3A_685 = vector.shape_cast %broadcast_in_dim3A_681 : vector<16xi32> to vector<16xi32>
      tpu.vector_store %arg6[%swap3A_682], %swap3A_685 {strides = array<i32>} : memref<3200xi32, #tpu.memory_space<vmem>>, vector<16xi32>,
      %broadcast_in_dim3A_686 = arith.constant 1024 : i32
      %broadcast_in_dim3A_687 = vector.broadcast %broadcast_in_dim3A_686 : i32 to vector<16xi32>
      %swap3A_688 = arith.constant 3120 : index
      %swap3A_689 = tpu.vector_load %arg6[%swap3A_688] {strides = array<i32>} : memref<3200xi32, #tpu.memory_space<vmem>>, vector<16xi32>,
      %swap3A_690 = vector.shape_cast %swap3A_689 : vector<16xi32> to vector<16xi32>
      %swap3A_691 = vector.shape_cast %broadcast_in_dim3A_687 : vector<16xi32> to vector<16xi32>
      tpu.vector_store %arg6[%swap3A_688], %swap3A_691 {strides = array<i32>} : memref<3200xi32, #tpu.memory_space<vmem>>, vector<16xi32>,
      %broadcast_in_dim3A_692 = arith.constant 1024 : i32
      %broadcast_in_dim3A_693 = vector.broadcast %broadcast_in_dim3A_692 : i32 to vector<16xi32>
      %swap3A_694 = arith.constant 3136 : index
      %swap3A_695 = tpu.vector_load %arg6[%swap3A_694] {strides = array<i32>} : memref<3200xi32, #tpu.memory_space<vmem>>, vector<16xi32>,
      %swap3A_696 = vector.shape_cast %swap3A_695 : vector<16xi32> to vector<16xi32>
      %swap3A_697 = vector.shape_cast %broadcast_in_dim3A_693 : vector<16xi32> to vector<16xi32>
      tpu.vector_store %arg6[%swap3A_694], %swap3A_697 {strides = array<i32>} : memref<3200xi32, #tpu.memory_space<vmem>>, vector<16xi32>,
      %broadcast_in_dim3A_698 = arith.constant 1024 : i32
      %broadcast_in_dim3A_699 = vector.broadcast %broadcast_in_dim3A_698 : i32 to vector<16xi32>
      %swap3A_700 = arith.constant 3152 : index
      %swap3A_701 = tpu.vector_load %arg6[%swap3A_700] {strides = array<i32>} : memref<3200xi32, #tpu.memory_space<vmem>>, vector<16xi32>,
      %swap3A_702 = vector.shape_cast %swap3A_701 : vector<16xi32> to vector<16xi32>
      %swap3A_703 = vector.shape_cast %broadcast_in_dim3A_699 : vector<16xi32> to vector<16xi32>
      tpu.vector_store %arg6[%swap3A_700], %swap3A_703 {strides = array<i32>} : memref<3200xi32, #tpu.memory_space<vmem>>, vector<16xi32>,
      %broadcast_in_dim3A_704 = arith.constant 1024 : i32
      %broadcast_in_dim3A_705 = vector.broadcast %broadcast_in_dim3A_704 : i32 to vector<16xi32>
      %swap3A_706 = arith.constant 3168 : index
      %swap3A_707 = tpu.vector_load %arg6[%swap3A_706] {strides = array<i32>} : memref<3200xi32, #tpu.memory_space<vmem>>, vector<16xi32>,
      %swap3A_708 = vector.shape_cast %swap3A_707 : vector<16xi32> to vector<16xi32>
      %swap3A_709 = vector.shape_cast %broadcast_in_dim3A_705 : vector<16xi32> to vector<16xi32>
      tpu.vector_store %arg6[%swap3A_706], %swap3A_709 {strides = array<i32>} : memref<3200xi32, #tpu.memory_space<vmem>>, vector<16xi32>,
      %broadcast_in_dim3A_710 = arith.constant 1024 : i32
      %broadcast_in_dim3A_711 = vector.broadcast %broadcast_in_dim3A_710 : i32 to vector<16xi32>
      %swap3A_712 = arith.constant 3184 : index
      %swap3A_713 = tpu.vector_load %arg6[%swap3A_712] {strides = array<i32>} : memref<3200xi32, #tpu.memory_space<vmem>>, vector<16xi32>,
      %swap3A_714 = vector.shape_cast %swap3A_713 : vector<16xi32> to vector<16xi32>
      %swap3A_715 = vector.shape_cast %broadcast_in_dim3A_711 : vector<16xi32> to vector<16xi32>
      tpu.vector_store %arg6[%swap3A_712], %swap3A_715 {strides = array<i32>} : memref<3200xi32, #tpu.memory_space<vmem>>, vector<16xi32>,
    } else {
    }
    %mul3A_18 = arith.constant 160 : i32
    %mul3A_19 = arith.muli %add3A_4, %mul3A_18 : i32
    %dma_start3A = arith.constant 0 : i32
    %dma_start3A_20 = arith.constant 0 : i32
    %dma_start3A_21 = arith.constant 0 : i32
    %dma_start3A_22 = arith.constant 0 : i32
    %dma_start3A_23 = tpu.memref_slice %arg5[%dma_start3A, %dma_start3A_21, %dma_start3A_22] : memref<5x160x128xf32, #tpu.memory_space<vmem>> -> memref<1x160x128xf32, #tpu.memory_space<vmem>>
    %dma_start3A_24 = tpu.memref_squeeze %dma_start3A_23 : memref<1x160x128xf32, #tpu.memory_space<vmem>> -> memref<160x128xf32, #tpu.memory_space<vmem>>
    %dma_start3A_25 = arith.constant 0 : i32
    %dma_start3A_26 = tpu.memref_slice %arg2[%mul3A_19, %dma_start3A_25] : memref<100000x128xf32, #tpu.memory_space<hbm>> -> memref<160x128xf32, #tpu.memory_space<hbm>>
    %dma_start3A_27 = tpu.memref_slice %arg8[%dma_start3A_20] : memref<5x!tpu.dma_semaphore, #tpu.memory_space<semaphore_mem>> -> memref<1x!tpu.dma_semaphore, #tpu.memory_space<semaphore_mem>>
    %dma_start3A_28 = tpu.memref_squeeze %dma_start3A_27 : memref<1x!tpu.dma_semaphore, #tpu.memory_space<semaphore_mem>> -> memref<!tpu.dma_semaphore, #tpu.memory_space<semaphore_mem>>
    %dma_start3A_29 = arith.constant 0 : i32
    %dma_start3A_30 = arith.constant 0 : i32
    %dma_start3A_31 = tpu.memref_slice %arg5[%dma_start3A, %dma_start3A_29, %dma_start3A_30] : memref<5x160x128xf32, #tpu.memory_space<vmem>> -> memref<1x160x128xf32, #tpu.memory_space<vmem>>
    %dma_start3A_32 = tpu.memref_squeeze %dma_start3A_31 : memref<1x160x128xf32, #tpu.memory_space<vmem>> -> memref<160x128xf32, #tpu.memory_space<vmem>>
    %dma_start3A_33 = arith.constant 0 : i32
    %dma_start3A_34 = tpu.memref_slice %arg2[%mul3A_19, %dma_start3A_33] : memref<100000x128xf32, #tpu.memory_space<hbm>> -> memref<160x128xf32, #tpu.memory_space<hbm>>
    tpu.enqueue_dma source(%dma_start3A_34 : memref<160x128xf32, #tpu.memory_space<hbm>>) target(%dma_start3A_32 : memref<160x128xf32, #tpu.memory_space<vmem>>) target_semaphore(%dma_start3A_28 : memref<!tpu.dma_semaphore, #tpu.memory_space<semaphore_mem>>)
    %add3A_35 = arith.constant 1 : i32
    %add3A_36 = arith.addi %add3A_4, %add3A_35 : i32
    %mul3A_37 = arith.constant 160 : i32
    %mul3A_38 = arith.muli %add3A_36, %mul3A_37 : i32
    %dma_start3A_39 = arith.constant 1 : i32
    %dma_start3A_40 = arith.constant 1 : i32
    %dma_start3A_41 = arith.constant 0 : i32
    %dma_start3A_42 = arith.constant 0 : i32
    %dma_start3A_43 = tpu.memref_slice %arg5[%dma_start3A_39, %dma_start3A_41, %dma_start3A_42] : memref<5x160x128xf32, #tpu.memory_space<vmem>> -> memref<1x160x128xf32, #tpu.memory_space<vmem>>
    %dma_start3A_44 = tpu.memref_squeeze %dma_start3A_43 : memref<1x160x128xf32, #tpu.memory_space<vmem>> -> memref<160x128xf32, #tpu.memory_space<vmem>>
    %dma_start3A_45 = arith.constant 0 : i32
    %dma_start3A_46 = tpu.memref_slice %arg2[%mul3A_38, %dma_start3A_45] : memref<100000x128xf32, #tpu.memory_space<hbm>> -> memref<160x128xf32, #tpu.memory_space<hbm>>
    %dma_start3A_47 = tpu.memref_slice %arg8[%dma_start3A_40] : memref<5x!tpu.dma_semaphore, #tpu.memory_space<semaphore_mem>> -> memref<1x!tpu.dma_semaphore, #tpu.memory_space<semaphore_mem>>
    %dma_start3A_48 = tpu.memref_squeeze %dma_start3A_47 : memref<1x!tpu.dma_semaphore, #tpu.memory_space<semaphore_mem>> -> memref<!tpu.dma_semaphore, #tpu.memory_space<semaphore_mem>>
    %dma_start3A_49 = arith.constant 0 : i32
    %dma_start3A_50 = arith.constant 0 : i32
    %dma_start3A_51 = tpu.memref_slice %arg5[%dma_start3A_39, %dma_start3A_49, %dma_start3A_50] : memref<5x160x128xf32, #tpu.memory_space<vmem>> -> memref<1x160x128xf32, #tpu.memory_space<vmem>>
    %dma_start3A_52 = tpu.memref_squeeze %dma_start3A_51 : memref<1x160x128xf32, #tpu.memory_space<vmem>> -> memref<160x128xf32, #tpu.memory_space<vmem>>
    %dma_start3A_53 = arith.constant 0 : i32
    %dma_start3A_54 = tpu.memref_slice %arg2[%mul3A_38, %dma_start3A_53] : memref<100000x128xf32, #tpu.memory_space<hbm>> -> memref<160x128xf32, #tpu.memory_space<hbm>>
    tpu.enqueue_dma source(%dma_start3A_54 : memref<160x128xf32, #tpu.memory_space<hbm>>) target(%dma_start3A_52 : memref<160x128xf32, #tpu.memory_space<vmem>>) target_semaphore(%dma_start3A_48 : memref<!tpu.dma_semaphore, #tpu.memory_space<semaphore_mem>>)
    %scan3A = arith.constant 0 : i32
    %scan3A_55 = arith.constant 0 : i32
    %scan3A_56 = arith.constant 65 : i32
    %scan3A_57 = arith.addi %scan3A_55, %scan3A_56 : i32
    %scan3A_58 = arith.constant 1 : i32
    %scan3A_59 = scf.for %scan3A_652 = %scan3A_55 to %scan3A_57 step %scan3A_58 iter_args(%scan3A_653 = %scan3A) -> (i32)  : i32 {
      %broadcast_in_dim3A = arith.constant 0.000000e+00 : f32
      %broadcast_in_dim3A_654 = vector.broadcast %broadcast_in_dim3A : f32 to vector<16xf32>
      %swap3A = arith.constant 4 : i32
      %swap3A_655 = arith.index_cast %swap3A : i32 to index
      %swap3A_656 = arith.index_cast %scan3A_652 : i32 to index
      %swap3A_657 = arith.constant 0 : index
      %swap3A_658 = tpu.vector_load %arg5[%swap3A_655, %swap3A_656, %swap3A_657] {strides = array<i32>} : memref<5x160x128xf32, #tpu.memory_space<vmem>>, vector<1x1x16xf32>,
      %swap3A_659 = vector.shape_cast %swap3A_658 : vector<1x1x16xf32> to vector<16xf32>
      %swap3A_660 = vector.shape_cast %broadcast_in_dim3A_654 : vector<16xf32> to vector<1x1x16xf32>
      tpu.vector_store %arg5[%swap3A_655, %swap3A_656, %swap3A_657], %swap3A_660 {strides = array<i32>} : memref<5x160x128xf32, #tpu.memory_space<vmem>>, vector<1x1x16xf32>,
      %broadcast_in_dim3A_661 = arith.constant 0.000000e+00 : f32
      %broadcast_in_dim3A_662 = vector.broadcast %broadcast_in_dim3A_661 : f32 to vector<16xf32>
      %swap3A_663 = arith.constant 4 : i32
      %swap3A_664 = arith.index_cast %swap3A_663 : i32 to index
      %swap3A_665 = arith.index_cast %scan3A_652 : i32 to index
      %swap3A_666 = arith.constant 16 : index
      %swap3A_667 = tpu.vector_load %arg5[%swap3A_664, %swap3A_665, %swap3A_666] {strides = array<i32>} : memref<5x160x128xf32, #tpu.memory_space<vmem>>, vector<1x1x16xf32>,
      %swap3A_668 = vector.shape_cast %swap3A_667 : vector<1x1x16xf32> to vector<16xf32>
      %swap3A_669 = vector.shape_cast %broadcast_in_dim3A_662 : vector<16xf32> to vector<1x1x16xf32>
      tpu.vector_store %arg5[%swap3A_664, %swap3A_665, %swap3A_666], %swap3A_669 {strides = array<i32>} : memref<5x160x128xf32, #tpu.memory_space<vmem>>, vector<1x1x16xf32>,
      %broadcast_in_dim3A_670 = arith.constant 0.000000e+00 : f32
      %broadcast_in_dim3A_671 = vector.broadcast %broadcast_in_dim3A_670 : f32 to vector<16xf32>
      %swap3A_672 = arith.constant 4 : i32
      %swap3A_673 = arith.index_cast %swap3A_672 : i32 to index
      %swap3A_674 = arith.index_cast %scan3A_652 : i32 to index
      %swap3A_675 = arith.constant 32 : index
      %swap3A_676 = tpu.vector_load %arg5[%swap3A_673, %swap3A_674, %swap3A_675] {strides = array<i32>} : memref<5x160x128xf32, #tpu.memory_space<vmem>>, vector<1x1x16xf32>,
      %swap3A_677 = vector.shape_cast %swap3A_676 : vector<1x1x16xf32> to vector<16xf32>
      %swap3A_678 = vector.shape_cast %broadcast_in_dim3A_671 : vector<16xf32> to vector<1x1x16xf32>
      tpu.vector_store %arg5[%swap3A_673, %swap3A_674, %swap3A_675], %swap3A_678 {strides = array<i32>} : memref<5x160x128xf32, #tpu.memory_space<vmem>>, vector<1x1x16xf32>,
      %broadcast_in_dim3A_679 = arith.constant 0.000000e+00 : f32
      %broadcast_in_dim3A_680 = vector.broadcast %broadcast_in_dim3A_679 : f32 to vector<16xf32>
      %swap3A_681 = arith.constant 4 : i32
      %swap3A_682 = arith.index_cast %swap3A_681 : i32 to index
      %swap3A_683 = arith.index_cast %scan3A_652 : i32 to index
      %swap3A_684 = arith.constant 48 : index
      %swap3A_685 = tpu.vector_load %arg5[%swap3A_682, %swap3A_683, %swap3A_684] {strides = array<i32>} : memref<5x160x128xf32, #tpu.memory_space<vmem>>, vector<1x1x16xf32>,
      %swap3A_686 = vector.shape_cast %swap3A_685 : vector<1x1x16xf32> to vector<16xf32>
      %swap3A_687 = vector.shape_cast %broadcast_in_dim3A_680 : vector<16xf32> to vector<1x1x16xf32>
      tpu.vector_store %arg5[%swap3A_682, %swap3A_683, %swap3A_684], %swap3A_687 {strides = array<i32>} : memref<5x160x128xf32, #tpu.memory_space<vmem>>, vector<1x1x16xf32>,
      %broadcast_in_dim3A_688 = arith.constant 0.000000e+00 : f32
      %broadcast_in_dim3A_689 = vector.broadcast %broadcast_in_dim3A_688 : f32 to vector<16xf32>
      %swap3A_690 = arith.constant 4 : i32
      %swap3A_691 = arith.index_cast %swap3A_690 : i32 to index
      %swap3A_692 = arith.index_cast %scan3A_652 : i32 to index
      %swap3A_693 = arith.constant 64 : index
      %swap3A_694 = tpu.vector_load %arg5[%swap3A_691, %swap3A_692, %swap3A_693] {strides = array<i32>} : memref<5x160x128xf32, #tpu.memory_space<vmem>>, vector<1x1x16xf32>,
      %swap3A_695 = vector.shape_cast %swap3A_694 : vector<1x1x16xf32> to vector<16xf32>
      %swap3A_696 = vector.shape_cast %broadcast_in_dim3A_689 : vector<16xf32> to vector<1x1x16xf32>
      tpu.vector_store %arg5[%swap3A_691, %swap3A_692, %swap3A_693], %swap3A_696 {strides = array<i32>} : memref<5x160x128xf32, #tpu.memory_space<vmem>>, vector<1x1x16xf32>,
      %broadcast_in_dim3A_697 = arith.constant 0.000000e+00 : f32
      %broadcast_in_dim3A_698 = vector.broadcast %broadcast_in_dim3A_697 : f32 to vector<16xf32>
      %swap3A_699 = arith.constant 4 : i32
      %swap3A_700 = arith.index_cast %swap3A_699 : i32 to index
      %swap3A_701 = arith.index_cast %scan3A_652 : i32 to index
      %swap3A_702 = arith.constant 80 : index
      %swap3A_703 = tpu.vector_load %arg5[%swap3A_700, %swap3A_701, %swap3A_702] {strides = array<i32>} : memref<5x160x128xf32, #tpu.memory_space<vmem>>, vector<1x1x16xf32>,
      %swap3A_704 = vector.shape_cast %swap3A_703 : vector<1x1x16xf32> to vector<16xf32>
      %swap3A_705 = vector.shape_cast %broadcast_in_dim3A_698 : vector<16xf32> to vector<1x1x16xf32>
      tpu.vector_store %arg5[%swap3A_700, %swap3A_701, %swap3A_702], %swap3A_705 {strides = array<i32>} : memref<5x160x128xf32, #tpu.memory_space<vmem>>, vector<1x1x16xf32>,
      %broadcast_in_dim3A_706 = arith.constant 0.000000e+00 : f32
      %broadcast_in_dim3A_707 = vector.broadcast %broadcast_in_dim3A_706 : f32 to vector<16xf32>
      %swap3A_708 = arith.constant 4 : i32
      %swap3A_709 = arith.index_cast %swap3A_708 : i32 to index
      %swap3A_710 = arith.index_cast %scan3A_652 : i32 to index
      %swap3A_711 = arith.constant 96 : index
      %swap3A_712 = tpu.vector_load %arg5[%swap3A_709, %swap3A_710, %swap3A_711] {strides = array<i32>} : memref<5x160x128xf32, #tpu.memory_space<vmem>>, vector<1x1x16xf32>,
      %swap3A_713 = vector.shape_cast %swap3A_712 : vector<1x1x16xf32> to vector<16xf32>
      %swap3A_714 = vector.shape_cast %broadcast_in_dim3A_707 : vector<16xf32> to vector<1x1x16xf32>
      tpu.vector_store %arg5[%swap3A_709, %swap3A_710, %swap3A_711], %swap3A_714 {strides = array<i32>} : memref<5x160x128xf32, #tpu.memory_space<vmem>>, vector<1x1x16xf32>,
      %broadcast_in_dim3A_715 = arith.constant 0.000000e+00 : f32
      %broadcast_in_dim3A_716 = vector.broadcast %broadcast_in_dim3A_715 : f32 to vector<16xf32>
      %swap3A_717 = arith.constant 4 : i32
      %swap3A_718 = arith.index_cast %swap3A_717 : i32 to index
      %swap3A_719 = arith.index_cast %scan3A_652 : i32 to index
      %swap3A_720 = arith.constant 112 : index
      %swap3A_721 = tpu.vector_load %arg5[%swap3A_718, %swap3A_719, %swap3A_720] {strides = array<i32>} : memref<5x160x128xf32, #tpu.memory_space<vmem>>, vector<1x1x16xf32>,
      %swap3A_722 = vector.shape_cast %swap3A_721 : vector<1x1x16xf32> to vector<16xf32>
      %swap3A_723 = vector.shape_cast %broadcast_in_dim3A_716 : vector<16xf32> to vector<1x1x16xf32>
      tpu.vector_store %arg5[%swap3A_718, %swap3A_719, %swap3A_720], %swap3A_723 {strides = array<i32>} : memref<5x160x128xf32, #tpu.memory_space<vmem>>, vector<1x1x16xf32>,
      %scan3A_724 = arith.constant 0 : i32
      scf.yield %scan3A_724 : i32
    }
    %scan3A_60 = arith.constant 65 : i32
    %mul3A_61 = arith.constant 65 : i32
    %mul3A_62 = arith.muli %arg1, %mul3A_61 : i32
    %run_scoped3A = arith.constant 4 : i32
    "tpu.region"() ({
      %run_scoped3A_652 = tpu.sem_alloc : memref<!tpu.dma_semaphore, #tpu.memory_space<semaphore_mem>>
      %dma_start3A_653 = arith.constant 0 : i32
      %dma_start3A_654 = arith.constant 0 : i32
      %dma_start3A_655 = tpu.memref_slice %arg5[%run_scoped3A, %dma_start3A_653, %dma_start3A_654] : memref<5x160x128xf32, #tpu.memory_space<vmem>> -> memref<1x65x128xf32, #tpu.memory_space<vmem>>
      %dma_start3A_656 = tpu.memref_squeeze %dma_start3A_655 : memref<1x65x128xf32, #tpu.memory_space<vmem>> -> memref<65x128xf32, #tpu.memory_space<vmem>>
      %dma_start3A_657 = arith.constant 0 : i32
      %dma_start3A_658 = tpu.memref_slice %arg7[%mul3A_62, %dma_start3A_657] : memref<1040x128xf32, #tpu.memory_space<vmem_shared>> -> memref<65x128xf32, #tpu.memory_space<vmem_shared>>
      %dma_start3A_659 = arith.constant 0 : i32
      %dma_start3A_660 = tpu.memref_slice %arg7[%mul3A_62, %dma_start3A_659] : memref<1040x128xf32, #tpu.memory_space<vmem_shared>> -> memref<65x128xf32, #tpu.memory_space<vmem_shared>>
      %dma_start3A_661 = arith.constant 0 : i32
      %dma_start3A_662 = arith.constant 0 : i32
      %dma_start3A_663 = tpu.memref_slice %arg5[%run_scoped3A, %dma_start3A_661, %dma_start3A_662] : memref<5x160x128xf32, #tpu.memory_space<vmem>> -> memref<1x65x128xf32, #tpu.memory_space<vmem>>
      %dma_start3A_664 = tpu.memref_squeeze %dma_start3A_663 : memref<1x65x128xf32, #tpu.memory_space<vmem>> -> memref<65x128xf32, #tpu.memory_space<vmem>>
      tpu.enqueue_dma source(%dma_start3A_664 : memref<65x128xf32, #tpu.memory_space<vmem>>) target(%dma_start3A_660 : memref<65x128xf32, #tpu.memory_space<vmem_shared>>) target_semaphore(%run_scoped3A_652 : memref<!tpu.dma_semaphore, #tpu.memory_space<semaphore_mem>>)
      %dma_wait3A_665 = arith.constant 0 : i32
      %dma_wait3A_666 = arith.constant 0 : i32
      %dma_wait3A_667 = tpu.memref_slice %arg5[%run_scoped3A, %dma_wait3A_665, %dma_wait3A_666] : memref<5x160x128xf32, #tpu.memory_space<vmem>> -> memref<1x65x128xf32, #tpu.memory_space<vmem>>
      %dma_wait3A_668 = tpu.memref_squeeze %dma_wait3A_667 : memref<1x65x128xf32, #tpu.memory_space<vmem>> -> memref<65x128xf32, #tpu.memory_space<vmem>>
      %dma_wait3A_669 = arith.constant 0 : i32
      %dma_wait3A_670 = tpu.memref_slice %arg7[%mul3A_62, %dma_wait3A_669] : memref<1040x128xf32, #tpu.memory_space<vmem_shared>> -> memref<65x128xf32, #tpu.memory_space<vmem_shared>>
      %dma_wait3A_671 = arith.constant 0 : i32
      %dma_wait3A_672 = tpu.memref_slice %arg7[%mul3A_62, %dma_wait3A_671] : memref<1040x128xf32, #tpu.memory_space<vmem_shared>> -> memref<65x128xf32, #tpu.memory_space<vmem_shared>>
      %dma_wait3A_673 = arith.constant 0 : i32
      %dma_wait3A_674 = arith.constant 0 : i32
      %dma_wait3A_675 = tpu.memref_slice %arg5[%run_scoped3A, %dma_wait3A_673, %dma_wait3A_674] : memref<5x160x128xf32, #tpu.memory_space<vmem>> -> memref<1x65x128xf32, #tpu.memory_space<vmem>>
      %dma_wait3A_676 = tpu.memref_squeeze %dma_wait3A_675 : memref<1x65x128xf32, #tpu.memory_space<vmem>> -> memref<65x128xf32, #tpu.memory_space<vmem>>
      tpu.wait_dma2 semaphore(%run_scoped3A_652 : memref<!tpu.dma_semaphore, #tpu.memory_space<semaphore_mem>>) src(%dma_wait3A_676 : memref<65x128xf32, #tpu.memory_space<vmem>>) dst(%dma_wait3A_672 : memref<65x128xf32, #tpu.memory_space<vmem_shared>>)
      tpu.yield
    }) : () -> ()
    %barrier3A = arith.constant 0 : index
    tpu.barrier barrier_id(%barrier3A)
    %lt3A_63 = arith.constant 31 : i32
    %lt3A_64 = arith.cmpi slt, %add3A, %lt3A_63 : i32
    %convert_element_type3A_65 = arith.extui %lt3A_64 : i1 to i32
    %cond3A_66 = arith.constant 0 : i32
    %cond3A_67 = arith.cmpi ne, %convert_element_type3A_65, %cond3A_66 : i32
    scf.if %cond3A_67 {
      %dma_wait3A_652 = tpu.memref_slice %arg3[%mul3A_10] : memref<100000xi32, #tpu.memory_space<hbm>> -> memref<3200xi32, #tpu.memory_space<hbm>>
      %dma_wait3A_653 = tpu.memref_slice %arg3[%mul3A_10] : memref<100000xi32, #tpu.memory_space<hbm>> -> memref<3200xi32, #tpu.memory_space<hbm>>
      tpu.wait_dma2 semaphore(%arg10 : memref<!tpu.dma_semaphore, #tpu.memory_space<semaphore_mem>>) src(%dma_wait3A_653 : memref<3200xi32, #tpu.memory_space<hbm>>) dst(%arg6 : memref<3200xi32, #tpu.memory_space<vmem>>)
    } else {
    }
    %eq3A_68 = arith.constant 31 : i32
    %eq3A_69 = arith.cmpi eq, %add3A, %eq3A_68 : i32
    %convert_element_type3A_70 = arith.extui %eq3A_69 : i1 to i32
    %cond3A_71 = arith.constant 0 : i32
    %cond3A_72 = arith.cmpi ne, %convert_element_type3A_70, %cond3A_71 : i32
    scf.if %cond3A_72 {
      %dma_wait3A_652 = arith.constant 0 : i32
      %dma_wait3A_653 = tpu.memref_slice %arg6[%dma_wait3A_652] : memref<3200xi32, #tpu.memory_space<vmem>> -> memref<3040xi32, #tpu.memory_space<vmem>>
      %dma_wait3A_654 = tpu.memref_slice %arg3[%mul3A_10] : memref<100000xi32, #tpu.memory_space<hbm>> -> memref<3040xi32, #tpu.memory_space<hbm>>
      %dma_wait3A_655 = arith.constant 0 : i32
      %dma_wait3A_656 = tpu.memref_slice %arg6[%dma_wait3A_655] : memref<3200xi32, #tpu.memory_space<vmem>> -> memref<3040xi32, #tpu.memory_space<vmem>>
      %dma_wait3A_657 = tpu.memref_slice %arg3[%mul3A_10] : memref<100000xi32, #tpu.memory_space<hbm>> -> memref<3040xi32, #tpu.memory_space<hbm>>
      tpu.wait_dma2 semaphore(%arg10 : memref<!tpu.dma_semaphore, #tpu.memory_space<semaphore_mem>>) src(%dma_wait3A_657 : memref<3040xi32, #tpu.memory_space<hbm>>) dst(%dma_wait3A_656 : memref<3040xi32, #tpu.memory_space<vmem>>)
    } else {
    }
    %while3A = arith.constant 0 : i32
    %while3A_73 = arith.constant 0 : i32
    %while3A_74 = arith.subi %add3A_8, %while3A : i32
    %while3A_75 = arith.addi %while3A, %while3A_74 : i32
    %while3A_76 = arith.constant 1 : i32
    %while3A_77 = arith.divsi %while3A_74, %while3A_76 : i32
    %while3A_78 = arith.muli %while3A_77, %while3A_76 : i32
    %while3A_79 = arith.addi %while3A, %while3A_78 : i32
    %while3A_80 = arith.constant 1 : i32
    %while3A_81 = scf.for %while3A_652 = %while3A to %while3A_79 step %while3A_80 iter_args(%while3A_653 = %while3A_73) -> (i32)  : i32 {
      %rem3A = arith.constant 5 : i32
      %rem3A_654 = arith.remsi %while3A_652, %rem3A : i32
      %add3A_655 = arith.addi %add3A_4, %while3A_652 : i32
      %mul3A_656 = arith.constant 160 : i32
      %mul3A_657 = arith.muli %add3A_655, %mul3A_656 : i32
      %dma_wait3A_658 = arith.constant 0 : i32
      %dma_wait3A_659 = arith.constant 0 : i32
      %dma_wait3A_660 = tpu.memref_slice %arg5[%rem3A_654, %dma_wait3A_658, %dma_wait3A_659] : memref<5x160x128xf32, #tpu.memory_space<vmem>> -> memref<1x160x128xf32, #tpu.memory_space<vmem>>
      %dma_wait3A_661 = tpu.memref_squeeze %dma_wait3A_660 : memref<1x160x128xf32, #tpu.memory_space<vmem>> -> memref<160x128xf32, #tpu.memory_space<vmem>>
      %dma_wait3A_662 = arith.constant 0 : i32
      %dma_wait3A_663 = tpu.memref_slice %arg2[%mul3A_657, %dma_wait3A_662] : memref<100000x128xf32, #tpu.memory_space<hbm>> -> memref<160x128xf32, #tpu.memory_space<hbm>>
      %dma_wait3A_664 = tpu.memref_slice %arg8[%rem3A_654] : memref<5x!tpu.dma_semaphore, #tpu.memory_space<semaphore_mem>> -> memref<1x!tpu.dma_semaphore, #tpu.memory_space<semaphore_mem>>
      %dma_wait3A_665 = tpu.memref_squeeze %dma_wait3A_664 : memref<1x!tpu.dma_semaphore, #tpu.memory_space<semaphore_mem>> -> memref<!tpu.dma_semaphore, #tpu.memory_space<semaphore_mem>>
      %dma_wait3A_666 = arith.constant 0 : i32
      %dma_wait3A_667 = arith.constant 0 : i32
      %dma_wait3A_668 = tpu.memref_slice %arg5[%rem3A_654, %dma_wait3A_666, %dma_wait3A_667] : memref<5x160x128xf32, #tpu.memory_space<vmem>> -> memref<1x160x128xf32, #tpu.memory_space<vmem>>
      %dma_wait3A_669 = tpu.memref_squeeze %dma_wait3A_668 : memref<1x160x128xf32, #tpu.memory_space<vmem>> -> memref<160x128xf32, #tpu.memory_space<vmem>>
      %dma_wait3A_670 = arith.constant 0 : i32
      %dma_wait3A_671 = tpu.memref_slice %arg2[%mul3A_657, %dma_wait3A_670] : memref<100000x128xf32, #tpu.memory_space<hbm>> -> memref<160x128xf32, #tpu.memory_space<hbm>>
      tpu.wait_dma2 semaphore(%dma_wait3A_665 : memref<!tpu.dma_semaphore, #tpu.memory_space<semaphore_mem>>) src(%dma_wait3A_671 : memref<160x128xf32, #tpu.memory_space<hbm>>) dst(%dma_wait3A_669 : memref<160x128xf32, #tpu.memory_space<vmem>>)
      %mul3A_672 = arith.constant 160 : i32
      %mul3A_673 = arith.muli %while3A_652, %mul3A_672 : i32
      %add3A_674 = arith.constant 0 : i32
      %add3A_675 = arith.addi %mul3A_673, %add3A_674 : i32
      %get3A_676 = arith.index_cast %add3A_675 : i32 to index
      %get3A_677 = tpu.vector_load %arg6[%get3A_676] {strides = array<i32>} : memref<3200xi32, #tpu.memory_space<vmem>>, vector<16xi32>,
      %get3A_678 = vector.shape_cast %get3A_677 : vector<16xi32> to vector<16xi32>
      %dma_start3A_679 = arith.constant 0 : i32
      %dma_start3A_680 = arith.constant 0 : i32
      %dma_start3A_681 = tpu.memref_slice %arg5[%rem3A_654, %dma_start3A_679, %dma_start3A_680] : memref<5x160x128xf32, #tpu.memory_space<vmem>> -> memref<1x16x128xf32, #tpu.memory_space<vmem>>
      %dma_start3A_682 = tpu.memref_squeeze %dma_start3A_681 : memref<1x16x128xf32, #tpu.memory_space<vmem>> -> memref<16x128xf32, #tpu.memory_space<vmem>>
      %dma_start3A_683 = arith.constant 0 : i32
      %dma_start3A_684 = arith.constant 0 : i32
      %dma_start3A_685 = tpu.memref_slice %arg7[%dma_start3A_683, %dma_start3A_684] : memref<1040x128xf32, #tpu.memory_space<vmem_shared>> -> memref<1040x128xf32, #tpu.memory_space<vmem_shared>>
      %dma_start3A_686 = tpu.memref_slice %arg9[%rem3A_654] : memref<5x!tpu.dma_semaphore, #tpu.memory_space<semaphore_mem>> -> memref<1x!tpu.dma_semaphore, #tpu.memory_space<semaphore_mem>>
      %dma_start3A_687 = tpu.memref_squeeze %dma_start3A_686 : memref<1x!tpu.dma_semaphore, #tpu.memory_space<semaphore_mem>> -> memref<!tpu.dma_semaphore, #tpu.memory_space<semaphore_mem>>
      tpu.enqueue_indirect_dma source(%dma_start3A_682 : memref<16x128xf32, #tpu.memory_space<vmem>>) target(%dma_start3A_685 : memref<1040x128xf32, #tpu.memory_space<vmem_shared>>) offsets(%get3A_678 : vector<16xi32>) semaphore(%dma_start3A_687 : memref<!tpu.dma_semaphore, #tpu.memory_space<semaphore_mem>>) {add = true}
      %mul3A_688 = arith.constant 160 : i32
      %mul3A_689 = arith.muli %while3A_652, %mul3A_688 : i32
      %add3A_690 = arith.constant 16 : i32
      %add3A_691 = arith.addi %mul3A_689, %add3A_690 : i32
      %get3A_692 = arith.index_cast %add3A_691 : i32 to index
      %get3A_693 = tpu.vector_load %arg6[%get3A_692] {strides = array<i32>} : memref<3200xi32, #tpu.memory_space<vmem>>, vector<16xi32>,
      %get3A_694 = vector.shape_cast %get3A_693 : vector<16xi32> to vector<16xi32>
      %dma_start3A_695 = arith.constant 16 : i32
      %dma_start3A_696 = arith.constant 0 : i32
      %dma_start3A_697 = tpu.memref_slice %arg5[%rem3A_654, %dma_start3A_695, %dma_start3A_696] : memref<5x160x128xf32, #tpu.memory_space<vmem>> -> memref<1x16x128xf32, #tpu.memory_space<vmem>>
      %dma_start3A_698 = tpu.memref_squeeze %dma_start3A_697 : memref<1x16x128xf32, #tpu.memory_space<vmem>> -> memref<16x128xf32, #tpu.memory_space<vmem>>
      %dma_start3A_699 = arith.constant 0 : i32
      %dma_start3A_700 = arith.constant 0 : i32
      %dma_start3A_701 = tpu.memref_slice %arg7[%dma_start3A_699, %dma_start3A_700] : memref<1040x128xf32, #tpu.memory_space<vmem_shared>> -> memref<1040x128xf32, #tpu.memory_space<vmem_shared>>
      %dma_start3A_702 = tpu.memref_slice %arg9[%rem3A_654] : memref<5x!tpu.dma_semaphore, #tpu.memory_space<semaphore_mem>> -> memref<1x!tpu.dma_semaphore, #tpu.memory_space<semaphore_mem>>
      %dma_start3A_703 = tpu.memref_squeeze %dma_start3A_702 : memref<1x!tpu.dma_semaphore, #tpu.memory_space<semaphore_mem>> -> memref<!tpu.dma_semaphore, #tpu.memory_space<semaphore_mem>>
      tpu.enqueue_indirect_dma source(%dma_start3A_698 : memref<16x128xf32, #tpu.memory_space<vmem>>) target(%dma_start3A_701 : memref<1040x128xf32, #tpu.memory_space<vmem_shared>>) offsets(%get3A_694 : vector<16xi32>) semaphore(%dma_start3A_703 : memref<!tpu.dma_semaphore, #tpu.memory_space<semaphore_mem>>) {add = true}
      %mul3A_704 = arith.constant 160 : i32
      %mul3A_705 = arith.muli %while3A_652, %mul3A_704 : i32
      %add3A_706 = arith.constant 32 : i32
      %add3A_707 = arith.addi %mul3A_705, %add3A_706 : i32
      %get3A_708 = arith.index_cast %add3A_707 : i32 to index
      %get3A_709 = tpu.vector_load %arg6[%get3A_708] {strides = array<i32>} : memref<3200xi32, #tpu.memory_space<vmem>>, vector<16xi32>,
      %get3A_710 = vector.shape_cast %get3A_709 : vector<16xi32> to vector<16xi32>
      %dma_start3A_711 = arith.constant 32 : i32
      %dma_start3A_712 = arith.constant 0 : i32
      %dma_start3A_713 = tpu.memref_slice %arg5[%rem3A_654, %dma_start3A_711, %dma_start3A_712] : memref<5x160x128xf32, #tpu.memory_space<vmem>> -> memref<1x16x128xf32, #tpu.memory_space<vmem>>
      %dma_start3A_714 = tpu.memref_squeeze %dma_start3A_713 : memref<1x16x128xf32, #tpu.memory_space<vmem>> -> memref<16x128xf32, #tpu.memory_space<vmem>>
      %dma_start3A_715 = arith.constant 0 : i32
      %dma_start3A_716 = arith.constant 0 : i32
      %dma_start3A_717 = tpu.memref_slice %arg7[%dma_start3A_715, %dma_start3A_716] : memref<1040x128xf32, #tpu.memory_space<vmem_shared>> -> memref<1040x128xf32, #tpu.memory_space<vmem_shared>>
      %dma_start3A_718 = tpu.memref_slice %arg9[%rem3A_654] : memref<5x!tpu.dma_semaphore, #tpu.memory_space<semaphore_mem>> -> memref<1x!tpu.dma_semaphore, #tpu.memory_space<semaphore_mem>>
      %dma_start3A_719 = tpu.memref_squeeze %dma_start3A_718 : memref<1x!tpu.dma_semaphore, #tpu.memory_space<semaphore_mem>> -> memref<!tpu.dma_semaphore, #tpu.memory_space<semaphore_mem>>
      tpu.enqueue_indirect_dma source(%dma_start3A_714 : memref<16x128xf32, #tpu.memory_space<vmem>>) target(%dma_start3A_717 : memref<1040x128xf32, #tpu.memory_space<vmem_shared>>) offsets(%get3A_710 : vector<16xi32>) semaphore(%dma_start3A_719 : memref<!tpu.dma_semaphore, #tpu.memory_space<semaphore_mem>>) {add = true}
      %mul3A_720 = arith.constant 160 : i32
      %mul3A_721 = arith.muli %while3A_652, %mul3A_720 : i32
      %add3A_722 = arith.constant 48 : i32
      %add3A_723 = arith.addi %mul3A_721, %add3A_722 : i32
      %get3A_724 = arith.index_cast %add3A_723 : i32 to index
      %get3A_725 = tpu.vector_load %arg6[%get3A_724] {strides = array<i32>} : memref<3200xi32, #tpu.memory_space<vmem>>, vector<16xi32>,
      %get3A_726 = vector.shape_cast %get3A_725 : vector<16xi32> to vector<16xi32>
      %dma_start3A_727 = arith.constant 48 : i32
      %dma_start3A_728 = arith.constant 0 : i32
      %dma_start3A_729 = tpu.memref_slice %arg5[%rem3A_654, %dma_start3A_727, %dma_start3A_728] : memref<5x160x128xf32, #tpu.memory_space<vmem>> -> memref<1x16x128xf32, #tpu.memory_space<vmem>>
      %dma_start3A_730 = tpu.memref_squeeze %dma_start3A_729 : memref<1x16x128xf32, #tpu.memory_space<vmem>> -> memref<16x128xf32, #tpu.memory_space<vmem>>
      %dma_start3A_731 = arith.constant 0 : i32
      %dma_start3A_732 = arith.constant 0 : i32
      %dma_start3A_733 = tpu.memref_slice %arg7[%dma_start3A_731, %dma_start3A_732] : memref<1040x128xf32, #tpu.memory_space<vmem_shared>> -> memref<1040x128xf32, #tpu.memory_space<vmem_shared>>
      %dma_start3A_734 = tpu.memref_slice %arg9[%rem3A_654] : memref<5x!tpu.dma_semaphore, #tpu.memory_space<semaphore_mem>> -> memref<1x!tpu.dma_semaphore, #tpu.memory_space<semaphore_mem>>
      %dma_start3A_735 = tpu.memref_squeeze %dma_start3A_734 : memref<1x!tpu.dma_semaphore, #tpu.memory_space<semaphore_mem>> -> memref<!tpu.dma_semaphore, #tpu.memory_space<semaphore_mem>>
      tpu.enqueue_indirect_dma source(%dma_start3A_730 : memref<16x128xf32, #tpu.memory_space<vmem>>) target(%dma_start3A_733 : memref<1040x128xf32, #tpu.memory_space<vmem_shared>>) offsets(%get3A_726 : vector<16xi32>) semaphore(%dma_start3A_735 : memref<!tpu.dma_semaphore, #tpu.memory_space<semaphore_mem>>) {add = true}
      %mul3A_736 = arith.constant 160 : i32
      %mul3A_737 = arith.muli %while3A_652, %mul3A_736 : i32
      %add3A_738 = arith.constant 64 : i32
      %add3A_739 = arith.addi %mul3A_737, %add3A_738 : i32
      %get3A_740 = arith.index_cast %add3A_739 : i32 to index
      %get3A_741 = tpu.vector_load %arg6[%get3A_740] {strides = array<i32>} : memref<3200xi32, #tpu.memory_space<vmem>>, vector<16xi32>,
      %get3A_742 = vector.shape_cast %get3A_741 : vector<16xi32> to vector<16xi32>
      %dma_start3A_743 = arith.constant 64 : i32
      %dma_start3A_744 = arith.constant 0 : i32
      %dma_start3A_745 = tpu.memref_slice %arg5[%rem3A_654, %dma_start3A_743, %dma_start3A_744] : memref<5x160x128xf32, #tpu.memory_space<vmem>> -> memref<1x16x128xf32, #tpu.memory_space<vmem>>
      %dma_start3A_746 = tpu.memref_squeeze %dma_start3A_745 : memref<1x16x128xf32, #tpu.memory_space<vmem>> -> memref<16x128xf32, #tpu.memory_space<vmem>>
      %dma_start3A_747 = arith.constant 0 : i32
      %dma_start3A_748 = arith.constant 0 : i32
      %dma_start3A_749 = tpu.memref_slice %arg7[%dma_start3A_747, %dma_start3A_748] : memref<1040x128xf32, #tpu.memory_space<vmem_shared>> -> memref<1040x128xf32, #tpu.memory_space<vmem_shared>>
      %dma_start3A_750 = tpu.memref_slice %arg9[%rem3A_654] : memref<5x!tpu.dma_semaphore, #tpu.memory_space<semaphore_mem>> -> memref<1x!tpu.dma_semaphore, #tpu.memory_space<semaphore_mem>>
      %dma_start3A_751 = tpu.memref_squeeze %dma_start3A_750 : memref<1x!tpu.dma_semaphore, #tpu.memory_space<semaphore_mem>> -> memref<!tpu.dma_semaphore, #tpu.memory_space<semaphore_mem>>
      tpu.enqueue_indirect_dma source(%dma_start3A_746 : memref<16x128xf32, #tpu.memory_space<vmem>>) target(%dma_start3A_749 : memref<1040x128xf32, #tpu.memory_space<vmem_shared>>) offsets(%get3A_742 : vector<16xi32>) semaphore(%dma_start3A_751 : memref<!tpu.dma_semaphore, #tpu.memory_space<semaphore_mem>>) {add = true}
      %mul3A_752 = arith.constant 160 : i32
      %mul3A_753 = arith.muli %while3A_652, %mul3A_752 : i32
      %add3A_754 = arith.constant 80 : i32
      %add3A_755 = arith.addi %mul3A_753, %add3A_754 : i32
      %get3A_756 = arith.index_cast %add3A_755 : i32 to index
      %get3A_757 = tpu.vector_load %arg6[%get3A_756] {strides = array<i32>} : memref<3200xi32, #tpu.memory_space<vmem>>, vector<16xi32>,
      %get3A_758 = vector.shape_cast %get3A_757 : vector<16xi32> to vector<16xi32>
      %dma_start3A_759 = arith.constant 80 : i32
      %dma_start3A_760 = arith.constant 0 : i32
      %dma_start3A_761 = tpu.memref_slice %arg5[%rem3A_654, %dma_start3A_759, %dma_start3A_760] : memref<5x160x128xf32, #tpu.memory_space<vmem>> -> memref<1x16x128xf32, #tpu.memory_space<vmem>>
      %dma_start3A_762 = tpu.memref_squeeze %dma_start3A_761 : memref<1x16x128xf32, #tpu.memory_space<vmem>> -> memref<16x128xf32, #tpu.memory_space<vmem>>
      %dma_start3A_763 = arith.constant 0 : i32
      %dma_start3A_764 = arith.constant 0 : i32
      %dma_start3A_765 = tpu.memref_slice %arg7[%dma_start3A_763, %dma_start3A_764] : memref<1040x128xf32, #tpu.memory_space<vmem_shared>> -> memref<1040x128xf32, #tpu.memory_space<vmem_shared>>
      %dma_start3A_766 = tpu.memref_slice %arg9[%rem3A_654] : memref<5x!tpu.dma_semaphore, #tpu.memory_space<semaphore_mem>> -> memref<1x!tpu.dma_semaphore, #tpu.memory_space<semaphore_mem>>
      %dma_start3A_767 = tpu.memref_squeeze %dma_start3A_766 : memref<1x!tpu.dma_semaphore, #tpu.memory_space<semaphore_mem>> -> memref<!tpu.dma_semaphore, #tpu.memory_space<semaphore_mem>>
      tpu.enqueue_indirect_dma source(%dma_start3A_762 : memref<16x128xf32, #tpu.memory_space<vmem>>) target(%dma_start3A_765 : memref<1040x128xf32, #tpu.memory_space<vmem_shared>>) offsets(%get3A_758 : vector<16xi32>) semaphore(%dma_start3A_767 : memref<!tpu.dma_semaphore, #tpu.memory_space<semaphore_mem>>) {add = true}
      %mul3A_768 = arith.constant 160 : i32
      %mul3A_769 = arith.muli %while3A_652, %mul3A_768 : i32
      %add3A_770 = arith.constant 96 : i32
      %add3A_771 = arith.addi %mul3A_769, %add3A_770 : i32
      %get3A_772 = arith.index_cast %add3A_771 : i32 to index
      %get3A_773 = tpu.vector_load %arg6[%get3A_772] {strides = array<i32>} : memref<3200xi32, #tpu.memory_space<vmem>>, vector<16xi32>,
      %get3A_774 = vector.shape_cast %get3A_773 : vector<16xi32> to vector<16xi32>
      %dma_start3A_775 = arith.constant 96 : i32
      %dma_start3A_776 = arith.constant 0 : i32
      %dma_start3A_777 = tpu.memref_slice %arg5[%rem3A_654, %dma_start3A_775, %dma_start3A_776] : memref<5x160x128xf32, #tpu.memory_space<vmem>> -> memref<1x16x128xf32, #tpu.memory_space<vmem>>
      %dma_start3A_778 = tpu.memref_squeeze %dma_start3A_777 : memref<1x16x128xf32, #tpu.memory_space<vmem>> -> memref<16x128xf32, #tpu.memory_space<vmem>>
      %dma_start3A_779 = arith.constant 0 : i32
      %dma_start3A_780 = arith.constant 0 : i32
      %dma_start3A_781 = tpu.memref_slice %arg7[%dma_start3A_779, %dma_start3A_780] : memref<1040x128xf32, #tpu.memory_space<vmem_shared>> -> memref<1040x128xf32, #tpu.memory_space<vmem_shared>>
      %dma_start3A_782 = tpu.memref_slice %arg9[%rem3A_654] : memref<5x!tpu.dma_semaphore, #tpu.memory_space<semaphore_mem>> -> memref<1x!tpu.dma_semaphore, #tpu.memory_space<semaphore_mem>>
      %dma_start3A_783 = tpu.memref_squeeze %dma_start3A_782 : memref<1x!tpu.dma_semaphore, #tpu.memory_space<semaphore_mem>> -> memref<!tpu.dma_semaphore, #tpu.memory_space<semaphore_mem>>
      tpu.enqueue_indirect_dma source(%dma_start3A_778 : memref<16x128xf32, #tpu.memory_space<vmem>>) target(%dma_start3A_781 : memref<1040x128xf32, #tpu.memory_space<vmem_shared>>) offsets(%get3A_774 : vector<16xi32>) semaphore(%dma_start3A_783 : memref<!tpu.dma_semaphore, #tpu.memory_space<semaphore_mem>>) {add = true}
      %mul3A_784 = arith.constant 160 : i32
      %mul3A_785 = arith.muli %while3A_652, %mul3A_784 : i32
      %add3A_786 = arith.constant 112 : i32
      %add3A_787 = arith.addi %mul3A_785, %add3A_786 : i32
      %get3A_788 = arith.index_cast %add3A_787 : i32 to index
      %get3A_789 = tpu.vector_load %arg6[%get3A_788] {strides = array<i32>} : memref<3200xi32, #tpu.memory_space<vmem>>, vector<16xi32>,
      %get3A_790 = vector.shape_cast %get3A_789 : vector<16xi32> to vector<16xi32>
      %dma_start3A_791 = arith.constant 112 : i32
      %dma_start3A_792 = arith.constant 0 : i32
      %dma_start3A_793 = tpu.memref_slice %arg5[%rem3A_654, %dma_start3A_791, %dma_start3A_792] : memref<5x160x128xf32, #tpu.memory_space<vmem>> -> memref<1x16x128xf32, #tpu.memory_space<vmem>>
      %dma_start3A_794 = tpu.memref_squeeze %dma_start3A_793 : memref<1x16x128xf32, #tpu.memory_space<vmem>> -> memref<16x128xf32, #tpu.memory_space<vmem>>
      %dma_start3A_795 = arith.constant 0 : i32
      %dma_start3A_796 = arith.constant 0 : i32
      %dma_start3A_797 = tpu.memref_slice %arg7[%dma_start3A_795, %dma_start3A_796] : memref<1040x128xf32, #tpu.memory_space<vmem_shared>> -> memref<1040x128xf32, #tpu.memory_space<vmem_shared>>
      %dma_start3A_798 = tpu.memref_slice %arg9[%rem3A_654] : memref<5x!tpu.dma_semaphore, #tpu.memory_space<semaphore_mem>> -> memref<1x!tpu.dma_semaphore, #tpu.memory_space<semaphore_mem>>
      %dma_start3A_799 = tpu.memref_squeeze %dma_start3A_798 : memref<1x!tpu.dma_semaphore, #tpu.memory_space<semaphore_mem>> -> memref<!tpu.dma_semaphore, #tpu.memory_space<semaphore_mem>>
      tpu.enqueue_indirect_dma source(%dma_start3A_794 : memref<16x128xf32, #tpu.memory_space<vmem>>) target(%dma_start3A_797 : memref<1040x128xf32, #tpu.memory_space<vmem_shared>>) offsets(%get3A_790 : vector<16xi32>) semaphore(%dma_start3A_799 : memref<!tpu.dma_semaphore, #tpu.memory_space<semaphore_mem>>) {add = true}
      %mul3A_800 = arith.constant 160 : i32
      %mul3A_801 = arith.muli %while3A_652, %mul3A_800 : i32
      %add3A_802 = arith.constant 128 : i32
      %add3A_803 = arith.addi %mul3A_801, %add3A_802 : i32
      %get3A_804 = arith.index_cast %add3A_803 : i32 to index
      %get3A_805 = tpu.vector_load %arg6[%get3A_804] {strides = array<i32>} : memref<3200xi32, #tpu.memory_space<vmem>>, vector<16xi32>,
      %get3A_806 = vector.shape_cast %get3A_805 : vector<16xi32> to vector<16xi32>
      %dma_start3A_807 = arith.constant 128 : i32
      %dma_start3A_808 = arith.constant 0 : i32
      %dma_start3A_809 = tpu.memref_slice %arg5[%rem3A_654, %dma_start3A_807, %dma_start3A_808] : memref<5x160x128xf32, #tpu.memory_space<vmem>> -> memref<1x16x128xf32, #tpu.memory_space<vmem>>
      %dma_start3A_810 = tpu.memref_squeeze %dma_start3A_809 : memref<1x16x128xf32, #tpu.memory_space<vmem>> -> memref<16x128xf32, #tpu.memory_space<vmem>>
      %dma_start3A_811 = arith.constant 0 : i32
      %dma_start3A_812 = arith.constant 0 : i32
      %dma_start3A_813 = tpu.memref_slice %arg7[%dma_start3A_811, %dma_start3A_812] : memref<1040x128xf32, #tpu.memory_space<vmem_shared>> -> memref<1040x128xf32, #tpu.memory_space<vmem_shared>>
      %dma_start3A_814 = tpu.memref_slice %arg9[%rem3A_654] : memref<5x!tpu.dma_semaphore, #tpu.memory_space<semaphore_mem>> -> memref<1x!tpu.dma_semaphore, #tpu.memory_space<semaphore_mem>>
      %dma_start3A_815 = tpu.memref_squeeze %dma_start3A_814 : memref<1x!tpu.dma_semaphore, #tpu.memory_space<semaphore_mem>> -> memref<!tpu.dma_semaphore, #tpu.memory_space<semaphore_mem>>
      tpu.enqueue_indirect_dma source(%dma_start3A_810 : memref<16x128xf32, #tpu.memory_space<vmem>>) target(%dma_start3A_813 : memref<1040x128xf32, #tpu.memory_space<vmem_shared>>) offsets(%get3A_806 : vector<16xi32>) semaphore(%dma_start3A_815 : memref<!tpu.dma_semaphore, #tpu.memory_space<semaphore_mem>>) {add = true}
      %mul3A_816 = arith.constant 160 : i32
      %mul3A_817 = arith.muli %while3A_652, %mul3A_816 : i32
      %add3A_818 = arith.constant 144 : i32
      %add3A_819 = arith.addi %mul3A_817, %add3A_818 : i32
      %get3A_820 = arith.index_cast %add3A_819 : i32 to index
      %get3A_821 = tpu.vector_load %arg6[%get3A_820] {strides = array<i32>} : memref<3200xi32, #tpu.memory_space<vmem>>, vector<16xi32>,
      %get3A_822 = vector.shape_cast %get3A_821 : vector<16xi32> to vector<16xi32>
      %dma_start3A_823 = arith.constant 144 : i32
      %dma_start3A_824 = arith.constant 0 : i32
      %dma_start3A_825 = tpu.memref_slice %arg5[%rem3A_654, %dma_start3A_823, %dma_start3A_824] : memref<5x160x128xf32, #tpu.memory_space<vmem>> -> memref<1x16x128xf32, #tpu.memory_space<vmem>>
      %dma_start3A_826 = tpu.memref_squeeze %dma_start3A_825 : memref<1x16x128xf32, #tpu.memory_space<vmem>> -> memref<16x128xf32, #tpu.memory_space<vmem>>
      %dma_start3A_827 = arith.constant 0 : i32
      %dma_start3A_828 = arith.constant 0 : i32
      %dma_start3A_829 = tpu.memref_slice %arg7[%dma_start3A_827, %dma_start3A_828] : memref<1040x128xf32, #tpu.memory_space<vmem_shared>> -> memref<1040x128xf32, #tpu.memory_space<vmem_shared>>
      %dma_start3A_830 = tpu.memref_slice %arg9[%rem3A_654] : memref<5x!tpu.dma_semaphore, #tpu.memory_space<semaphore_mem>> -> memref<1x!tpu.dma_semaphore, #tpu.memory_space<semaphore_mem>>
      %dma_start3A_831 = tpu.memref_squeeze %dma_start3A_830 : memref<1x!tpu.dma_semaphore, #tpu.memory_space<semaphore_mem>> -> memref<!tpu.dma_semaphore, #tpu.memory_space<semaphore_mem>>
      tpu.enqueue_indirect_dma source(%dma_start3A_826 : memref<16x128xf32, #tpu.memory_space<vmem>>) target(%dma_start3A_829 : memref<1040x128xf32, #tpu.memory_space<vmem_shared>>) offsets(%get3A_822 : vector<16xi32>) semaphore(%dma_start3A_831 : memref<!tpu.dma_semaphore, #tpu.memory_space<semaphore_mem>>) {add = true}
      %add3A_832 = arith.constant 2 : i32
      %add3A_833 = arith.addi %while3A_652, %add3A_832 : i32
      %lt3A_834 = arith.cmpi slt, %add3A_833, %add3A_8 : i32
      %convert_element_type3A_835 = arith.extui %lt3A_834 : i1 to i32
      %cond3A_836 = arith.constant 0 : i32
      %cond3A_837 = arith.cmpi ne, %convert_element_type3A_835, %cond3A_836 : i32
      scf.if %cond3A_837 {
        %add3A_839 = arith.constant 2 : i32
        %add3A_840 = arith.addi %while3A_652, %add3A_839 : i32
        %rem3A_841 = arith.constant 5 : i32
        %rem3A_842 = arith.remsi %add3A_840, %rem3A_841 : i32
        %ge3A = arith.constant 3 : i32
        %ge3A_843 = arith.cmpi sge, %while3A_652, %ge3A : i32
        %convert_element_type3A_844 = arith.extui %ge3A_843 : i1 to i32
        %cond3A_845 = arith.constant 0 : i32
        %cond3A_846 = arith.cmpi ne, %convert_element_type3A_844, %cond3A_845 : i32
        scf.if %cond3A_846 {
          %get3A_865 = arith.constant 0 : index
          %get3A_866 = tpu.vector_load %arg6[%get3A_865] {strides = array<i32>} : memref<3200xi32, #tpu.memory_space<vmem>>, vector<16xi32>,
          %get3A_867 = vector.shape_cast %get3A_866 : vector<16xi32> to vector<16xi32>
          %dma_wait3A_868 = arith.constant 0 : i32
          %dma_wait3A_869 = arith.constant 0 : i32
          %dma_wait3A_870 = tpu.memref_slice %arg5[%rem3A_842, %dma_wait3A_868, %dma_wait3A_869] : memref<5x160x128xf32, #tpu.memory_space<vmem>> -> memref<1x16x128xf32, #tpu.memory_space<vmem>>
          %dma_wait3A_871 = tpu.memref_squeeze %dma_wait3A_870 : memref<1x16x128xf32, #tpu.memory_space<vmem>> -> memref<16x128xf32, #tpu.memory_space<vmem>>
          %dma_wait3A_872 = arith.constant 0 : i32
          %dma_wait3A_873 = arith.constant 0 : i32
          %dma_wait3A_874 = tpu.memref_slice %arg7[%dma_wait3A_872, %dma_wait3A_873] : memref<1040x128xf32, #tpu.memory_space<vmem_shared>> -> memref<1040x128xf32, #tpu.memory_space<vmem_shared>>
          %dma_wait3A_875 = tpu.memref_slice %arg9[%rem3A_842] : memref<5x!tpu.dma_semaphore, #tpu.memory_space<semaphore_mem>> -> memref<1x!tpu.dma_semaphore, #tpu.memory_space<semaphore_mem>>
          %dma_wait3A_876 = tpu.memref_squeeze %dma_wait3A_875 : memref<1x!tpu.dma_semaphore, #tpu.memory_space<semaphore_mem>> -> memref<!tpu.dma_semaphore, #tpu.memory_space<semaphore_mem>>
          tpu.wait_indirect_dma semaphore(%dma_wait3A_876 : memref<!tpu.dma_semaphore, #tpu.memory_space<semaphore_mem>>) src(%dma_wait3A_871 : memref<16x128xf32, #tpu.memory_space<vmem>>) dst(%dma_wait3A_874 : memref<1040x128xf32, #tpu.memory_space<vmem_shared>>)
          %dma_wait3A_877 = arith.constant 0 : i32
          %dma_wait3A_878 = arith.constant 0 : i32
          %dma_wait3A_879 = tpu.memref_slice %arg5[%rem3A_842, %dma_wait3A_877, %dma_wait3A_878] : memref<5x160x128xf32, #tpu.memory_space<vmem>> -> memref<1x16x128xf32, #tpu.memory_space<vmem>>
          %dma_wait3A_880 = tpu.memref_squeeze %dma_wait3A_879 : memref<1x16x128xf32, #tpu.memory_space<vmem>> -> memref<16x128xf32, #tpu.memory_space<vmem>>
          %dma_wait3A_881 = arith.constant 0 : i32
          %dma_wait3A_882 = arith.constant 0 : i32
          %dma_wait3A_883 = tpu.memref_slice %arg7[%dma_wait3A_881, %dma_wait3A_882] : memref<1040x128xf32, #tpu.memory_space<vmem_shared>> -> memref<1040x128xf32, #tpu.memory_space<vmem_shared>>
          %dma_wait3A_884 = tpu.memref_slice %arg9[%rem3A_842] : memref<5x!tpu.dma_semaphore, #tpu.memory_space<semaphore_mem>> -> memref<1x!tpu.dma_semaphore, #tpu.memory_space<semaphore_mem>>
          %dma_wait3A_885 = tpu.memref_squeeze %dma_wait3A_884 : memref<1x!tpu.dma_semaphore, #tpu.memory_space<semaphore_mem>> -> memref<!tpu.dma_semaphore, #tpu.memory_space<semaphore_mem>>
          tpu.wait_indirect_dma semaphore(%dma_wait3A_885 : memref<!tpu.dma_semaphore, #tpu.memory_space<semaphore_mem>>) src(%dma_wait3A_880 : memref<16x128xf32, #tpu.memory_space<vmem>>) dst(%dma_wait3A_883 : memref<1040x128xf32, #tpu.memory_space<vmem_shared>>)
          %dma_wait3A_886 = arith.constant 0 : i32
          %dma_wait3A_887 = arith.constant 0 : i32
          %dma_wait3A_888 = tpu.memref_slice %arg5[%rem3A_842, %dma_wait3A_886, %dma_wait3A_887] : memref<5x160x128xf32, #tpu.memory_space<vmem>> -> memref<1x16x128xf32, #tpu.memory_space<vmem>>
          %dma_wait3A_889 = tpu.memref_squeeze %dma_wait3A_888 : memref<1x16x128xf32, #tpu.memory_space<vmem>> -> memref<16x128xf32, #tpu.memory_space<vmem>>
          %dma_wait3A_890 = arith.constant 0 : i32
          %dma_wait3A_891 = arith.constant 0 : i32
          %dma_wait3A_892 = tpu.memref_slice %arg7[%dma_wait3A_890, %dma_wait3A_891] : memref<1040x128xf32, #tpu.memory_space<vmem_shared>> -> memref<1040x128xf32, #tpu.memory_space<vmem_shared>>
          %dma_wait3A_893 = tpu.memref_slice %arg9[%rem3A_842] : memref<5x!tpu.dma_semaphore, #tpu.memory_space<semaphore_mem>> -> memref<1x!tpu.dma_semaphore, #tpu.memory_space<semaphore_mem>>
          %dma_wait3A_894 = tpu.memref_squeeze %dma_wait3A_893 : memref<1x!tpu.dma_semaphore, #tpu.memory_space<semaphore_mem>> -> memref<!tpu.dma_semaphore, #tpu.memory_space<semaphore_mem>>
          tpu.wait_indirect_dma semaphore(%dma_wait3A_894 : memref<!tpu.dma_semaphore, #tpu.memory_space<semaphore_mem>>) src(%dma_wait3A_889 : memref<16x128xf32, #tpu.memory_space<vmem>>) dst(%dma_wait3A_892 : memref<1040x128xf32, #tpu.memory_space<vmem_shared>>)
          %dma_wait3A_895 = arith.constant 0 : i32
          %dma_wait3A_896 = arith.constant 0 : i32
          %dma_wait3A_897 = tpu.memref_slice %arg5[%rem3A_842, %dma_wait3A_895, %dma_wait3A_896] : memref<5x160x128xf32, #tpu.memory_space<vmem>> -> memref<1x16x128xf32, #tpu.memory_space<vmem>>
          %dma_wait3A_898 = tpu.memref_squeeze %dma_wait3A_897 : memref<1x16x128xf32, #tpu.memory_space<vmem>> -> memref<16x128xf32, #tpu.memory_space<vmem>>
          %dma_wait3A_899 = arith.constant 0 : i32
          %dma_wait3A_900 = arith.constant 0 : i32
          %dma_wait3A_901 = tpu.memref_slice %arg7[%dma_wait3A_899, %dma_wait3A_900] : memref<1040x128xf32, #tpu.memory_space<vmem_shared>> -> memref<1040x128xf32, #tpu.memory_space<vmem_shared>>
          %dma_wait3A_902 = tpu.memref_slice %arg9[%rem3A_842] : memref<5x!tpu.dma_semaphore, #tpu.memory_space<semaphore_mem>> -> memref<1x!tpu.dma_semaphore, #tpu.memory_space<semaphore_mem>>
          %dma_wait3A_903 = tpu.memref_squeeze %dma_wait3A_902 : memref<1x!tpu.dma_semaphore, #tpu.memory_space<semaphore_mem>> -> memref<!tpu.dma_semaphore, #tpu.memory_space<semaphore_mem>>
          tpu.wait_indirect_dma semaphore(%dma_wait3A_903 : memref<!tpu.dma_semaphore, #tpu.memory_space<semaphore_mem>>) src(%dma_wait3A_898 : memref<16x128xf32, #tpu.memory_space<vmem>>) dst(%dma_wait3A_901 : memref<1040x128xf32, #tpu.memory_space<vmem_shared>>)
          %dma_wait3A_904 = arith.constant 0 : i32
          %dma_wait3A_905 = arith.constant 0 : i32
          %dma_wait3A_906 = tpu.memref_slice %arg5[%rem3A_842, %dma_wait3A_904, %dma_wait3A_905] : memref<5x160x128xf32, #tpu.memory_space<vmem>> -> memref<1x16x128xf32, #tpu.memory_space<vmem>>
          %dma_wait3A_907 = tpu.memref_squeeze %dma_wait3A_906 : memref<1x16x128xf32, #tpu.memory_space<vmem>> -> memref<16x128xf32, #tpu.memory_space<vmem>>
          %dma_wait3A_908 = arith.constant 0 : i32
          %dma_wait3A_909 = arith.constant 0 : i32
          %dma_wait3A_910 = tpu.memref_slice %arg7[%dma_wait3A_908, %dma_wait3A_909] : memref<1040x128xf32, #tpu.memory_space<vmem_shared>> -> memref<1040x128xf32, #tpu.memory_space<vmem_shared>>
          %dma_wait3A_911 = tpu.memref_slice %arg9[%rem3A_842] : memref<5x!tpu.dma_semaphore, #tpu.memory_space<semaphore_mem>> -> memref<1x!tpu.dma_semaphore, #tpu.memory_space<semaphore_mem>>
          %dma_wait3A_912 = tpu.memref_squeeze %dma_wait3A_911 : memref<1x!tpu.dma_semaphore, #tpu.memory_space<semaphore_mem>> -> memref<!tpu.dma_semaphore, #tpu.memory_space<semaphore_mem>>
          tpu.wait_indirect_dma semaphore(%dma_wait3A_912 : memref<!tpu.dma_semaphore, #tpu.memory_space<semaphore_mem>>) src(%dma_wait3A_907 : memref<16x128xf32, #tpu.memory_space<vmem>>) dst(%dma_wait3A_910 : memref<1040x128xf32, #tpu.memory_space<vmem_shared>>)
          %dma_wait3A_913 = arith.constant 0 : i32
          %dma_wait3A_914 = arith.constant 0 : i32
          %dma_wait3A_915 = tpu.memref_slice %arg5[%rem3A_842, %dma_wait3A_913, %dma_wait3A_914] : memref<5x160x128xf32, #tpu.memory_space<vmem>> -> memref<1x16x128xf32, #tpu.memory_space<vmem>>
          %dma_wait3A_916 = tpu.memref_squeeze %dma_wait3A_915 : memref<1x16x128xf32, #tpu.memory_space<vmem>> -> memref<16x128xf32, #tpu.memory_space<vmem>>
          %dma_wait3A_917 = arith.constant 0 : i32
          %dma_wait3A_918 = arith.constant 0 : i32
          %dma_wait3A_919 = tpu.memref_slice %arg7[%dma_wait3A_917, %dma_wait3A_918] : memref<1040x128xf32, #tpu.memory_space<vmem_shared>> -> memref<1040x128xf32, #tpu.memory_space<vmem_shared>>
          %dma_wait3A_920 = tpu.memref_slice %arg9[%rem3A_842] : memref<5x!tpu.dma_semaphore, #tpu.memory_space<semaphore_mem>> -> memref<1x!tpu.dma_semaphore, #tpu.memory_space<semaphore_mem>>
          %dma_wait3A_921 = tpu.memref_squeeze %dma_wait3A_920 : memref<1x!tpu.dma_semaphore, #tpu.memory_space<semaphore_mem>> -> memref<!tpu.dma_semaphore, #tpu.memory_space<semaphore_mem>>
          tpu.wait_indirect_dma semaphore(%dma_wait3A_921 : memref<!tpu.dma_semaphore, #tpu.memory_space<semaphore_mem>>) src(%dma_wait3A_916 : memref<16x128xf32, #tpu.memory_space<vmem>>) dst(%dma_wait3A_919 : memref<1040x128xf32, #tpu.memory_space<vmem_shared>>)
          %dma_wait3A_922 = arith.constant 0 : i32
          %dma_wait3A_923 = arith.constant 0 : i32
          %dma_wait3A_924 = tpu.memref_slice %arg5[%rem3A_842, %dma_wait3A_922, %dma_wait3A_923] : memref<5x160x128xf32, #tpu.memory_space<vmem>> -> memref<1x16x128xf32, #tpu.memory_space<vmem>>
          %dma_wait3A_925 = tpu.memref_squeeze %dma_wait3A_924 : memref<1x16x128xf32, #tpu.memory_space<vmem>> -> memref<16x128xf32, #tpu.memory_space<vmem>>
          %dma_wait3A_926 = arith.constant 0 : i32
          %dma_wait3A_927 = arith.constant 0 : i32
          %dma_wait3A_928 = tpu.memref_slice %arg7[%dma_wait3A_926, %dma_wait3A_927] : memref<1040x128xf32, #tpu.memory_space<vmem_shared>> -> memref<1040x128xf32, #tpu.memory_space<vmem_shared>>
          %dma_wait3A_929 = tpu.memref_slice %arg9[%rem3A_842] : memref<5x!tpu.dma_semaphore, #tpu.memory_space<semaphore_mem>> -> memref<1x!tpu.dma_semaphore, #tpu.memory_space<semaphore_mem>>
          %dma_wait3A_930 = tpu.memref_squeeze %dma_wait3A_929 : memref<1x!tpu.dma_semaphore, #tpu.memory_space<semaphore_mem>> -> memref<!tpu.dma_semaphore, #tpu.memory_space<semaphore_mem>>
          tpu.wait_indirect_dma semaphore(%dma_wait3A_930 : memref<!tpu.dma_semaphore, #tpu.memory_space<semaphore_mem>>) src(%dma_wait3A_925 : memref<16x128xf32, #tpu.memory_space<vmem>>) dst(%dma_wait3A_928 : memref<1040x128xf32, #tpu.memory_space<vmem_shared>>)
          %dma_wait3A_931 = arith.constant 0 : i32
          %dma_wait3A_932 = arith.constant 0 : i32
          %dma_wait3A_933 = tpu.memref_slice %arg5[%rem3A_842, %dma_wait3A_931, %dma_wait3A_932] : memref<5x160x128xf32, #tpu.memory_space<vmem>> -> memref<1x16x128xf32, #tpu.memory_space<vmem>>
          %dma_wait3A_934 = tpu.memref_squeeze %dma_wait3A_933 : memref<1x16x128xf32, #tpu.memory_space<vmem>> -> memref<16x128xf32, #tpu.memory_space<vmem>>
          %dma_wait3A_935 = arith.constant 0 : i32
          %dma_wait3A_936 = arith.constant 0 : i32
          %dma_wait3A_937 = tpu.memref_slice %arg7[%dma_wait3A_935, %dma_wait3A_936] : memref<1040x128xf32, #tpu.memory_space<vmem_shared>> -> memref<1040x128xf32, #tpu.memory_space<vmem_shared>>
          %dma_wait3A_938 = tpu.memref_slice %arg9[%rem3A_842] : memref<5x!tpu.dma_semaphore, #tpu.memory_space<semaphore_mem>> -> memref<1x!tpu.dma_semaphore, #tpu.memory_space<semaphore_mem>>
          %dma_wait3A_939 = tpu.memref_squeeze %dma_wait3A_938 : memref<1x!tpu.dma_semaphore, #tpu.memory_space<semaphore_mem>> -> memref<!tpu.dma_semaphore, #tpu.memory_space<semaphore_mem>>
          tpu.wait_indirect_dma semaphore(%dma_wait3A_939 : memref<!tpu.dma_semaphore, #tpu.memory_space<semaphore_mem>>) src(%dma_wait3A_934 : memref<16x128xf32, #tpu.memory_space<vmem>>) dst(%dma_wait3A_937 : memref<1040x128xf32, #tpu.memory_space<vmem_shared>>)
          %dma_wait3A_940 = arith.constant 0 : i32
          %dma_wait3A_941 = arith.constant 0 : i32
          %dma_wait3A_942 = tpu.memref_slice %arg5[%rem3A_842, %dma_wait3A_940, %dma_wait3A_941] : memref<5x160x128xf32, #tpu.memory_space<vmem>> -> memref<1x16x128xf32, #tpu.memory_space<vmem>>
          %dma_wait3A_943 = tpu.memref_squeeze %dma_wait3A_942 : memref<1x16x128xf32, #tpu.memory_space<vmem>> -> memref<16x128xf32, #tpu.memory_space<vmem>>
          %dma_wait3A_944 = arith.constant 0 : i32
          %dma_wait3A_945 = arith.constant 0 : i32
          %dma_wait3A_946 = tpu.memref_slice %arg7[%dma_wait3A_944, %dma_wait3A_945] : memref<1040x128xf32, #tpu.memory_space<vmem_shared>> -> memref<1040x128xf32, #tpu.memory_space<vmem_shared>>
          %dma_wait3A_947 = tpu.memref_slice %arg9[%rem3A_842] : memref<5x!tpu.dma_semaphore, #tpu.memory_space<semaphore_mem>> -> memref<1x!tpu.dma_semaphore, #tpu.memory_space<semaphore_mem>>
          %dma_wait3A_948 = tpu.memref_squeeze %dma_wait3A_947 : memref<1x!tpu.dma_semaphore, #tpu.memory_space<semaphore_mem>> -> memref<!tpu.dma_semaphore, #tpu.memory_space<semaphore_mem>>
          tpu.wait_indirect_dma semaphore(%dma_wait3A_948 : memref<!tpu.dma_semaphore, #tpu.memory_space<semaphore_mem>>) src(%dma_wait3A_943 : memref<16x128xf32, #tpu.memory_space<vmem>>) dst(%dma_wait3A_946 : memref<1040x128xf32, #tpu.memory_space<vmem_shared>>)
          %dma_wait3A_949 = arith.constant 0 : i32
          %dma_wait3A_950 = arith.constant 0 : i32
          %dma_wait3A_951 = tpu.memref_slice %arg5[%rem3A_842, %dma_wait3A_949, %dma_wait3A_950] : memref<5x160x128xf32, #tpu.memory_space<vmem>> -> memref<1x16x128xf32, #tpu.memory_space<vmem>>
          %dma_wait3A_952 = tpu.memref_squeeze %dma_wait3A_951 : memref<1x16x128xf32, #tpu.memory_space<vmem>> -> memref<16x128xf32, #tpu.memory_space<vmem>>
          %dma_wait3A_953 = arith.constant 0 : i32
          %dma_wait3A_954 = arith.constant 0 : i32
          %dma_wait3A_955 = tpu.memref_slice %arg7[%dma_wait3A_953, %dma_wait3A_954] : memref<1040x128xf32, #tpu.memory_space<vmem_shared>> -> memref<1040x128xf32, #tpu.memory_space<vmem_shared>>
          %dma_wait3A_956 = tpu.memref_slice %arg9[%rem3A_842] : memref<5x!tpu.dma_semaphore, #tpu.memory_space<semaphore_mem>> -> memref<1x!tpu.dma_semaphore, #tpu.memory_space<semaphore_mem>>
          %dma_wait3A_957 = tpu.memref_squeeze %dma_wait3A_956 : memref<1x!tpu.dma_semaphore, #tpu.memory_space<semaphore_mem>> -> memref<!tpu.dma_semaphore, #tpu.memory_space<semaphore_mem>>
          tpu.wait_indirect_dma semaphore(%dma_wait3A_957 : memref<!tpu.dma_semaphore, #tpu.memory_space<semaphore_mem>>) src(%dma_wait3A_952 : memref<16x128xf32, #tpu.memory_space<vmem>>) dst(%dma_wait3A_955 : memref<1040x128xf32, #tpu.memory_space<vmem_shared>>)
        } else {
        }
        %add3A_847 = arith.constant 2 : i32
        %add3A_848 = arith.addi %add3A_655, %add3A_847 : i32
        %mul3A_849 = arith.constant 160 : i32
        %mul3A_850 = arith.muli %add3A_848, %mul3A_849 : i32
        %dma_start3A_851 = arith.constant 0 : i32
        %dma_start3A_852 = arith.constant 0 : i32
        %dma_start3A_853 = tpu.memref_slice %arg5[%rem3A_842, %dma_start3A_851, %dma_start3A_852] : memref<5x160x128xf32, #tpu.memory_space<vmem>> -> memref<1x160x128xf32, #tpu.memory_space<vmem>>
        %dma_start3A_854 = tpu.memref_squeeze %dma_start3A_853 : memref<1x160x128xf32, #tpu.memory_space<vmem>> -> memref<160x128xf32, #tpu.memory_space<vmem>>
        %dma_start3A_855 = arith.constant 0 : i32
        %dma_start3A_856 = tpu.memref_slice %arg2[%mul3A_850, %dma_start3A_855] : memref<100000x128xf32, #tpu.memory_space<hbm>> -> memref<160x128xf32, #tpu.memory_space<hbm>>
        %dma_start3A_857 = tpu.memref_slice %arg8[%rem3A_842] : memref<5x!tpu.dma_semaphore, #tpu.memory_space<semaphore_mem>> -> memref<1x!tpu.dma_semaphore, #tpu.memory_space<semaphore_mem>>
        %dma_start3A_858 = tpu.memref_squeeze %dma_start3A_857 : memref<1x!tpu.dma_semaphore, #tpu.memory_space<semaphore_mem>> -> memref<!tpu.dma_semaphore, #tpu.memory_space<semaphore_mem>>
        %dma_start3A_859 = arith.constant 0 : i32
        %dma_start3A_860 = arith.constant 0 : i32
        %dma_start3A_861 = tpu.memref_slice %arg5[%rem3A_842, %dma_start3A_859, %dma_start3A_860] : memref<5x160x128xf32, #tpu.memory_space<vmem>> -> memref<1x160x128xf32, #tpu.memory_space<vmem>>
        %dma_start3A_862 = tpu.memref_squeeze %dma_start3A_861 : memref<1x160x128xf32, #tpu.memory_space<vmem>> -> memref<160x128xf32, #tpu.memory_space<vmem>>
        %dma_start3A_863 = arith.constant 0 : i32
        %dma_start3A_864 = tpu.memref_slice %arg2[%mul3A_850, %dma_start3A_863] : memref<100000x128xf32, #tpu.memory_space<hbm>> -> memref<160x128xf32, #tpu.memory_space<hbm>>
        tpu.enqueue_dma source(%dma_start3A_864 : memref<160x128xf32, #tpu.memory_space<hbm>>) target(%dma_start3A_862 : memref<160x128xf32, #tpu.memory_space<vmem>>) target_semaphore(%dma_start3A_858 : memref<!tpu.dma_semaphore, #tpu.memory_space<semaphore_mem>>)
      } else {
      }
      %while3A_838 = arith.constant 0 : i32
      scf.yield %while3A_838 : i32
    }
    %while3A_82 = arith.constant 1 : i32
    %while3A_83 = scf.for %while3A_652 = %while3A_79 to %while3A_75 step %while3A_82 iter_args(%while3A_653 = %while3A_81) -> (i32)  : i32 {
      %rem3A = arith.constant 5 : i32
      %rem3A_654 = arith.remsi %while3A_652, %rem3A : i32
      %add3A_655 = arith.addi %add3A_4, %while3A_652 : i32
      %mul3A_656 = arith.constant 160 : i32
      %mul3A_657 = arith.muli %add3A_655, %mul3A_656 : i32
      %dma_wait3A_658 = arith.constant 0 : i32
      %dma_wait3A_659 = arith.constant 0 : i32
      %dma_wait3A_660 = tpu.memref_slice %arg5[%rem3A_654, %dma_wait3A_658, %dma_wait3A_659] : memref<5x160x128xf32, #tpu.memory_space<vmem>> -> memref<1x160x128xf32, #tpu.memory_space<vmem>>
      %dma_wait3A_661 = tpu.memref_squeeze %dma_wait3A_660 : memref<1x160x128xf32, #tpu.memory_space<vmem>> -> memref<160x128xf32, #tpu.memory_space<vmem>>
      %dma_wait3A_662 = arith.constant 0 : i32
      %dma_wait3A_663 = tpu.memref_slice %arg2[%mul3A_657, %dma_wait3A_662] : memref<100000x128xf32, #tpu.memory_space<hbm>> -> memref<160x128xf32, #tpu.memory_space<hbm>>
      %dma_wait3A_664 = tpu.memref_slice %arg8[%rem3A_654] : memref<5x!tpu.dma_semaphore, #tpu.memory_space<semaphore_mem>> -> memref<1x!tpu.dma_semaphore, #tpu.memory_space<semaphore_mem>>
      %dma_wait3A_665 = tpu.memref_squeeze %dma_wait3A_664 : memref<1x!tpu.dma_semaphore, #tpu.memory_space<semaphore_mem>> -> memref<!tpu.dma_semaphore, #tpu.memory_space<semaphore_mem>>
      %dma_wait3A_666 = arith.constant 0 : i32
      %dma_wait3A_667 = arith.constant 0 : i32
      %dma_wait3A_668 = tpu.memref_slice %arg5[%rem3A_654, %dma_wait3A_666, %dma_wait3A_667] : memref<5x160x128xf32, #tpu.memory_space<vmem>> -> memref<1x160x128xf32, #tpu.memory_space<vmem>>
      %dma_wait3A_669 = tpu.memref_squeeze %dma_wait3A_668 : memref<1x160x128xf32, #tpu.memory_space<vmem>> -> memref<160x128xf32, #tpu.memory_space<vmem>>
      %dma_wait3A_670 = arith.constant 0 : i32
      %dma_wait3A_671 = tpu.memref_slice %arg2[%mul3A_657, %dma_wait3A_670] : memref<100000x128xf32, #tpu.memory_space<hbm>> -> memref<160x128xf32, #tpu.memory_space<hbm>>
      tpu.wait_dma2 semaphore(%dma_wait3A_665 : memref<!tpu.dma_semaphore, #tpu.memory_space<semaphore_mem>>) src(%dma_wait3A_671 : memref<160x128xf32, #tpu.memory_space<hbm>>) dst(%dma_wait3A_669 : memref<160x128xf32, #tpu.memory_space<vmem>>)
      %mul3A_672 = arith.constant 160 : i32
      %mul3A_673 = arith.muli %while3A_652, %mul3A_672 : i32
      %add3A_674 = arith.constant 0 : i32
      %add3A_675 = arith.addi %mul3A_673, %add3A_674 : i32
      %get3A_676 = arith.index_cast %add3A_675 : i32 to index
      %get3A_677 = tpu.vector_load %arg6[%get3A_676] {strides = array<i32>} : memref<3200xi32, #tpu.memory_space<vmem>>, vector<16xi32>,
      %get3A_678 = vector.shape_cast %get3A_677 : vector<16xi32> to vector<16xi32>
      %dma_start3A_679 = arith.constant 0 : i32
      %dma_start3A_680 = arith.constant 0 : i32
      %dma_start3A_681 = tpu.memref_slice %arg5[%rem3A_654, %dma_start3A_679, %dma_start3A_680] : memref<5x160x128xf32, #tpu.memory_space<vmem>> -> memref<1x16x128xf32, #tpu.memory_space<vmem>>
      %dma_start3A_682 = tpu.memref_squeeze %dma_start3A_681 : memref<1x16x128xf32, #tpu.memory_space<vmem>> -> memref<16x128xf32, #tpu.memory_space<vmem>>
      %dma_start3A_683 = arith.constant 0 : i32
      %dma_start3A_684 = arith.constant 0 : i32
      %dma_start3A_685 = tpu.memref_slice %arg7[%dma_start3A_683, %dma_start3A_684] : memref<1040x128xf32, #tpu.memory_space<vmem_shared>> -> memref<1040x128xf32, #tpu.memory_space<vmem_shared>>
      %dma_start3A_686 = tpu.memref_slice %arg9[%rem3A_654] : memref<5x!tpu.dma_semaphore, #tpu.memory_space<semaphore_mem>> -> memref<1x!tpu.dma_semaphore, #tpu.memory_space<semaphore_mem>>
      %dma_start3A_687 = tpu.memref_squeeze %dma_start3A_686 : memref<1x!tpu.dma_semaphore, #tpu.memory_space<semaphore_mem>> -> memref<!tpu.dma_semaphore, #tpu.memory_space<semaphore_mem>>
      tpu.enqueue_indirect_dma source(%dma_start3A_682 : memref<16x128xf32, #tpu.memory_space<vmem>>) target(%dma_start3A_685 : memref<1040x128xf32, #tpu.memory_space<vmem_shared>>) offsets(%get3A_678 : vector<16xi32>) semaphore(%dma_start3A_687 : memref<!tpu.dma_semaphore, #tpu.memory_space<semaphore_mem>>) {add = true}
      %mul3A_688 = arith.constant 160 : i32
      %mul3A_689 = arith.muli %while3A_652, %mul3A_688 : i32
      %add3A_690 = arith.constant 16 : i32
      %add3A_691 = arith.addi %mul3A_689, %add3A_690 : i32
      %get3A_692 = arith.index_cast %add3A_691 : i32 to index
      %get3A_693 = tpu.vector_load %arg6[%get3A_692] {strides = array<i32>} : memref<3200xi32, #tpu.memory_space<vmem>>, vector<16xi32>,
      %get3A_694 = vector.shape_cast %get3A_693 : vector<16xi32> to vector<16xi32>
      %dma_start3A_695 = arith.constant 16 : i32
      %dma_start3A_696 = arith.constant 0 : i32
      %dma_start3A_697 = tpu.memref_slice %arg5[%rem3A_654, %dma_start3A_695, %dma_start3A_696] : memref<5x160x128xf32, #tpu.memory_space<vmem>> -> memref<1x16x128xf32, #tpu.memory_space<vmem>>
      %dma_start3A_698 = tpu.memref_squeeze %dma_start3A_697 : memref<1x16x128xf32, #tpu.memory_space<vmem>> -> memref<16x128xf32, #tpu.memory_space<vmem>>
      %dma_start3A_699 = arith.constant 0 : i32
      %dma_start3A_700 = arith.constant 0 : i32
      %dma_start3A_701 = tpu.memref_slice %arg7[%dma_start3A_699, %dma_start3A_700] : memref<1040x128xf32, #tpu.memory_space<vmem_shared>> -> memref<1040x128xf32, #tpu.memory_space<vmem_shared>>
      %dma_start3A_702 = tpu.memref_slice %arg9[%rem3A_654] : memref<5x!tpu.dma_semaphore, #tpu.memory_space<semaphore_mem>> -> memref<1x!tpu.dma_semaphore, #tpu.memory_space<semaphore_mem>>
      %dma_start3A_703 = tpu.memref_squeeze %dma_start3A_702 : memref<1x!tpu.dma_semaphore, #tpu.memory_space<semaphore_mem>> -> memref<!tpu.dma_semaphore, #tpu.memory_space<semaphore_mem>>
      tpu.enqueue_indirect_dma source(%dma_start3A_698 : memref<16x128xf32, #tpu.memory_space<vmem>>) target(%dma_start3A_701 : memref<1040x128xf32, #tpu.memory_space<vmem_shared>>) offsets(%get3A_694 : vector<16xi32>) semaphore(%dma_start3A_703 : memref<!tpu.dma_semaphore, #tpu.memory_space<semaphore_mem>>) {add = true}
      %mul3A_704 = arith.constant 160 : i32
      %mul3A_705 = arith.muli %while3A_652, %mul3A_704 : i32
      %add3A_706 = arith.constant 32 : i32
      %add3A_707 = arith.addi %mul3A_705, %add3A_706 : i32
      %get3A_708 = arith.index_cast %add3A_707 : i32 to index
      %get3A_709 = tpu.vector_load %arg6[%get3A_708] {strides = array<i32>} : memref<3200xi32, #tpu.memory_space<vmem>>, vector<16xi32>,
      %get3A_710 = vector.shape_cast %get3A_709 : vector<16xi32> to vector<16xi32>
      %dma_start3A_711 = arith.constant 32 : i32
      %dma_start3A_712 = arith.constant 0 : i32
      %dma_start3A_713 = tpu.memref_slice %arg5[%rem3A_654, %dma_start3A_711, %dma_start3A_712] : memref<5x160x128xf32, #tpu.memory_space<vmem>> -> memref<1x16x128xf32, #tpu.memory_space<vmem>>
      %dma_start3A_714 = tpu.memref_squeeze %dma_start3A_713 : memref<1x16x128xf32, #tpu.memory_space<vmem>> -> memref<16x128xf32, #tpu.memory_space<vmem>>
      %dma_start3A_715 = arith.constant 0 : i32
      %dma_start3A_716 = arith.constant 0 : i32
      %dma_start3A_717 = tpu.memref_slice %arg7[%dma_start3A_715, %dma_start3A_716] : memref<1040x128xf32, #tpu.memory_space<vmem_shared>> -> memref<1040x128xf32, #tpu.memory_space<vmem_shared>>
      %dma_start3A_718 = tpu.memref_slice %arg9[%rem3A_654] : memref<5x!tpu.dma_semaphore, #tpu.memory_space<semaphore_mem>> -> memref<1x!tpu.dma_semaphore, #tpu.memory_space<semaphore_mem>>
      %dma_start3A_719 = tpu.memref_squeeze %dma_start3A_718 : memref<1x!tpu.dma_semaphore, #tpu.memory_space<semaphore_mem>> -> memref<!tpu.dma_semaphore, #tpu.memory_space<semaphore_mem>>
      tpu.enqueue_indirect_dma source(%dma_start3A_714 : memref<16x128xf32, #tpu.memory_space<vmem>>) target(%dma_start3A_717 : memref<1040x128xf32, #tpu.memory_space<vmem_shared>>) offsets(%get3A_710 : vector<16xi32>) semaphore(%dma_start3A_719 : memref<!tpu.dma_semaphore, #tpu.memory_space<semaphore_mem>>) {add = true}
      %mul3A_720 = arith.constant 160 : i32
      %mul3A_721 = arith.muli %while3A_652, %mul3A_720 : i32
      %add3A_722 = arith.constant 48 : i32
      %add3A_723 = arith.addi %mul3A_721, %add3A_722 : i32
      %get3A_724 = arith.index_cast %add3A_723 : i32 to index
      %get3A_725 = tpu.vector_load %arg6[%get3A_724] {strides = array<i32>} : memref<3200xi32, #tpu.memory_space<vmem>>, vector<16xi32>,
      %get3A_726 = vector.shape_cast %get3A_725 : vector<16xi32> to vector<16xi32>
      %dma_start3A_727 = arith.constant 48 : i32
      %dma_start3A_728 = arith.constant 0 : i32
      %dma_start3A_729 = tpu.memref_slice %arg5[%rem3A_654, %dma_start3A_727, %dma_start3A_728] : memref<5x160x128xf32, #tpu.memory_space<vmem>> -> memref<1x16x128xf32, #tpu.memory_space<vmem>>
      %dma_start3A_730 = tpu.memref_squeeze %dma_start3A_729 : memref<1x16x128xf32, #tpu.memory_space<vmem>> -> memref<16x128xf32, #tpu.memory_space<vmem>>
      %dma_start3A_731 = arith.constant 0 : i32
      %dma_start3A_732 = arith.constant 0 : i32
      %dma_start3A_733 = tpu.memref_slice %arg7[%dma_start3A_731, %dma_start3A_732] : memref<1040x128xf32, #tpu.memory_space<vmem_shared>> -> memref<1040x128xf32, #tpu.memory_space<vmem_shared>>
      %dma_start3A_734 = tpu.memref_slice %arg9[%rem3A_654] : memref<5x!tpu.dma_semaphore, #tpu.memory_space<semaphore_mem>> -> memref<1x!tpu.dma_semaphore, #tpu.memory_space<semaphore_mem>>
      %dma_start3A_735 = tpu.memref_squeeze %dma_start3A_734 : memref<1x!tpu.dma_semaphore, #tpu.memory_space<semaphore_mem>> -> memref<!tpu.dma_semaphore, #tpu.memory_space<semaphore_mem>>
      tpu.enqueue_indirect_dma source(%dma_start3A_730 : memref<16x128xf32, #tpu.memory_space<vmem>>) target(%dma_start3A_733 : memref<1040x128xf32, #tpu.memory_space<vmem_shared>>) offsets(%get3A_726 : vector<16xi32>) semaphore(%dma_start3A_735 : memref<!tpu.dma_semaphore, #tpu.memory_space<semaphore_mem>>) {add = true}
      %mul3A_736 = arith.constant 160 : i32
      %mul3A_737 = arith.muli %while3A_652, %mul3A_736 : i32
      %add3A_738 = arith.constant 64 : i32
      %add3A_739 = arith.addi %mul3A_737, %add3A_738 : i32
      %get3A_740 = arith.index_cast %add3A_739 : i32 to index
      %get3A_741 = tpu.vector_load %arg6[%get3A_740] {strides = array<i32>} : memref<3200xi32, #tpu.memory_space<vmem>>, vector<16xi32>,
      %get3A_742 = vector.shape_cast %get3A_741 : vector<16xi32> to vector<16xi32>
      %dma_start3A_743 = arith.constant 64 : i32
      %dma_start3A_744 = arith.constant 0 : i32
      %dma_start3A_745 = tpu.memref_slice %arg5[%rem3A_654, %dma_start3A_743, %dma_start3A_744] : memref<5x160x128xf32, #tpu.memory_space<vmem>> -> memref<1x16x128xf32, #tpu.memory_space<vmem>>
      %dma_start3A_746 = tpu.memref_squeeze %dma_start3A_745 : memref<1x16x128xf32, #tpu.memory_space<vmem>> -> memref<16x128xf32, #tpu.memory_space<vmem>>
      %dma_start3A_747 = arith.constant 0 : i32
      %dma_start3A_748 = arith.constant 0 : i32
      %dma_start3A_749 = tpu.memref_slice %arg7[%dma_start3A_747, %dma_start3A_748] : memref<1040x128xf32, #tpu.memory_space<vmem_shared>> -> memref<1040x128xf32, #tpu.memory_space<vmem_shared>>
      %dma_start3A_750 = tpu.memref_slice %arg9[%rem3A_654] : memref<5x!tpu.dma_semaphore, #tpu.memory_space<semaphore_mem>> -> memref<1x!tpu.dma_semaphore, #tpu.memory_space<semaphore_mem>>
      %dma_start3A_751 = tpu.memref_squeeze %dma_start3A_750 : memref<1x!tpu.dma_semaphore, #tpu.memory_space<semaphore_mem>> -> memref<!tpu.dma_semaphore, #tpu.memory_space<semaphore_mem>>
      tpu.enqueue_indirect_dma source(%dma_start3A_746 : memref<16x128xf32, #tpu.memory_space<vmem>>) target(%dma_start3A_749 : memref<1040x128xf32, #tpu.memory_space<vmem_shared>>) offsets(%get3A_742 : vector<16xi32>) semaphore(%dma_start3A_751 : memref<!tpu.dma_semaphore, #tpu.memory_space<semaphore_mem>>) {add = true}
      %mul3A_752 = arith.constant 160 : i32
      %mul3A_753 = arith.muli %while3A_652, %mul3A_752 : i32
      %add3A_754 = arith.constant 80 : i32
      %add3A_755 = arith.addi %mul3A_753, %add3A_754 : i32
      %get3A_756 = arith.index_cast %add3A_755 : i32 to index
      %get3A_757 = tpu.vector_load %arg6[%get3A_756] {strides = array<i32>} : memref<3200xi32, #tpu.memory_space<vmem>>, vector<16xi32>,
      %get3A_758 = vector.shape_cast %get3A_757 : vector<16xi32> to vector<16xi32>
      %dma_start3A_759 = arith.constant 80 : i32
      %dma_start3A_760 = arith.constant 0 : i32
      %dma_start3A_761 = tpu.memref_slice %arg5[%rem3A_654, %dma_start3A_759, %dma_start3A_760] : memref<5x160x128xf32, #tpu.memory_space<vmem>> -> memref<1x16x128xf32, #tpu.memory_space<vmem>>
      %dma_start3A_762 = tpu.memref_squeeze %dma_start3A_761 : memref<1x16x128xf32, #tpu.memory_space<vmem>> -> memref<16x128xf32, #tpu.memory_space<vmem>>
      %dma_start3A_763 = arith.constant 0 : i32
      %dma_start3A_764 = arith.constant 0 : i32
      %dma_start3A_765 = tpu.memref_slice %arg7[%dma_start3A_763, %dma_start3A_764] : memref<1040x128xf32, #tpu.memory_space<vmem_shared>> -> memref<1040x128xf32, #tpu.memory_space<vmem_shared>>
      %dma_start3A_766 = tpu.memref_slice %arg9[%rem3A_654] : memref<5x!tpu.dma_semaphore, #tpu.memory_space<semaphore_mem>> -> memref<1x!tpu.dma_semaphore, #tpu.memory_space<semaphore_mem>>
      %dma_start3A_767 = tpu.memref_squeeze %dma_start3A_766 : memref<1x!tpu.dma_semaphore, #tpu.memory_space<semaphore_mem>> -> memref<!tpu.dma_semaphore, #tpu.memory_space<semaphore_mem>>
      tpu.enqueue_indirect_dma source(%dma_start3A_762 : memref<16x128xf32, #tpu.memory_space<vmem>>) target(%dma_start3A_765 : memref<1040x128xf32, #tpu.memory_space<vmem_shared>>) offsets(%get3A_758 : vector<16xi32>) semaphore(%dma_start3A_767 : memref<!tpu.dma_semaphore, #tpu.memory_space<semaphore_mem>>) {add = true}
      %mul3A_768 = arith.constant 160 : i32
      %mul3A_769 = arith.muli %while3A_652, %mul3A_768 : i32
      %add3A_770 = arith.constant 96 : i32
      %add3A_771 = arith.addi %mul3A_769, %add3A_770 : i32
      %get3A_772 = arith.index_cast %add3A_771 : i32 to index
      %get3A_773 = tpu.vector_load %arg6[%get3A_772] {strides = array<i32>} : memref<3200xi32, #tpu.memory_space<vmem>>, vector<16xi32>,
      %get3A_774 = vector.shape_cast %get3A_773 : vector<16xi32> to vector<16xi32>
      %dma_start3A_775 = arith.constant 96 : i32
      %dma_start3A_776 = arith.constant 0 : i32
      %dma_start3A_777 = tpu.memref_slice %arg5[%rem3A_654, %dma_start3A_775, %dma_start3A_776] : memref<5x160x128xf32, #tpu.memory_space<vmem>> -> memref<1x16x128xf32, #tpu.memory_space<vmem>>
      %dma_start3A_778 = tpu.memref_squeeze %dma_start3A_777 : memref<1x16x128xf32, #tpu.memory_space<vmem>> -> memref<16x128xf32, #tpu.memory_space<vmem>>
      %dma_start3A_779 = arith.constant 0 : i32
      %dma_start3A_780 = arith.constant 0 : i32
      %dma_start3A_781 = tpu.memref_slice %arg7[%dma_start3A_779, %dma_start3A_780] : memref<1040x128xf32, #tpu.memory_space<vmem_shared>> -> memref<1040x128xf32, #tpu.memory_space<vmem_shared>>
      %dma_start3A_782 = tpu.memref_slice %arg9[%rem3A_654] : memref<5x!tpu.dma_semaphore, #tpu.memory_space<semaphore_mem>> -> memref<1x!tpu.dma_semaphore, #tpu.memory_space<semaphore_mem>>
      %dma_start3A_783 = tpu.memref_squeeze %dma_start3A_782 : memref<1x!tpu.dma_semaphore, #tpu.memory_space<semaphore_mem>> -> memref<!tpu.dma_semaphore, #tpu.memory_space<semaphore_mem>>
      tpu.enqueue_indirect_dma source(%dma_start3A_778 : memref<16x128xf32, #tpu.memory_space<vmem>>) target(%dma_start3A_781 : memref<1040x128xf32, #tpu.memory_space<vmem_shared>>) offsets(%get3A_774 : vector<16xi32>) semaphore(%dma_start3A_783 : memref<!tpu.dma_semaphore, #tpu.memory_space<semaphore_mem>>) {add = true}
      %mul3A_784 = arith.constant 160 : i32
      %mul3A_785 = arith.muli %while3A_652, %mul3A_784 : i32
      %add3A_786 = arith.constant 112 : i32
      %add3A_787 = arith.addi %mul3A_785, %add3A_786 : i32
      %get3A_788 = arith.index_cast %add3A_787 : i32 to index
      %get3A_789 = tpu.vector_load %arg6[%get3A_788] {strides = array<i32>} : memref<3200xi32, #tpu.memory_space<vmem>>, vector<16xi32>,
      %get3A_790 = vector.shape_cast %get3A_789 : vector<16xi32> to vector<16xi32>
      %dma_start3A_791 = arith.constant 112 : i32
      %dma_start3A_792 = arith.constant 0 : i32
      %dma_start3A_793 = tpu.memref_slice %arg5[%rem3A_654, %dma_start3A_791, %dma_start3A_792] : memref<5x160x128xf32, #tpu.memory_space<vmem>> -> memref<1x16x128xf32, #tpu.memory_space<vmem>>
      %dma_start3A_794 = tpu.memref_squeeze %dma_start3A_793 : memref<1x16x128xf32, #tpu.memory_space<vmem>> -> memref<16x128xf32, #tpu.memory_space<vmem>>
      %dma_start3A_795 = arith.constant 0 : i32
      %dma_start3A_796 = arith.constant 0 : i32
      %dma_start3A_797 = tpu.memref_slice %arg7[%dma_start3A_795, %dma_start3A_796] : memref<1040x128xf32, #tpu.memory_space<vmem_shared>> -> memref<1040x128xf32, #tpu.memory_space<vmem_shared>>
      %dma_start3A_798 = tpu.memref_slice %arg9[%rem3A_654] : memref<5x!tpu.dma_semaphore, #tpu.memory_space<semaphore_mem>> -> memref<1x!tpu.dma_semaphore, #tpu.memory_space<semaphore_mem>>
      %dma_start3A_799 = tpu.memref_squeeze %dma_start3A_798 : memref<1x!tpu.dma_semaphore, #tpu.memory_space<semaphore_mem>> -> memref<!tpu.dma_semaphore, #tpu.memory_space<semaphore_mem>>
      tpu.enqueue_indirect_dma source(%dma_start3A_794 : memref<16x128xf32, #tpu.memory_space<vmem>>) target(%dma_start3A_797 : memref<1040x128xf32, #tpu.memory_space<vmem_shared>>) offsets(%get3A_790 : vector<16xi32>) semaphore(%dma_start3A_799 : memref<!tpu.dma_semaphore, #tpu.memory_space<semaphore_mem>>) {add = true}
      %mul3A_800 = arith.constant 160 : i32
      %mul3A_801 = arith.muli %while3A_652, %mul3A_800 : i32
      %add3A_802 = arith.constant 128 : i32
      %add3A_803 = arith.addi %mul3A_801, %add3A_802 : i32
      %get3A_804 = arith.index_cast %add3A_803 : i32 to index
      %get3A_805 = tpu.vector_load %arg6[%get3A_804] {strides = array<i32>} : memref<3200xi32, #tpu.memory_space<vmem>>, vector<16xi32>,
      %get3A_806 = vector.shape_cast %get3A_805 : vector<16xi32> to vector<16xi32>
      %dma_start3A_807 = arith.constant 128 : i32
      %dma_start3A_808 = arith.constant 0 : i32
      %dma_start3A_809 = tpu.memref_slice %arg5[%rem3A_654, %dma_start3A_807, %dma_start3A_808] : memref<5x160x128xf32, #tpu.memory_space<vmem>> -> memref<1x16x128xf32, #tpu.memory_space<vmem>>
      %dma_start3A_810 = tpu.memref_squeeze %dma_start3A_809 : memref<1x16x128xf32, #tpu.memory_space<vmem>> -> memref<16x128xf32, #tpu.memory_space<vmem>>
      %dma_start3A_811 = arith.constant 0 : i32
      %dma_start3A_812 = arith.constant 0 : i32
      %dma_start3A_813 = tpu.memref_slice %arg7[%dma_start3A_811, %dma_start3A_812] : memref<1040x128xf32, #tpu.memory_space<vmem_shared>> -> memref<1040x128xf32, #tpu.memory_space<vmem_shared>>
      %dma_start3A_814 = tpu.memref_slice %arg9[%rem3A_654] : memref<5x!tpu.dma_semaphore, #tpu.memory_space<semaphore_mem>> -> memref<1x!tpu.dma_semaphore, #tpu.memory_space<semaphore_mem>>
      %dma_start3A_815 = tpu.memref_squeeze %dma_start3A_814 : memref<1x!tpu.dma_semaphore, #tpu.memory_space<semaphore_mem>> -> memref<!tpu.dma_semaphore, #tpu.memory_space<semaphore_mem>>
      tpu.enqueue_indirect_dma source(%dma_start3A_810 : memref<16x128xf32, #tpu.memory_space<vmem>>) target(%dma_start3A_813 : memref<1040x128xf32, #tpu.memory_space<vmem_shared>>) offsets(%get3A_806 : vector<16xi32>) semaphore(%dma_start3A_815 : memref<!tpu.dma_semaphore, #tpu.memory_space<semaphore_mem>>) {add = true}
      %mul3A_816 = arith.constant 160 : i32
      %mul3A_817 = arith.muli %while3A_652, %mul3A_816 : i32
      %add3A_818 = arith.constant 144 : i32
      %add3A_819 = arith.addi %mul3A_817, %add3A_818 : i32
      %get3A_820 = arith.index_cast %add3A_819 : i32 to index
      %get3A_821 = tpu.vector_load %arg6[%get3A_820] {strides = array<i32>} : memref<3200xi32, #tpu.memory_space<vmem>>, vector<16xi32>,
      %get3A_822 = vector.shape_cast %get3A_821 : vector<16xi32> to vector<16xi32>
      %dma_start3A_823 = arith.constant 144 : i32
      %dma_start3A_824 = arith.constant 0 : i32
      %dma_start3A_825 = tpu.memref_slice %arg5[%rem3A_654, %dma_start3A_823, %dma_start3A_824] : memref<5x160x128xf32, #tpu.memory_space<vmem>> -> memref<1x16x128xf32, #tpu.memory_space<vmem>>
      %dma_start3A_826 = tpu.memref_squeeze %dma_start3A_825 : memref<1x16x128xf32, #tpu.memory_space<vmem>> -> memref<16x128xf32, #tpu.memory_space<vmem>>
      %dma_start3A_827 = arith.constant 0 : i32
      %dma_start3A_828 = arith.constant 0 : i32
      %dma_start3A_829 = tpu.memref_slice %arg7[%dma_start3A_827, %dma_start3A_828] : memref<1040x128xf32, #tpu.memory_space<vmem_shared>> -> memref<1040x128xf32, #tpu.memory_space<vmem_shared>>
      %dma_start3A_830 = tpu.memref_slice %arg9[%rem3A_654] : memref<5x!tpu.dma_semaphore, #tpu.memory_space<semaphore_mem>> -> memref<1x!tpu.dma_semaphore, #tpu.memory_space<semaphore_mem>>
      %dma_start3A_831 = tpu.memref_squeeze %dma_start3A_830 : memref<1x!tpu.dma_semaphore, #tpu.memory_space<semaphore_mem>> -> memref<!tpu.dma_semaphore, #tpu.memory_space<semaphore_mem>>
      tpu.enqueue_indirect_dma source(%dma_start3A_826 : memref<16x128xf32, #tpu.memory_space<vmem>>) target(%dma_start3A_829 : memref<1040x128xf32, #tpu.memory_space<vmem_shared>>) offsets(%get3A_822 : vector<16xi32>) semaphore(%dma_start3A_831 : memref<!tpu.dma_semaphore, #tpu.memory_space<semaphore_mem>>) {add = true}
      %add3A_832 = arith.constant 2 : i32
      %add3A_833 = arith.addi %while3A_652, %add3A_832 : i32
      %lt3A_834 = arith.cmpi slt, %add3A_833, %add3A_8 : i32
      %convert_element_type3A_835 = arith.extui %lt3A_834 : i1 to i32
      %cond3A_836 = arith.constant 0 : i32
      %cond3A_837 = arith.cmpi ne, %convert_element_type3A_835, %cond3A_836 : i32
      scf.if %cond3A_837 {
        %add3A_839 = arith.constant 2 : i32
        %add3A_840 = arith.addi %while3A_652, %add3A_839 : i32
        %rem3A_841 = arith.constant 5 : i32
        %rem3A_842 = arith.remsi %add3A_840, %rem3A_841 : i32
        %ge3A = arith.constant 3 : i32
        %ge3A_843 = arith.cmpi sge, %while3A_652, %ge3A : i32
        %convert_element_type3A_844 = arith.extui %ge3A_843 : i1 to i32
        %cond3A_845 = arith.constant 0 : i32
        %cond3A_846 = arith.cmpi ne, %convert_element_type3A_844, %cond3A_845 : i32
        scf.if %cond3A_846 {
          %get3A_865 = arith.constant 0 : index
          %get3A_866 = tpu.vector_load %arg6[%get3A_865] {strides = array<i32>} : memref<3200xi32, #tpu.memory_space<vmem>>, vector<16xi32>,
          %get3A_867 = vector.shape_cast %get3A_866 : vector<16xi32> to vector<16xi32>
          %dma_wait3A_868 = arith.constant 0 : i32
          %dma_wait3A_869 = arith.constant 0 : i32
          %dma_wait3A_870 = tpu.memref_slice %arg5[%rem3A_842, %dma_wait3A_868, %dma_wait3A_869] : memref<5x160x128xf32, #tpu.memory_space<vmem>> -> memref<1x16x128xf32, #tpu.memory_space<vmem>>
          %dma_wait3A_871 = tpu.memref_squeeze %dma_wait3A_870 : memref<1x16x128xf32, #tpu.memory_space<vmem>> -> memref<16x128xf32, #tpu.memory_space<vmem>>
          %dma_wait3A_872 = arith.constant 0 : i32
          %dma_wait3A_873 = arith.constant 0 : i32
          %dma_wait3A_874 = tpu.memref_slice %arg7[%dma_wait3A_872, %dma_wait3A_873] : memref<1040x128xf32, #tpu.memory_space<vmem_shared>> -> memref<1040x128xf32, #tpu.memory_space<vmem_shared>>
          %dma_wait3A_875 = tpu.memref_slice %arg9[%rem3A_842] : memref<5x!tpu.dma_semaphore, #tpu.memory_space<semaphore_mem>> -> memref<1x!tpu.dma_semaphore, #tpu.memory_space<semaphore_mem>>
          %dma_wait3A_876 = tpu.memref_squeeze %dma_wait3A_875 : memref<1x!tpu.dma_semaphore, #tpu.memory_space<semaphore_mem>> -> memref<!tpu.dma_semaphore, #tpu.memory_space<semaphore_mem>>
          tpu.wait_indirect_dma semaphore(%dma_wait3A_876 : memref<!tpu.dma_semaphore, #tpu.memory_space<semaphore_mem>>) src(%dma_wait3A_871 : memref<16x128xf32, #tpu.memory_space<vmem>>) dst(%dma_wait3A_874 : memref<1040x128xf32, #tpu.memory_space<vmem_shared>>)
          %dma_wait3A_877 = arith.constant 0 : i32
          %dma_wait3A_878 = arith.constant 0 : i32
          %dma_wait3A_879 = tpu.memref_slice %arg5[%rem3A_842, %dma_wait3A_877, %dma_wait3A_878] : memref<5x160x128xf32, #tpu.memory_space<vmem>> -> memref<1x16x128xf32, #tpu.memory_space<vmem>>
          %dma_wait3A_880 = tpu.memref_squeeze %dma_wait3A_879 : memref<1x16x128xf32, #tpu.memory_space<vmem>> -> memref<16x128xf32, #tpu.memory_space<vmem>>
          %dma_wait3A_881 = arith.constant 0 : i32
          %dma_wait3A_882 = arith.constant 0 : i32
          %dma_wait3A_883 = tpu.memref_slice %arg7[%dma_wait3A_881, %dma_wait3A_882] : memref<1040x128xf32, #tpu.memory_space<vmem_shared>> -> memref<1040x128xf32, #tpu.memory_space<vmem_shared>>
          %dma_wait3A_884 = tpu.memref_slice %arg9[%rem3A_842] : memref<5x!tpu.dma_semaphore, #tpu.memory_space<semaphore_mem>> -> memref<1x!tpu.dma_semaphore, #tpu.memory_space<semaphore_mem>>
          %dma_wait3A_885 = tpu.memref_squeeze %dma_wait3A_884 : memref<1x!tpu.dma_semaphore, #tpu.memory_space<semaphore_mem>> -> memref<!tpu.dma_semaphore, #tpu.memory_space<semaphore_mem>>
          tpu.wait_indirect_dma semaphore(%dma_wait3A_885 : memref<!tpu.dma_semaphore, #tpu.memory_space<semaphore_mem>>) src(%dma_wait3A_880 : memref<16x128xf32, #tpu.memory_space<vmem>>) dst(%dma_wait3A_883 : memref<1040x128xf32, #tpu.memory_space<vmem_shared>>)
          %dma_wait3A_886 = arith.constant 0 : i32
          %dma_wait3A_887 = arith.constant 0 : i32
          %dma_wait3A_888 = tpu.memref_slice %arg5[%rem3A_842, %dma_wait3A_886, %dma_wait3A_887] : memref<5x160x128xf32, #tpu.memory_space<vmem>> -> memref<1x16x128xf32, #tpu.memory_space<vmem>>
          %dma_wait3A_889 = tpu.memref_squeeze %dma_wait3A_888 : memref<1x16x128xf32, #tpu.memory_space<vmem>> -> memref<16x128xf32, #tpu.memory_space<vmem>>
          %dma_wait3A_890 = arith.constant 0 : i32
          %dma_wait3A_891 = arith.constant 0 : i32
          %dma_wait3A_892 = tpu.memref_slice %arg7[%dma_wait3A_890, %dma_wait3A_891] : memref<1040x128xf32, #tpu.memory_space<vmem_shared>> -> memref<1040x128xf32, #tpu.memory_space<vmem_shared>>
          %dma_wait3A_893 = tpu.memref_slice %arg9[%rem3A_842] : memref<5x!tpu.dma_semaphore, #tpu.memory_space<semaphore_mem>> -> memref<1x!tpu.dma_semaphore, #tpu.memory_space<semaphore_mem>>
          %dma_wait3A_894 = tpu.memref_squeeze %dma_wait3A_893 : memref<1x!tpu.dma_semaphore, #tpu.memory_space<semaphore_mem>> -> memref<!tpu.dma_semaphore, #tpu.memory_space<semaphore_mem>>
          tpu.wait_indirect_dma semaphore(%dma_wait3A_894 : memref<!tpu.dma_semaphore, #tpu.memory_space<semaphore_mem>>) src(%dma_wait3A_889 : memref<16x128xf32, #tpu.memory_space<vmem>>) dst(%dma_wait3A_892 : memref<1040x128xf32, #tpu.memory_space<vmem_shared>>)
          %dma_wait3A_895 = arith.constant 0 : i32
          %dma_wait3A_896 = arith.constant 0 : i32
          %dma_wait3A_897 = tpu.memref_slice %arg5[%rem3A_842, %dma_wait3A_895, %dma_wait3A_896] : memref<5x160x128xf32, #tpu.memory_space<vmem>> -> memref<1x16x128xf32, #tpu.memory_space<vmem>>
          %dma_wait3A_898 = tpu.memref_squeeze %dma_wait3A_897 : memref<1x16x128xf32, #tpu.memory_space<vmem>> -> memref<16x128xf32, #tpu.memory_space<vmem>>
          %dma_wait3A_899 = arith.constant 0 : i32
          %dma_wait3A_900 = arith.constant 0 : i32
          %dma_wait3A_901 = tpu.memref_slice %arg7[%dma_wait3A_899, %dma_wait3A_900] : memref<1040x128xf32, #tpu.memory_space<vmem_shared>> -> memref<1040x128xf32, #tpu.memory_space<vmem_shared>>
          %dma_wait3A_902 = tpu.memref_slice %arg9[%rem3A_842] : memref<5x!tpu.dma_semaphore, #tpu.memory_space<semaphore_mem>> -> memref<1x!tpu.dma_semaphore, #tpu.memory_space<semaphore_mem>>
          %dma_wait3A_903 = tpu.memref_squeeze %dma_wait3A_902 : memref<1x!tpu.dma_semaphore, #tpu.memory_space<semaphore_mem>> -> memref<!tpu.dma_semaphore, #tpu.memory_space<semaphore_mem>>
          tpu.wait_indirect_dma semaphore(%dma_wait3A_903 : memref<!tpu.dma_semaphore, #tpu.memory_space<semaphore_mem>>) src(%dma_wait3A_898 : memref<16x128xf32, #tpu.memory_space<vmem>>) dst(%dma_wait3A_901 : memref<1040x128xf32, #tpu.memory_space<vmem_shared>>)
          %dma_wait3A_904 = arith.constant 0 : i32
          %dma_wait3A_905 = arith.constant 0 : i32
          %dma_wait3A_906 = tpu.memref_slice %arg5[%rem3A_842, %dma_wait3A_904, %dma_wait3A_905] : memref<5x160x128xf32, #tpu.memory_space<vmem>> -> memref<1x16x128xf32, #tpu.memory_space<vmem>>
          %dma_wait3A_907 = tpu.memref_squeeze %dma_wait3A_906 : memref<1x16x128xf32, #tpu.memory_space<vmem>> -> memref<16x128xf32, #tpu.memory_space<vmem>>
          %dma_wait3A_908 = arith.constant 0 : i32
          %dma_wait3A_909 = arith.constant 0 : i32
          %dma_wait3A_910 = tpu.memref_slice %arg7[%dma_wait3A_908, %dma_wait3A_909] : memref<1040x128xf32, #tpu.memory_space<vmem_shared>> -> memref<1040x128xf32, #tpu.memory_space<vmem_shared>>
          %dma_wait3A_911 = tpu.memref_slice %arg9[%rem3A_842] : memref<5x!tpu.dma_semaphore, #tpu.memory_space<semaphore_mem>> -> memref<1x!tpu.dma_semaphore, #tpu.memory_space<semaphore_mem>>
          %dma_wait3A_912 = tpu.memref_squeeze %dma_wait3A_911 : memref<1x!tpu.dma_semaphore, #tpu.memory_space<semaphore_mem>> -> memref<!tpu.dma_semaphore, #tpu.memory_space<semaphore_mem>>
          tpu.wait_indirect_dma semaphore(%dma_wait3A_912 : memref<!tpu.dma_semaphore, #tpu.memory_space<semaphore_mem>>) src(%dma_wait3A_907 : memref<16x128xf32, #tpu.memory_space<vmem>>) dst(%dma_wait3A_910 : memref<1040x128xf32, #tpu.memory_space<vmem_shared>>)
          %dma_wait3A_913 = arith.constant 0 : i32
          %dma_wait3A_914 = arith.constant 0 : i32
          %dma_wait3A_915 = tpu.memref_slice %arg5[%rem3A_842, %dma_wait3A_913, %dma_wait3A_914] : memref<5x160x128xf32, #tpu.memory_space<vmem>> -> memref<1x16x128xf32, #tpu.memory_space<vmem>>
          %dma_wait3A_916 = tpu.memref_squeeze %dma_wait3A_915 : memref<1x16x128xf32, #tpu.memory_space<vmem>> -> memref<16x128xf32, #tpu.memory_space<vmem>>
          %dma_wait3A_917 = arith.constant 0 : i32
          %dma_wait3A_918 = arith.constant 0 : i32
          %dma_wait3A_919 = tpu.memref_slice %arg7[%dma_wait3A_917, %dma_wait3A_918] : memref<1040x128xf32, #tpu.memory_space<vmem_shared>> -> memref<1040x128xf32, #tpu.memory_space<vmem_shared>>
          %dma_wait3A_920 = tpu.memref_slice %arg9[%rem3A_842] : memref<5x!tpu.dma_semaphore, #tpu.memory_space<semaphore_mem>> -> memref<1x!tpu.dma_semaphore, #tpu.memory_space<semaphore_mem>>
          %dma_wait3A_921 = tpu.memref_squeeze %dma_wait3A_920 : memref<1x!tpu.dma_semaphore, #tpu.memory_space<semaphore_mem>> -> memref<!tpu.dma_semaphore, #tpu.memory_space<semaphore_mem>>
          tpu.wait_indirect_dma semaphore(%dma_wait3A_921 : memref<!tpu.dma_semaphore, #tpu.memory_space<semaphore_mem>>) src(%dma_wait3A_916 : memref<16x128xf32, #tpu.memory_space<vmem>>) dst(%dma_wait3A_919 : memref<1040x128xf32, #tpu.memory_space<vmem_shared>>)
          %dma_wait3A_922 = arith.constant 0 : i32
          %dma_wait3A_923 = arith.constant 0 : i32
          %dma_wait3A_924 = tpu.memref_slice %arg5[%rem3A_842, %dma_wait3A_922, %dma_wait3A_923] : memref<5x160x128xf32, #tpu.memory_space<vmem>> -> memref<1x16x128xf32, #tpu.memory_space<vmem>>
          %dma_wait3A_925 = tpu.memref_squeeze %dma_wait3A_924 : memref<1x16x128xf32, #tpu.memory_space<vmem>> -> memref<16x128xf32, #tpu.memory_space<vmem>>
          %dma_wait3A_926 = arith.constant 0 : i32
          %dma_wait3A_927 = arith.constant 0 : i32
          %dma_wait3A_928 = tpu.memref_slice %arg7[%dma_wait3A_926, %dma_wait3A_927] : memref<1040x128xf32, #tpu.memory_space<vmem_shared>> -> memref<1040x128xf32, #tpu.memory_space<vmem_shared>>
          %dma_wait3A_929 = tpu.memref_slice %arg9[%rem3A_842] : memref<5x!tpu.dma_semaphore, #tpu.memory_space<semaphore_mem>> -> memref<1x!tpu.dma_semaphore, #tpu.memory_space<semaphore_mem>>
          %dma_wait3A_930 = tpu.memref_squeeze %dma_wait3A_929 : memref<1x!tpu.dma_semaphore, #tpu.memory_space<semaphore_mem>> -> memref<!tpu.dma_semaphore, #tpu.memory_space<semaphore_mem>>
          tpu.wait_indirect_dma semaphore(%dma_wait3A_930 : memref<!tpu.dma_semaphore, #tpu.memory_space<semaphore_mem>>) src(%dma_wait3A_925 : memref<16x128xf32, #tpu.memory_space<vmem>>) dst(%dma_wait3A_928 : memref<1040x128xf32, #tpu.memory_space<vmem_shared>>)
          %dma_wait3A_931 = arith.constant 0 : i32
          %dma_wait3A_932 = arith.constant 0 : i32
          %dma_wait3A_933 = tpu.memref_slice %arg5[%rem3A_842, %dma_wait3A_931, %dma_wait3A_932] : memref<5x160x128xf32, #tpu.memory_space<vmem>> -> memref<1x16x128xf32, #tpu.memory_space<vmem>>
          %dma_wait3A_934 = tpu.memref_squeeze %dma_wait3A_933 : memref<1x16x128xf32, #tpu.memory_space<vmem>> -> memref<16x128xf32, #tpu.memory_space<vmem>>
          %dma_wait3A_935 = arith.constant 0 : i32
          %dma_wait3A_936 = arith.constant 0 : i32
          %dma_wait3A_937 = tpu.memref_slice %arg7[%dma_wait3A_935, %dma_wait3A_936] : memref<1040x128xf32, #tpu.memory_space<vmem_shared>> -> memref<1040x128xf32, #tpu.memory_space<vmem_shared>>
          %dma_wait3A_938 = tpu.memref_slice %arg9[%rem3A_842] : memref<5x!tpu.dma_semaphore, #tpu.memory_space<semaphore_mem>> -> memref<1x!tpu.dma_semaphore, #tpu.memory_space<semaphore_mem>>
          %dma_wait3A_939 = tpu.memref_squeeze %dma_wait3A_938 : memref<1x!tpu.dma_semaphore, #tpu.memory_space<semaphore_mem>> -> memref<!tpu.dma_semaphore, #tpu.memory_space<semaphore_mem>>
          tpu.wait_indirect_dma semaphore(%dma_wait3A_939 : memref<!tpu.dma_semaphore, #tpu.memory_space<semaphore_mem>>) src(%dma_wait3A_934 : memref<16x128xf32, #tpu.memory_space<vmem>>) dst(%dma_wait3A_937 : memref<1040x128xf32, #tpu.memory_space<vmem_shared>>)
          %dma_wait3A_940 = arith.constant 0 : i32
          %dma_wait3A_941 = arith.constant 0 : i32
          %dma_wait3A_942 = tpu.memref_slice %arg5[%rem3A_842, %dma_wait3A_940, %dma_wait3A_941] : memref<5x160x128xf32, #tpu.memory_space<vmem>> -> memref<1x16x128xf32, #tpu.memory_space<vmem>>
          %dma_wait3A_943 = tpu.memref_squeeze %dma_wait3A_942 : memref<1x16x128xf32, #tpu.memory_space<vmem>> -> memref<16x128xf32, #tpu.memory_space<vmem>>
          %dma_wait3A_944 = arith.constant 0 : i32
          %dma_wait3A_945 = arith.constant 0 : i32
          %dma_wait3A_946 = tpu.memref_slice %arg7[%dma_wait3A_944, %dma_wait3A_945] : memref<1040x128xf32, #tpu.memory_space<vmem_shared>> -> memref<1040x128xf32, #tpu.memory_space<vmem_shared>>
          %dma_wait3A_947 = tpu.memref_slice %arg9[%rem3A_842] : memref<5x!tpu.dma_semaphore, #tpu.memory_space<semaphore_mem>> -> memref<1x!tpu.dma_semaphore, #tpu.memory_space<semaphore_mem>>
          %dma_wait3A_948 = tpu.memref_squeeze %dma_wait3A_947 : memref<1x!tpu.dma_semaphore, #tpu.memory_space<semaphore_mem>> -> memref<!tpu.dma_semaphore, #tpu.memory_space<semaphore_mem>>
          tpu.wait_indirect_dma semaphore(%dma_wait3A_948 : memref<!tpu.dma_semaphore, #tpu.memory_space<semaphore_mem>>) src(%dma_wait3A_943 : memref<16x128xf32, #tpu.memory_space<vmem>>) dst(%dma_wait3A_946 : memref<1040x128xf32, #tpu.memory_space<vmem_shared>>)
          %dma_wait3A_949 = arith.constant 0 : i32
          %dma_wait3A_950 = arith.constant 0 : i32
          %dma_wait3A_951 = tpu.memref_slice %arg5[%rem3A_842, %dma_wait3A_949, %dma_wait3A_950] : memref<5x160x128xf32, #tpu.memory_space<vmem>> -> memref<1x16x128xf32, #tpu.memory_space<vmem>>
          %dma_wait3A_952 = tpu.memref_squeeze %dma_wait3A_951 : memref<1x16x128xf32, #tpu.memory_space<vmem>> -> memref<16x128xf32, #tpu.memory_space<vmem>>
          %dma_wait3A_953 = arith.constant 0 : i32
          %dma_wait3A_954 = arith.constant 0 : i32
          %dma_wait3A_955 = tpu.memref_slice %arg7[%dma_wait3A_953, %dma_wait3A_954] : memref<1040x128xf32, #tpu.memory_space<vmem_shared>> -> memref<1040x128xf32, #tpu.memory_space<vmem_shared>>
          %dma_wait3A_956 = tpu.memref_slice %arg9[%rem3A_842] : memref<5x!tpu.dma_semaphore, #tpu.memory_space<semaphore_mem>> -> memref<1x!tpu.dma_semaphore, #tpu.memory_space<semaphore_mem>>
          %dma_wait3A_957 = tpu.memref_squeeze %dma_wait3A_956 : memref<1x!tpu.dma_semaphore, #tpu.memory_space<semaphore_mem>> -> memref<!tpu.dma_semaphore, #tpu.memory_space<semaphore_mem>>
          tpu.wait_indirect_dma semaphore(%dma_wait3A_957 : memref<!tpu.dma_semaphore, #tpu.memory_space<semaphore_mem>>) src(%dma_wait3A_952 : memref<16x128xf32, #tpu.memory_space<vmem>>) dst(%dma_wait3A_955 : memref<1040x128xf32, #tpu.memory_space<vmem_shared>>)
        } else {
        }
        %add3A_847 = arith.constant 2 : i32
        %add3A_848 = arith.addi %add3A_655, %add3A_847 : i32
        %mul3A_849 = arith.constant 160 : i32
        %mul3A_850 = arith.muli %add3A_848, %mul3A_849 : i32
        %dma_start3A_851 = arith.constant 0 : i32
        %dma_start3A_852 = arith.constant 0 : i32
        %dma_start3A_853 = tpu.memref_slice %arg5[%rem3A_842, %dma_start3A_851, %dma_start3A_852] : memref<5x160x128xf32, #tpu.memory_space<vmem>> -> memref<1x160x128xf32, #tpu.memory_space<vmem>>
        %dma_start3A_854 = tpu.memref_squeeze %dma_start3A_853 : memref<1x160x128xf32, #tpu.memory_space<vmem>> -> memref<160x128xf32, #tpu.memory_space<vmem>>
        %dma_start3A_855 = arith.constant 0 : i32
        %dma_start3A_856 = tpu.memref_slice %arg2[%mul3A_850, %dma_start3A_855] : memref<100000x128xf32, #tpu.memory_space<hbm>> -> memref<160x128xf32, #tpu.memory_space<hbm>>
        %dma_start3A_857 = tpu.memref_slice %arg8[%rem3A_842] : memref<5x!tpu.dma_semaphore, #tpu.memory_space<semaphore_mem>> -> memref<1x!tpu.dma_semaphore, #tpu.memory_space<semaphore_mem>>
        %dma_start3A_858 = tpu.memref_squeeze %dma_start3A_857 : memref<1x!tpu.dma_semaphore, #tpu.memory_space<semaphore_mem>> -> memref<!tpu.dma_semaphore, #tpu.memory_space<semaphore_mem>>
        %dma_start3A_859 = arith.constant 0 : i32
        %dma_start3A_860 = arith.constant 0 : i32
        %dma_start3A_861 = tpu.memref_slice %arg5[%rem3A_842, %dma_start3A_859, %dma_start3A_860] : memref<5x160x128xf32, #tpu.memory_space<vmem>> -> memref<1x160x128xf32, #tpu.memory_space<vmem>>
        %dma_start3A_862 = tpu.memref_squeeze %dma_start3A_861 : memref<1x160x128xf32, #tpu.memory_space<vmem>> -> memref<160x128xf32, #tpu.memory_space<vmem>>
        %dma_start3A_863 = arith.constant 0 : i32
        %dma_start3A_864 = tpu.memref_slice %arg2[%mul3A_850, %dma_start3A_863] : memref<100000x128xf32, #tpu.memory_space<hbm>> -> memref<160x128xf32, #tpu.memory_space<hbm>>
        tpu.enqueue_dma source(%dma_start3A_864 : memref<160x128xf32, #tpu.memory_space<hbm>>) target(%dma_start3A_862 : memref<160x128xf32, #tpu.memory_space<vmem>>) target_semaphore(%dma_start3A_858 : memref<!tpu.dma_semaphore, #tpu.memory_space<semaphore_mem>>)
      } else {
      }
      %while3A_838 = arith.constant 0 : i32
      scf.yield %while3A_838 : i32
    }
    %get3A = arith.constant 0 : index
    %get3A_84 = tpu.vector_load %arg6[%get3A] {strides = array<i32>} : memref<3200xi32, #tpu.memory_space<vmem>>, vector<16xi32>,
    %get3A_85 = vector.shape_cast %get3A_84 : vector<16xi32> to vector<16xi32>
    %dma_wait3A = arith.constant 0 : i32
    %dma_wait3A_86 = arith.constant 0 : i32
    %dma_wait3A_87 = arith.constant 0 : i32
    %dma_wait3A_88 = arith.constant 0 : i32
    %dma_wait3A_89 = tpu.memref_slice %arg5[%dma_wait3A, %dma_wait3A_87, %dma_wait3A_88] : memref<5x160x128xf32, #tpu.memory_space<vmem>> -> memref<1x16x128xf32, #tpu.memory_space<vmem>>
    %dma_wait3A_90 = tpu.memref_squeeze %dma_wait3A_89 : memref<1x16x128xf32, #tpu.memory_space<vmem>> -> memref<16x128xf32, #tpu.memory_space<vmem>>
    %dma_wait3A_91 = arith.constant 0 : i32
    %dma_wait3A_92 = arith.constant 0 : i32
    %dma_wait3A_93 = tpu.memref_slice %arg7[%dma_wait3A_91, %dma_wait3A_92] : memref<1040x128xf32, #tpu.memory_space<vmem_shared>> -> memref<1040x128xf32, #tpu.memory_space<vmem_shared>>
    %dma_wait3A_94 = tpu.memref_slice %arg9[%dma_wait3A_86] : memref<5x!tpu.dma_semaphore, #tpu.memory_space<semaphore_mem>> -> memref<1x!tpu.dma_semaphore, #tpu.memory_space<semaphore_mem>>
    %dma_wait3A_95 = tpu.memref_squeeze %dma_wait3A_94 : memref<1x!tpu.dma_semaphore, #tpu.memory_space<semaphore_mem>> -> memref<!tpu.dma_semaphore, #tpu.memory_space<semaphore_mem>>
    tpu.wait_indirect_dma semaphore(%dma_wait3A_95 : memref<!tpu.dma_semaphore, #tpu.memory_space<semaphore_mem>>) src(%dma_wait3A_90 : memref<16x128xf32, #tpu.memory_space<vmem>>) dst(%dma_wait3A_93 : memref<1040x128xf32, #tpu.memory_space<vmem_shared>>)
    %dma_wait3A_96 = arith.constant 0 : i32
    %dma_wait3A_97 = arith.constant 0 : i32
    %dma_wait3A_98 = arith.constant 0 : i32
    %dma_wait3A_99 = arith.constant 0 : i32
    %dma_wait3A_100 = tpu.memref_slice %arg5[%dma_wait3A_96, %dma_wait3A_98, %dma_wait3A_99] : memref<5x160x128xf32, #tpu.memory_space<vmem>> -> memref<1x16x128xf32, #tpu.memory_space<vmem>>
    %dma_wait3A_101 = tpu.memref_squeeze %dma_wait3A_100 : memref<1x16x128xf32, #tpu.memory_space<vmem>> -> memref<16x128xf32, #tpu.memory_space<vmem>>
    %dma_wait3A_102 = arith.constant 0 : i32
    %dma_wait3A_103 = arith.constant 0 : i32
    %dma_wait3A_104 = tpu.memref_slice %arg7[%dma_wait3A_102, %dma_wait3A_103] : memref<1040x128xf32, #tpu.memory_space<vmem_shared>> -> memref<1040x128xf32, #tpu.memory_space<vmem_shared>>
    %dma_wait3A_105 = tpu.memref_slice %arg9[%dma_wait3A_97] : memref<5x!tpu.dma_semaphore, #tpu.memory_space<semaphore_mem>> -> memref<1x!tpu.dma_semaphore, #tpu.memory_space<semaphore_mem>>
    %dma_wait3A_106 = tpu.memref_squeeze %dma_wait3A_105 : memref<1x!tpu.dma_semaphore, #tpu.memory_space<semaphore_mem>> -> memref<!tpu.dma_semaphore, #tpu.memory_space<semaphore_mem>>
    tpu.wait_indirect_dma semaphore(%dma_wait3A_106 : memref<!tpu.dma_semaphore, #tpu.memory_space<semaphore_mem>>) src(%dma_wait3A_101 : memref<16x128xf32, #tpu.memory_space<vmem>>) dst(%dma_wait3A_104 : memref<1040x128xf32, #tpu.memory_space<vmem_shared>>)
    %dma_wait3A_107 = arith.constant 0 : i32
    %dma_wait3A_108 = arith.constant 0 : i32
    %dma_wait3A_109 = arith.constant 0 : i32
    %dma_wait3A_110 = arith.constant 0 : i32
    %dma_wait3A_111 = tpu.memref_slice %arg5[%dma_wait3A_107, %dma_wait3A_109, %dma_wait3A_110] : memref<5x160x128xf32, #tpu.memory_space<vmem>> -> memref<1x16x128xf32, #tpu.memory_space<vmem>>
    %dma_wait3A_112 = tpu.memref_squeeze %dma_wait3A_111 : memref<1x16x128xf32, #tpu.memory_space<vmem>> -> memref<16x128xf32, #tpu.memory_space<vmem>>
    %dma_wait3A_113 = arith.constant 0 : i32
    %dma_wait3A_114 = arith.constant 0 : i32
    %dma_wait3A_115 = tpu.memref_slice %arg7[%dma_wait3A_113, %dma_wait3A_114] : memref<1040x128xf32, #tpu.memory_space<vmem_shared>> -> memref<1040x128xf32, #tpu.memory_space<vmem_shared>>
    %dma_wait3A_116 = tpu.memref_slice %arg9[%dma_wait3A_108] : memref<5x!tpu.dma_semaphore, #tpu.memory_space<semaphore_mem>> -> memref<1x!tpu.dma_semaphore, #tpu.memory_space<semaphore_mem>>
    %dma_wait3A_117 = tpu.memref_squeeze %dma_wait3A_116 : memref<1x!tpu.dma_semaphore, #tpu.memory_space<semaphore_mem>> -> memref<!tpu.dma_semaphore, #tpu.memory_space<semaphore_mem>>
    tpu.wait_indirect_dma semaphore(%dma_wait3A_117 : memref<!tpu.dma_semaphore, #tpu.memory_space<semaphore_mem>>) src(%dma_wait3A_112 : memref<16x128xf32, #tpu.memory_space<vmem>>) dst(%dma_wait3A_115 : memref<1040x128xf32, #tpu.memory_space<vmem_shared>>)
    %dma_wait3A_118 = arith.constant 0 : i32
    %dma_wait3A_119 = arith.constant 0 : i32
    %dma_wait3A_120 = arith.constant 0 : i32
    %dma_wait3A_121 = arith.constant 0 : i32
    %dma_wait3A_122 = tpu.memref_slice %arg5[%dma_wait3A_118, %dma_wait3A_120, %dma_wait3A_121] : memref<5x160x128xf32, #tpu.memory_space<vmem>> -> memref<1x16x128xf32, #tpu.memory_space<vmem>>
    %dma_wait3A_123 = tpu.memref_squeeze %dma_wait3A_122 : memref<1x16x128xf32, #tpu.memory_space<vmem>> -> memref<16x128xf32, #tpu.memory_space<vmem>>
    %dma_wait3A_124 = arith.constant 0 : i32
    %dma_wait3A_125 = arith.constant 0 : i32
    %dma_wait3A_126 = tpu.memref_slice %arg7[%dma_wait3A_124, %dma_wait3A_125] : memref<1040x128xf32, #tpu.memory_space<vmem_shared>> -> memref<1040x128xf32, #tpu.memory_space<vmem_shared>>
    %dma_wait3A_127 = tpu.memref_slice %arg9[%dma_wait3A_119] : memref<5x!tpu.dma_semaphore, #tpu.memory_space<semaphore_mem>> -> memref<1x!tpu.dma_semaphore, #tpu.memory_space<semaphore_mem>>
    %dma_wait3A_128 = tpu.memref_squeeze %dma_wait3A_127 : memref<1x!tpu.dma_semaphore, #tpu.memory_space<semaphore_mem>> -> memref<!tpu.dma_semaphore, #tpu.memory_space<semaphore_mem>>
    tpu.wait_indirect_dma semaphore(%dma_wait3A_128 : memref<!tpu.dma_semaphore, #tpu.memory_space<semaphore_mem>>) src(%dma_wait3A_123 : memref<16x128xf32, #tpu.memory_space<vmem>>) dst(%dma_wait3A_126 : memref<1040x128xf32, #tpu.memory_space<vmem_shared>>)
    %dma_wait3A_129 = arith.constant 0 : i32
    %dma_wait3A_130 = arith.constant 0 : i32
    %dma_wait3A_131 = arith.constant 0 : i32
    %dma_wait3A_132 = arith.constant 0 : i32
    %dma_wait3A_133 = tpu.memref_slice %arg5[%dma_wait3A_129, %dma_wait3A_131, %dma_wait3A_132] : memref<5x160x128xf32, #tpu.memory_space<vmem>> -> memref<1x16x128xf32, #tpu.memory_space<vmem>>
    %dma_wait3A_134 = tpu.memref_squeeze %dma_wait3A_133 : memref<1x16x128xf32, #tpu.memory_space<vmem>> -> memref<16x128xf32, #tpu.memory_space<vmem>>
    %dma_wait3A_135 = arith.constant 0 : i32
    %dma_wait3A_136 = arith.constant 0 : i32
    %dma_wait3A_137 = tpu.memref_slice %arg7[%dma_wait3A_135, %dma_wait3A_136] : memref<1040x128xf32, #tpu.memory_space<vmem_shared>> -> memref<1040x128xf32, #tpu.memory_space<vmem_shared>>
    %dma_wait3A_138 = tpu.memref_slice %arg9[%dma_wait3A_130] : memref<5x!tpu.dma_semaphore, #tpu.memory_space<semaphore_mem>> -> memref<1x!tpu.dma_semaphore, #tpu.memory_space<semaphore_mem>>
    %dma_wait3A_139 = tpu.memref_squeeze %dma_wait3A_138 : memref<1x!tpu.dma_semaphore, #tpu.memory_space<semaphore_mem>> -> memref<!tpu.dma_semaphore, #tpu.memory_space<semaphore_mem>>
    tpu.wait_indirect_dma semaphore(%dma_wait3A_139 : memref<!tpu.dma_semaphore, #tpu.memory_space<semaphore_mem>>) src(%dma_wait3A_134 : memref<16x128xf32, #tpu.memory_space<vmem>>) dst(%dma_wait3A_137 : memref<1040x128xf32, #tpu.memory_space<vmem_shared>>)
    %dma_wait3A_140 = arith.constant 0 : i32
    %dma_wait3A_141 = arith.constant 0 : i32
    %dma_wait3A_142 = arith.constant 0 : i32
    %dma_wait3A_143 = arith.constant 0 : i32
    %dma_wait3A_144 = tpu.memref_slice %arg5[%dma_wait3A_140, %dma_wait3A_142, %dma_wait3A_143] : memref<5x160x128xf32, #tpu.memory_space<vmem>> -> memref<1x16x128xf32, #tpu.memory_space<vmem>>
    %dma_wait3A_145 = tpu.memref_squeeze %dma_wait3A_144 : memref<1x16x128xf32, #tpu.memory_space<vmem>> -> memref<16x128xf32, #tpu.memory_space<vmem>>
    %dma_wait3A_146 = arith.constant 0 : i32
    %dma_wait3A_147 = arith.constant 0 : i32
    %dma_wait3A_148 = tpu.memref_slice %arg7[%dma_wait3A_146, %dma_wait3A_147] : memref<1040x128xf32, #tpu.memory_space<vmem_shared>> -> memref<1040x128xf32, #tpu.memory_space<vmem_shared>>
    %dma_wait3A_149 = tpu.memref_slice %arg9[%dma_wait3A_141] : memref<5x!tpu.dma_semaphore, #tpu.memory_space<semaphore_mem>> -> memref<1x!tpu.dma_semaphore, #tpu.memory_space<semaphore_mem>>
    %dma_wait3A_150 = tpu.memref_squeeze %dma_wait3A_149 : memref<1x!tpu.dma_semaphore, #tpu.memory_space<semaphore_mem>> -> memref<!tpu.dma_semaphore, #tpu.memory_space<semaphore_mem>>
    tpu.wait_indirect_dma semaphore(%dma_wait3A_150 : memref<!tpu.dma_semaphore, #tpu.memory_space<semaphore_mem>>) src(%dma_wait3A_145 : memref<16x128xf32, #tpu.memory_space<vmem>>) dst(%dma_wait3A_148 : memref<1040x128xf32, #tpu.memory_space<vmem_shared>>)
    %dma_wait3A_151 = arith.constant 0 : i32
    %dma_wait3A_152 = arith.constant 0 : i32
    %dma_wait3A_153 = arith.constant 0 : i32
    %dma_wait3A_154 = arith.constant 0 : i32
    %dma_wait3A_155 = tpu.memref_slice %arg5[%dma_wait3A_151, %dma_wait3A_153, %dma_wait3A_154] : memref<5x160x128xf32, #tpu.memory_space<vmem>> -> memref<1x16x128xf32, #tpu.memory_space<vmem>>
    %dma_wait3A_156 = tpu.memref_squeeze %dma_wait3A_155 : memref<1x16x128xf32, #tpu.memory_space<vmem>> -> memref<16x128xf32, #tpu.memory_space<vmem>>
    %dma_wait3A_157 = arith.constant 0 : i32
    %dma_wait3A_158 = arith.constant 0 : i32
    %dma_wait3A_159 = tpu.memref_slice %arg7[%dma_wait3A_157, %dma_wait3A_158] : memref<1040x128xf32, #tpu.memory_space<vmem_shared>> -> memref<1040x128xf32, #tpu.memory_space<vmem_shared>>
    %dma_wait3A_160 = tpu.memref_slice %arg9[%dma_wait3A_152] : memref<5x!tpu.dma_semaphore, #tpu.memory_space<semaphore_mem>> -> memref<1x!tpu.dma_semaphore, #tpu.memory_space<semaphore_mem>>
    %dma_wait3A_161 = tpu.memref_squeeze %dma_wait3A_160 : memref<1x!tpu.dma_semaphore, #tpu.memory_space<semaphore_mem>> -> memref<!tpu.dma_semaphore, #tpu.memory_space<semaphore_mem>>
    tpu.wait_indirect_dma semaphore(%dma_wait3A_161 : memref<!tpu.dma_semaphore, #tpu.memory_space<semaphore_mem>>) src(%dma_wait3A_156 : memref<16x128xf32, #tpu.memory_space<vmem>>) dst(%dma_wait3A_159 : memref<1040x128xf32, #tpu.memory_space<vmem_shared>>)
    %dma_wait3A_162 = arith.constant 0 : i32
    %dma_wait3A_163 = arith.constant 0 : i32
    %dma_wait3A_164 = arith.constant 0 : i32
    %dma_wait3A_165 = arith.constant 0 : i32
    %dma_wait3A_166 = tpu.memref_slice %arg5[%dma_wait3A_162, %dma_wait3A_164, %dma_wait3A_165] : memref<5x160x128xf32, #tpu.memory_space<vmem>> -> memref<1x16x128xf32, #tpu.memory_space<vmem>>
    %dma_wait3A_167 = tpu.memref_squeeze %dma_wait3A_166 : memref<1x16x128xf32, #tpu.memory_space<vmem>> -> memref<16x128xf32, #tpu.memory_space<vmem>>
    %dma_wait3A_168 = arith.constant 0 : i32
    %dma_wait3A_169 = arith.constant 0 : i32
    %dma_wait3A_170 = tpu.memref_slice %arg7[%dma_wait3A_168, %dma_wait3A_169] : memref<1040x128xf32, #tpu.memory_space<vmem_shared>> -> memref<1040x128xf32, #tpu.memory_space<vmem_shared>>
    %dma_wait3A_171 = tpu.memref_slice %arg9[%dma_wait3A_163] : memref<5x!tpu.dma_semaphore, #tpu.memory_space<semaphore_mem>> -> memref<1x!tpu.dma_semaphore, #tpu.memory_space<semaphore_mem>>
    %dma_wait3A_172 = tpu.memref_squeeze %dma_wait3A_171 : memref<1x!tpu.dma_semaphore, #tpu.memory_space<semaphore_mem>> -> memref<!tpu.dma_semaphore, #tpu.memory_space<semaphore_mem>>
    tpu.wait_indirect_dma semaphore(%dma_wait3A_172 : memref<!tpu.dma_semaphore, #tpu.memory_space<semaphore_mem>>) src(%dma_wait3A_167 : memref<16x128xf32, #tpu.memory_space<vmem>>) dst(%dma_wait3A_170 : memref<1040x128xf32, #tpu.memory_space<vmem_shared>>)
    %dma_wait3A_173 = arith.constant 0 : i32
    %dma_wait3A_174 = arith.constant 0 : i32
    %dma_wait3A_175 = arith.constant 0 : i32
    %dma_wait3A_176 = arith.constant 0 : i32
    %dma_wait3A_177 = tpu.memref_slice %arg5[%dma_wait3A_173, %dma_wait3A_175, %dma_wait3A_176] : memref<5x160x128xf32, #tpu.memory_space<vmem>> -> memref<1x16x128xf32, #tpu.memory_space<vmem>>
    %dma_wait3A_178 = tpu.memref_squeeze %dma_wait3A_177 : memref<1x16x128xf32, #tpu.memory_space<vmem>> -> memref<16x128xf32, #tpu.memory_space<vmem>>
    %dma_wait3A_179 = arith.constant 0 : i32
    %dma_wait3A_180 = arith.constant 0 : i32
    %dma_wait3A_181 = tpu.memref_slice %arg7[%dma_wait3A_179, %dma_wait3A_180] : memref<1040x128xf32, #tpu.memory_space<vmem_shared>> -> memref<1040x128xf32, #tpu.memory_space<vmem_shared>>
    %dma_wait3A_182 = tpu.memref_slice %arg9[%dma_wait3A_174] : memref<5x!tpu.dma_semaphore, #tpu.memory_space<semaphore_mem>> -> memref<1x!tpu.dma_semaphore, #tpu.memory_space<semaphore_mem>>
    %dma_wait3A_183 = tpu.memref_squeeze %dma_wait3A_182 : memref<1x!tpu.dma_semaphore, #tpu.memory_space<semaphore_mem>> -> memref<!tpu.dma_semaphore, #tpu.memory_space<semaphore_mem>>
    tpu.wait_indirect_dma semaphore(%dma_wait3A_183 : memref<!tpu.dma_semaphore, #tpu.memory_space<semaphore_mem>>) src(%dma_wait3A_178 : memref<16x128xf32, #tpu.memory_space<vmem>>) dst(%dma_wait3A_181 : memref<1040x128xf32, #tpu.memory_space<vmem_shared>>)
    %dma_wait3A_184 = arith.constant 0 : i32
    %dma_wait3A_185 = arith.constant 0 : i32
    %dma_wait3A_186 = arith.constant 0 : i32
    %dma_wait3A_187 = arith.constant 0 : i32
    %dma_wait3A_188 = tpu.memref_slice %arg5[%dma_wait3A_184, %dma_wait3A_186, %dma_wait3A_187] : memref<5x160x128xf32, #tpu.memory_space<vmem>> -> memref<1x16x128xf32, #tpu.memory_space<vmem>>
    %dma_wait3A_189 = tpu.memref_squeeze %dma_wait3A_188 : memref<1x16x128xf32, #tpu.memory_space<vmem>> -> memref<16x128xf32, #tpu.memory_space<vmem>>
    %dma_wait3A_190 = arith.constant 0 : i32
    %dma_wait3A_191 = arith.constant 0 : i32
    %dma_wait3A_192 = tpu.memref_slice %arg7[%dma_wait3A_190, %dma_wait3A_191] : memref<1040x128xf32, #tpu.memory_space<vmem_shared>> -> memref<1040x128xf32, #tpu.memory_space<vmem_shared>>
    %dma_wait3A_193 = tpu.memref_slice %arg9[%dma_wait3A_185] : memref<5x!tpu.dma_semaphore, #tpu.memory_space<semaphore_mem>> -> memref<1x!tpu.dma_semaphore, #tpu.memory_space<semaphore_mem>>
    %dma_wait3A_194 = tpu.memref_squeeze %dma_wait3A_193 : memref<1x!tpu.dma_semaphore, #tpu.memory_space<semaphore_mem>> -> memref<!tpu.dma_semaphore, #tpu.memory_space<semaphore_mem>>
    tpu.wait_indirect_dma semaphore(%dma_wait3A_194 : memref<!tpu.dma_semaphore, #tpu.memory_space<semaphore_mem>>) src(%dma_wait3A_189 : memref<16x128xf32, #tpu.memory_space<vmem>>) dst(%dma_wait3A_192 : memref<1040x128xf32, #tpu.memory_space<vmem_shared>>)
    %get3A_195 = arith.constant 0 : index
    %get3A_196 = tpu.vector_load %arg6[%get3A_195] {strides = array<i32>} : memref<3200xi32, #tpu.memory_space<vmem>>, vector<16xi32>,
    %get3A_197 = vector.shape_cast %get3A_196 : vector<16xi32> to vector<16xi32>
    %dma_wait3A_198 = arith.constant 1 : i32
    %dma_wait3A_199 = arith.constant 1 : i32
    %dma_wait3A_200 = arith.constant 0 : i32
    %dma_wait3A_201 = arith.constant 0 : i32
    %dma_wait3A_202 = tpu.memref_slice %arg5[%dma_wait3A_198, %dma_wait3A_200, %dma_wait3A_201] : memref<5x160x128xf32, #tpu.memory_space<vmem>> -> memref<1x16x128xf32, #tpu.memory_space<vmem>>
    %dma_wait3A_203 = tpu.memref_squeeze %dma_wait3A_202 : memref<1x16x128xf32, #tpu.memory_space<vmem>> -> memref<16x128xf32, #tpu.memory_space<vmem>>
    %dma_wait3A_204 = arith.constant 0 : i32
    %dma_wait3A_205 = arith.constant 0 : i32
    %dma_wait3A_206 = tpu.memref_slice %arg7[%dma_wait3A_204, %dma_wait3A_205] : memref<1040x128xf32, #tpu.memory_space<vmem_shared>> -> memref<1040x128xf32, #tpu.memory_space<vmem_shared>>
    %dma_wait3A_207 = tpu.memref_slice %arg9[%dma_wait3A_199] : memref<5x!tpu.dma_semaphore, #tpu.memory_space<semaphore_mem>> -> memref<1x!tpu.dma_semaphore, #tpu.memory_space<semaphore_mem>>
    %dma_wait3A_208 = tpu.memref_squeeze %dma_wait3A_207 : memref<1x!tpu.dma_semaphore, #tpu.memory_space<semaphore_mem>> -> memref<!tpu.dma_semaphore, #tpu.memory_space<semaphore_mem>>
    tpu.wait_indirect_dma semaphore(%dma_wait3A_208 : memref<!tpu.dma_semaphore, #tpu.memory_space<semaphore_mem>>) src(%dma_wait3A_203 : memref<16x128xf32, #tpu.memory_space<vmem>>) dst(%dma_wait3A_206 : memref<1040x128xf32, #tpu.memory_space<vmem_shared>>)
    %dma_wait3A_209 = arith.constant 1 : i32
    %dma_wait3A_210 = arith.constant 1 : i32
    %dma_wait3A_211 = arith.constant 0 : i32
    %dma_wait3A_212 = arith.constant 0 : i32
    %dma_wait3A_213 = tpu.memref_slice %arg5[%dma_wait3A_209, %dma_wait3A_211, %dma_wait3A_212] : memref<5x160x128xf32, #tpu.memory_space<vmem>> -> memref<1x16x128xf32, #tpu.memory_space<vmem>>
    %dma_wait3A_214 = tpu.memref_squeeze %dma_wait3A_213 : memref<1x16x128xf32, #tpu.memory_space<vmem>> -> memref<16x128xf32, #tpu.memory_space<vmem>>
    %dma_wait3A_215 = arith.constant 0 : i32
    %dma_wait3A_216 = arith.constant 0 : i32
    %dma_wait3A_217 = tpu.memref_slice %arg7[%dma_wait3A_215, %dma_wait3A_216] : memref<1040x128xf32, #tpu.memory_space<vmem_shared>> -> memref<1040x128xf32, #tpu.memory_space<vmem_shared>>
    %dma_wait3A_218 = tpu.memref_slice %arg9[%dma_wait3A_210] : memref<5x!tpu.dma_semaphore, #tpu.memory_space<semaphore_mem>> -> memref<1x!tpu.dma_semaphore, #tpu.memory_space<semaphore_mem>>
    %dma_wait3A_219 = tpu.memref_squeeze %dma_wait3A_218 : memref<1x!tpu.dma_semaphore, #tpu.memory_space<semaphore_mem>> -> memref<!tpu.dma_semaphore, #tpu.memory_space<semaphore_mem>>
    tpu.wait_indirect_dma semaphore(%dma_wait3A_219 : memref<!tpu.dma_semaphore, #tpu.memory_space<semaphore_mem>>) src(%dma_wait3A_214 : memref<16x128xf32, #tpu.memory_space<vmem>>) dst(%dma_wait3A_217 : memref<1040x128xf32, #tpu.memory_space<vmem_shared>>)
    %dma_wait3A_220 = arith.constant 1 : i32
    %dma_wait3A_221 = arith.constant 1 : i32
    %dma_wait3A_222 = arith.constant 0 : i32
    %dma_wait3A_223 = arith.constant 0 : i32
    %dma_wait3A_224 = tpu.memref_slice %arg5[%dma_wait3A_220, %dma_wait3A_222, %dma_wait3A_223] : memref<5x160x128xf32, #tpu.memory_space<vmem>> -> memref<1x16x128xf32, #tpu.memory_space<vmem>>
    %dma_wait3A_225 = tpu.memref_squeeze %dma_wait3A_224 : memref<1x16x128xf32, #tpu.memory_space<vmem>> -> memref<16x128xf32, #tpu.memory_space<vmem>>
    %dma_wait3A_226 = arith.constant 0 : i32
    %dma_wait3A_227 = arith.constant 0 : i32
    %dma_wait3A_228 = tpu.memref_slice %arg7[%dma_wait3A_226, %dma_wait3A_227] : memref<1040x128xf32, #tpu.memory_space<vmem_shared>> -> memref<1040x128xf32, #tpu.memory_space<vmem_shared>>
    %dma_wait3A_229 = tpu.memref_slice %arg9[%dma_wait3A_221] : memref<5x!tpu.dma_semaphore, #tpu.memory_space<semaphore_mem>> -> memref<1x!tpu.dma_semaphore, #tpu.memory_space<semaphore_mem>>
    %dma_wait3A_230 = tpu.memref_squeeze %dma_wait3A_229 : memref<1x!tpu.dma_semaphore, #tpu.memory_space<semaphore_mem>> -> memref<!tpu.dma_semaphore, #tpu.memory_space<semaphore_mem>>
    tpu.wait_indirect_dma semaphore(%dma_wait3A_230 : memref<!tpu.dma_semaphore, #tpu.memory_space<semaphore_mem>>) src(%dma_wait3A_225 : memref<16x128xf32, #tpu.memory_space<vmem>>) dst(%dma_wait3A_228 : memref<1040x128xf32, #tpu.memory_space<vmem_shared>>)
    %dma_wait3A_231 = arith.constant 1 : i32
    %dma_wait3A_232 = arith.constant 1 : i32
    %dma_wait3A_233 = arith.constant 0 : i32
    %dma_wait3A_234 = arith.constant 0 : i32
    %dma_wait3A_235 = tpu.memref_slice %arg5[%dma_wait3A_231, %dma_wait3A_233, %dma_wait3A_234] : memref<5x160x128xf32, #tpu.memory_space<vmem>> -> memref<1x16x128xf32, #tpu.memory_space<vmem>>
    %dma_wait3A_236 = tpu.memref_squeeze %dma_wait3A_235 : memref<1x16x128xf32, #tpu.memory_space<vmem>> -> memref<16x128xf32, #tpu.memory_space<vmem>>
    %dma_wait3A_237 = arith.constant 0 : i32
    %dma_wait3A_238 = arith.constant 0 : i32
    %dma_wait3A_239 = tpu.memref_slice %arg7[%dma_wait3A_237, %dma_wait3A_238] : memref<1040x128xf32, #tpu.memory_space<vmem_shared>> -> memref<1040x128xf32, #tpu.memory_space<vmem_shared>>
    %dma_wait3A_240 = tpu.memref_slice %arg9[%dma_wait3A_232] : memref<5x!tpu.dma_semaphore, #tpu.memory_space<semaphore_mem>> -> memref<1x!tpu.dma_semaphore, #tpu.memory_space<semaphore_mem>>
    %dma_wait3A_241 = tpu.memref_squeeze %dma_wait3A_240 : memref<1x!tpu.dma_semaphore, #tpu.memory_space<semaphore_mem>> -> memref<!tpu.dma_semaphore, #tpu.memory_space<semaphore_mem>>
    tpu.wait_indirect_dma semaphore(%dma_wait3A_241 : memref<!tpu.dma_semaphore, #tpu.memory_space<semaphore_mem>>) src(%dma_wait3A_236 : memref<16x128xf32, #tpu.memory_space<vmem>>) dst(%dma_wait3A_239 : memref<1040x128xf32, #tpu.memory_space<vmem_shared>>)
    %dma_wait3A_242 = arith.constant 1 : i32
    %dma_wait3A_243 = arith.constant 1 : i32
    %dma_wait3A_244 = arith.constant 0 : i32
    %dma_wait3A_245 = arith.constant 0 : i32
    %dma_wait3A_246 = tpu.memref_slice %arg5[%dma_wait3A_242, %dma_wait3A_244, %dma_wait3A_245] : memref<5x160x128xf32, #tpu.memory_space<vmem>> -> memref<1x16x128xf32, #tpu.memory_space<vmem>>
    %dma_wait3A_247 = tpu.memref_squeeze %dma_wait3A_246 : memref<1x16x128xf32, #tpu.memory_space<vmem>> -> memref<16x128xf32, #tpu.memory_space<vmem>>
    %dma_wait3A_248 = arith.constant 0 : i32
    %dma_wait3A_249 = arith.constant 0 : i32
    %dma_wait3A_250 = tpu.memref_slice %arg7[%dma_wait3A_248, %dma_wait3A_249] : memref<1040x128xf32, #tpu.memory_space<vmem_shared>> -> memref<1040x128xf32, #tpu.memory_space<vmem_shared>>
    %dma_wait3A_251 = tpu.memref_slice %arg9[%dma_wait3A_243] : memref<5x!tpu.dma_semaphore, #tpu.memory_space<semaphore_mem>> -> memref<1x!tpu.dma_semaphore, #tpu.memory_space<semaphore_mem>>
    %dma_wait3A_252 = tpu.memref_squeeze %dma_wait3A_251 : memref<1x!tpu.dma_semaphore, #tpu.memory_space<semaphore_mem>> -> memref<!tpu.dma_semaphore, #tpu.memory_space<semaphore_mem>>
    tpu.wait_indirect_dma semaphore(%dma_wait3A_252 : memref<!tpu.dma_semaphore, #tpu.memory_space<semaphore_mem>>) src(%dma_wait3A_247 : memref<16x128xf32, #tpu.memory_space<vmem>>) dst(%dma_wait3A_250 : memref<1040x128xf32, #tpu.memory_space<vmem_shared>>)
    %dma_wait3A_253 = arith.constant 1 : i32
    %dma_wait3A_254 = arith.constant 1 : i32
    %dma_wait3A_255 = arith.constant 0 : i32
    %dma_wait3A_256 = arith.constant 0 : i32
    %dma_wait3A_257 = tpu.memref_slice %arg5[%dma_wait3A_253, %dma_wait3A_255, %dma_wait3A_256] : memref<5x160x128xf32, #tpu.memory_space<vmem>> -> memref<1x16x128xf32, #tpu.memory_space<vmem>>
    %dma_wait3A_258 = tpu.memref_squeeze %dma_wait3A_257 : memref<1x16x128xf32, #tpu.memory_space<vmem>> -> memref<16x128xf32, #tpu.memory_space<vmem>>
    %dma_wait3A_259 = arith.constant 0 : i32
    %dma_wait3A_260 = arith.constant 0 : i32
    %dma_wait3A_261 = tpu.memref_slice %arg7[%dma_wait3A_259, %dma_wait3A_260] : memref<1040x128xf32, #tpu.memory_space<vmem_shared>> -> memref<1040x128xf32, #tpu.memory_space<vmem_shared>>
    %dma_wait3A_262 = tpu.memref_slice %arg9[%dma_wait3A_254] : memref<5x!tpu.dma_semaphore, #tpu.memory_space<semaphore_mem>> -> memref<1x!tpu.dma_semaphore, #tpu.memory_space<semaphore_mem>>
    %dma_wait3A_263 = tpu.memref_squeeze %dma_wait3A_262 : memref<1x!tpu.dma_semaphore, #tpu.memory_space<semaphore_mem>> -> memref<!tpu.dma_semaphore, #tpu.memory_space<semaphore_mem>>
    tpu.wait_indirect_dma semaphore(%dma_wait3A_263 : memref<!tpu.dma_semaphore, #tpu.memory_space<semaphore_mem>>) src(%dma_wait3A_258 : memref<16x128xf32, #tpu.memory_space<vmem>>) dst(%dma_wait3A_261 : memref<1040x128xf32, #tpu.memory_space<vmem_shared>>)
    %dma_wait3A_264 = arith.constant 1 : i32
    %dma_wait3A_265 = arith.constant 1 : i32
    %dma_wait3A_266 = arith.constant 0 : i32
    %dma_wait3A_267 = arith.constant 0 : i32
    %dma_wait3A_268 = tpu.memref_slice %arg5[%dma_wait3A_264, %dma_wait3A_266, %dma_wait3A_267] : memref<5x160x128xf32, #tpu.memory_space<vmem>> -> memref<1x16x128xf32, #tpu.memory_space<vmem>>
    %dma_wait3A_269 = tpu.memref_squeeze %dma_wait3A_268 : memref<1x16x128xf32, #tpu.memory_space<vmem>> -> memref<16x128xf32, #tpu.memory_space<vmem>>
    %dma_wait3A_270 = arith.constant 0 : i32
    %dma_wait3A_271 = arith.constant 0 : i32
    %dma_wait3A_272 = tpu.memref_slice %arg7[%dma_wait3A_270, %dma_wait3A_271] : memref<1040x128xf32, #tpu.memory_space<vmem_shared>> -> memref<1040x128xf32, #tpu.memory_space<vmem_shared>>
    %dma_wait3A_273 = tpu.memref_slice %arg9[%dma_wait3A_265] : memref<5x!tpu.dma_semaphore, #tpu.memory_space<semaphore_mem>> -> memref<1x!tpu.dma_semaphore, #tpu.memory_space<semaphore_mem>>
    %dma_wait3A_274 = tpu.memref_squeeze %dma_wait3A_273 : memref<1x!tpu.dma_semaphore, #tpu.memory_space<semaphore_mem>> -> memref<!tpu.dma_semaphore, #tpu.memory_space<semaphore_mem>>
    tpu.wait_indirect_dma semaphore(%dma_wait3A_274 : memref<!tpu.dma_semaphore, #tpu.memory_space<semaphore_mem>>) src(%dma_wait3A_269 : memref<16x128xf32, #tpu.memory_space<vmem>>) dst(%dma_wait3A_272 : memref<1040x128xf32, #tpu.memory_space<vmem_shared>>)
    %dma_wait3A_275 = arith.constant 1 : i32
    %dma_wait3A_276 = arith.constant 1 : i32
    %dma_wait3A_277 = arith.constant 0 : i32
    %dma_wait3A_278 = arith.constant 0 : i32
    %dma_wait3A_279 = tpu.memref_slice %arg5[%dma_wait3A_275, %dma_wait3A_277, %dma_wait3A_278] : memref<5x160x128xf32, #tpu.memory_space<vmem>> -> memref<1x16x128xf32, #tpu.memory_space<vmem>>
    %dma_wait3A_280 = tpu.memref_squeeze %dma_wait3A_279 : memref<1x16x128xf32, #tpu.memory_space<vmem>> -> memref<16x128xf32, #tpu.memory_space<vmem>>
    %dma_wait3A_281 = arith.constant 0 : i32
    %dma_wait3A_282 = arith.constant 0 : i32
    %dma_wait3A_283 = tpu.memref_slice %arg7[%dma_wait3A_281, %dma_wait3A_282] : memref<1040x128xf32, #tpu.memory_space<vmem_shared>> -> memref<1040x128xf32, #tpu.memory_space<vmem_shared>>
    %dma_wait3A_284 = tpu.memref_slice %arg9[%dma_wait3A_276] : memref<5x!tpu.dma_semaphore, #tpu.memory_space<semaphore_mem>> -> memref<1x!tpu.dma_semaphore, #tpu.memory_space<semaphore_mem>>
    %dma_wait3A_285 = tpu.memref_squeeze %dma_wait3A_284 : memref<1x!tpu.dma_semaphore, #tpu.memory_space<semaphore_mem>> -> memref<!tpu.dma_semaphore, #tpu.memory_space<semaphore_mem>>
    tpu.wait_indirect_dma semaphore(%dma_wait3A_285 : memref<!tpu.dma_semaphore, #tpu.memory_space<semaphore_mem>>) src(%dma_wait3A_280 : memref<16x128xf32, #tpu.memory_space<vmem>>) dst(%dma_wait3A_283 : memref<1040x128xf32, #tpu.memory_space<vmem_shared>>)
    %dma_wait3A_286 = arith.constant 1 : i32
    %dma_wait3A_287 = arith.constant 1 : i32
    %dma_wait3A_288 = arith.constant 0 : i32
    %dma_wait3A_289 = arith.constant 0 : i32
    %dma_wait3A_290 = tpu.memref_slice %arg5[%dma_wait3A_286, %dma_wait3A_288, %dma_wait3A_289] : memref<5x160x128xf32, #tpu.memory_space<vmem>> -> memref<1x16x128xf32, #tpu.memory_space<vmem>>
    %dma_wait3A_291 = tpu.memref_squeeze %dma_wait3A_290 : memref<1x16x128xf32, #tpu.memory_space<vmem>> -> memref<16x128xf32, #tpu.memory_space<vmem>>
    %dma_wait3A_292 = arith.constant 0 : i32
    %dma_wait3A_293 = arith.constant 0 : i32
    %dma_wait3A_294 = tpu.memref_slice %arg7[%dma_wait3A_292, %dma_wait3A_293] : memref<1040x128xf32, #tpu.memory_space<vmem_shared>> -> memref<1040x128xf32, #tpu.memory_space<vmem_shared>>
    %dma_wait3A_295 = tpu.memref_slice %arg9[%dma_wait3A_287] : memref<5x!tpu.dma_semaphore, #tpu.memory_space<semaphore_mem>> -> memref<1x!tpu.dma_semaphore, #tpu.memory_space<semaphore_mem>>
    %dma_wait3A_296 = tpu.memref_squeeze %dma_wait3A_295 : memref<1x!tpu.dma_semaphore, #tpu.memory_space<semaphore_mem>> -> memref<!tpu.dma_semaphore, #tpu.memory_space<semaphore_mem>>
    tpu.wait_indirect_dma semaphore(%dma_wait3A_296 : memref<!tpu.dma_semaphore, #tpu.memory_space<semaphore_mem>>) src(%dma_wait3A_291 : memref<16x128xf32, #tpu.memory_space<vmem>>) dst(%dma_wait3A_294 : memref<1040x128xf32, #tpu.memory_space<vmem_shared>>)
    %dma_wait3A_297 = arith.constant 1 : i32
    %dma_wait3A_298 = arith.constant 1 : i32
    %dma_wait3A_299 = arith.constant 0 : i32
    %dma_wait3A_300 = arith.constant 0 : i32
    %dma_wait3A_301 = tpu.memref_slice %arg5[%dma_wait3A_297, %dma_wait3A_299, %dma_wait3A_300] : memref<5x160x128xf32, #tpu.memory_space<vmem>> -> memref<1x16x128xf32, #tpu.memory_space<vmem>>
    %dma_wait3A_302 = tpu.memref_squeeze %dma_wait3A_301 : memref<1x16x128xf32, #tpu.memory_space<vmem>> -> memref<16x128xf32, #tpu.memory_space<vmem>>
    %dma_wait3A_303 = arith.constant 0 : i32
    %dma_wait3A_304 = arith.constant 0 : i32
    %dma_wait3A_305 = tpu.memref_slice %arg7[%dma_wait3A_303, %dma_wait3A_304] : memref<1040x128xf32, #tpu.memory_space<vmem_shared>> -> memref<1040x128xf32, #tpu.memory_space<vmem_shared>>
    %dma_wait3A_306 = tpu.memref_slice %arg9[%dma_wait3A_298] : memref<5x!tpu.dma_semaphore, #tpu.memory_space<semaphore_mem>> -> memref<1x!tpu.dma_semaphore, #tpu.memory_space<semaphore_mem>>
    %dma_wait3A_307 = tpu.memref_squeeze %dma_wait3A_306 : memref<1x!tpu.dma_semaphore, #tpu.memory_space<semaphore_mem>> -> memref<!tpu.dma_semaphore, #tpu.memory_space<semaphore_mem>>
    tpu.wait_indirect_dma semaphore(%dma_wait3A_307 : memref<!tpu.dma_semaphore, #tpu.memory_space<semaphore_mem>>) src(%dma_wait3A_302 : memref<16x128xf32, #tpu.memory_space<vmem>>) dst(%dma_wait3A_305 : memref<1040x128xf32, #tpu.memory_space<vmem_shared>>)
    %get3A_308 = arith.constant 0 : index
    %get3A_309 = tpu.vector_load %arg6[%get3A_308] {strides = array<i32>} : memref<3200xi32, #tpu.memory_space<vmem>>, vector<16xi32>,
    %get3A_310 = vector.shape_cast %get3A_309 : vector<16xi32> to vector<16xi32>
    %dma_wait3A_311 = arith.constant 2 : i32
    %dma_wait3A_312 = arith.constant 2 : i32
    %dma_wait3A_313 = arith.constant 0 : i32
    %dma_wait3A_314 = arith.constant 0 : i32
    %dma_wait3A_315 = tpu.memref_slice %arg5[%dma_wait3A_311, %dma_wait3A_313, %dma_wait3A_314] : memref<5x160x128xf32, #tpu.memory_space<vmem>> -> memref<1x16x128xf32, #tpu.memory_space<vmem>>
    %dma_wait3A_316 = tpu.memref_squeeze %dma_wait3A_315 : memref<1x16x128xf32, #tpu.memory_space<vmem>> -> memref<16x128xf32, #tpu.memory_space<vmem>>
    %dma_wait3A_317 = arith.constant 0 : i32
    %dma_wait3A_318 = arith.constant 0 : i32
    %dma_wait3A_319 = tpu.memref_slice %arg7[%dma_wait3A_317, %dma_wait3A_318] : memref<1040x128xf32, #tpu.memory_space<vmem_shared>> -> memref<1040x128xf32, #tpu.memory_space<vmem_shared>>
    %dma_wait3A_320 = tpu.memref_slice %arg9[%dma_wait3A_312] : memref<5x!tpu.dma_semaphore, #tpu.memory_space<semaphore_mem>> -> memref<1x!tpu.dma_semaphore, #tpu.memory_space<semaphore_mem>>
    %dma_wait3A_321 = tpu.memref_squeeze %dma_wait3A_320 : memref<1x!tpu.dma_semaphore, #tpu.memory_space<semaphore_mem>> -> memref<!tpu.dma_semaphore, #tpu.memory_space<semaphore_mem>>
    tpu.wait_indirect_dma semaphore(%dma_wait3A_321 : memref<!tpu.dma_semaphore, #tpu.memory_space<semaphore_mem>>) src(%dma_wait3A_316 : memref<16x128xf32, #tpu.memory_space<vmem>>) dst(%dma_wait3A_319 : memref<1040x128xf32, #tpu.memory_space<vmem_shared>>)
    %dma_wait3A_322 = arith.constant 2 : i32
    %dma_wait3A_323 = arith.constant 2 : i32
    %dma_wait3A_324 = arith.constant 0 : i32
    %dma_wait3A_325 = arith.constant 0 : i32
    %dma_wait3A_326 = tpu.memref_slice %arg5[%dma_wait3A_322, %dma_wait3A_324, %dma_wait3A_325] : memref<5x160x128xf32, #tpu.memory_space<vmem>> -> memref<1x16x128xf32, #tpu.memory_space<vmem>>
    %dma_wait3A_327 = tpu.memref_squeeze %dma_wait3A_326 : memref<1x16x128xf32, #tpu.memory_space<vmem>> -> memref<16x128xf32, #tpu.memory_space<vmem>>
    %dma_wait3A_328 = arith.constant 0 : i32
    %dma_wait3A_329 = arith.constant 0 : i32
    %dma_wait3A_330 = tpu.memref_slice %arg7[%dma_wait3A_328, %dma_wait3A_329] : memref<1040x128xf32, #tpu.memory_space<vmem_shared>> -> memref<1040x128xf32, #tpu.memory_space<vmem_shared>>
    %dma_wait3A_331 = tpu.memref_slice %arg9[%dma_wait3A_323] : memref<5x!tpu.dma_semaphore, #tpu.memory_space<semaphore_mem>> -> memref<1x!tpu.dma_semaphore, #tpu.memory_space<semaphore_mem>>
    %dma_wait3A_332 = tpu.memref_squeeze %dma_wait3A_331 : memref<1x!tpu.dma_semaphore, #tpu.memory_space<semaphore_mem>> -> memref<!tpu.dma_semaphore, #tpu.memory_space<semaphore_mem>>
    tpu.wait_indirect_dma semaphore(%dma_wait3A_332 : memref<!tpu.dma_semaphore, #tpu.memory_space<semaphore_mem>>) src(%dma_wait3A_327 : memref<16x128xf32, #tpu.memory_space<vmem>>) dst(%dma_wait3A_330 : memref<1040x128xf32, #tpu.memory_space<vmem_shared>>)
    %dma_wait3A_333 = arith.constant 2 : i32
    %dma_wait3A_334 = arith.constant 2 : i32
    %dma_wait3A_335 = arith.constant 0 : i32
    %dma_wait3A_336 = arith.constant 0 : i32
    %dma_wait3A_337 = tpu.memref_slice %arg5[%dma_wait3A_333, %dma_wait3A_335, %dma_wait3A_336] : memref<5x160x128xf32, #tpu.memory_space<vmem>> -> memref<1x16x128xf32, #tpu.memory_space<vmem>>
    %dma_wait3A_338 = tpu.memref_squeeze %dma_wait3A_337 : memref<1x16x128xf32, #tpu.memory_space<vmem>> -> memref<16x128xf32, #tpu.memory_space<vmem>>
    %dma_wait3A_339 = arith.constant 0 : i32
    %dma_wait3A_340 = arith.constant 0 : i32
    %dma_wait3A_341 = tpu.memref_slice %arg7[%dma_wait3A_339, %dma_wait3A_340] : memref<1040x128xf32, #tpu.memory_space<vmem_shared>> -> memref<1040x128xf32, #tpu.memory_space<vmem_shared>>
    %dma_wait3A_342 = tpu.memref_slice %arg9[%dma_wait3A_334] : memref<5x!tpu.dma_semaphore, #tpu.memory_space<semaphore_mem>> -> memref<1x!tpu.dma_semaphore, #tpu.memory_space<semaphore_mem>>
    %dma_wait3A_343 = tpu.memref_squeeze %dma_wait3A_342 : memref<1x!tpu.dma_semaphore, #tpu.memory_space<semaphore_mem>> -> memref<!tpu.dma_semaphore, #tpu.memory_space<semaphore_mem>>
    tpu.wait_indirect_dma semaphore(%dma_wait3A_343 : memref<!tpu.dma_semaphore, #tpu.memory_space<semaphore_mem>>) src(%dma_wait3A_338 : memref<16x128xf32, #tpu.memory_space<vmem>>) dst(%dma_wait3A_341 : memref<1040x128xf32, #tpu.memory_space<vmem_shared>>)
    %dma_wait3A_344 = arith.constant 2 : i32
    %dma_wait3A_345 = arith.constant 2 : i32
    %dma_wait3A_346 = arith.constant 0 : i32
    %dma_wait3A_347 = arith.constant 0 : i32
    %dma_wait3A_348 = tpu.memref_slice %arg5[%dma_wait3A_344, %dma_wait3A_346, %dma_wait3A_347] : memref<5x160x128xf32, #tpu.memory_space<vmem>> -> memref<1x16x128xf32, #tpu.memory_space<vmem>>
    %dma_wait3A_349 = tpu.memref_squeeze %dma_wait3A_348 : memref<1x16x128xf32, #tpu.memory_space<vmem>> -> memref<16x128xf32, #tpu.memory_space<vmem>>
    %dma_wait3A_350 = arith.constant 0 : i32
    %dma_wait3A_351 = arith.constant 0 : i32
    %dma_wait3A_352 = tpu.memref_slice %arg7[%dma_wait3A_350, %dma_wait3A_351] : memref<1040x128xf32, #tpu.memory_space<vmem_shared>> -> memref<1040x128xf32, #tpu.memory_space<vmem_shared>>
    %dma_wait3A_353 = tpu.memref_slice %arg9[%dma_wait3A_345] : memref<5x!tpu.dma_semaphore, #tpu.memory_space<semaphore_mem>> -> memref<1x!tpu.dma_semaphore, #tpu.memory_space<semaphore_mem>>
    %dma_wait3A_354 = tpu.memref_squeeze %dma_wait3A_353 : memref<1x!tpu.dma_semaphore, #tpu.memory_space<semaphore_mem>> -> memref<!tpu.dma_semaphore, #tpu.memory_space<semaphore_mem>>
    tpu.wait_indirect_dma semaphore(%dma_wait3A_354 : memref<!tpu.dma_semaphore, #tpu.memory_space<semaphore_mem>>) src(%dma_wait3A_349 : memref<16x128xf32, #tpu.memory_space<vmem>>) dst(%dma_wait3A_352 : memref<1040x128xf32, #tpu.memory_space<vmem_shared>>)
    %dma_wait3A_355 = arith.constant 2 : i32
    %dma_wait3A_356 = arith.constant 2 : i32
    %dma_wait3A_357 = arith.constant 0 : i32
    %dma_wait3A_358 = arith.constant 0 : i32
    %dma_wait3A_359 = tpu.memref_slice %arg5[%dma_wait3A_355, %dma_wait3A_357, %dma_wait3A_358] : memref<5x160x128xf32, #tpu.memory_space<vmem>> -> memref<1x16x128xf32, #tpu.memory_space<vmem>>
    %dma_wait3A_360 = tpu.memref_squeeze %dma_wait3A_359 : memref<1x16x128xf32, #tpu.memory_space<vmem>> -> memref<16x128xf32, #tpu.memory_space<vmem>>
    %dma_wait3A_361 = arith.constant 0 : i32
    %dma_wait3A_362 = arith.constant 0 : i32
    %dma_wait3A_363 = tpu.memref_slice %arg7[%dma_wait3A_361, %dma_wait3A_362] : memref<1040x128xf32, #tpu.memory_space<vmem_shared>> -> memref<1040x128xf32, #tpu.memory_space<vmem_shared>>
    %dma_wait3A_364 = tpu.memref_slice %arg9[%dma_wait3A_356] : memref<5x!tpu.dma_semaphore, #tpu.memory_space<semaphore_mem>> -> memref<1x!tpu.dma_semaphore, #tpu.memory_space<semaphore_mem>>
    %dma_wait3A_365 = tpu.memref_squeeze %dma_wait3A_364 : memref<1x!tpu.dma_semaphore, #tpu.memory_space<semaphore_mem>> -> memref<!tpu.dma_semaphore, #tpu.memory_space<semaphore_mem>>
    tpu.wait_indirect_dma semaphore(%dma_wait3A_365 : memref<!tpu.dma_semaphore, #tpu.memory_space<semaphore_mem>>) src(%dma_wait3A_360 : memref<16x128xf32, #tpu.memory_space<vmem>>) dst(%dma_wait3A_363 : memref<1040x128xf32, #tpu.memory_space<vmem_shared>>)
    %dma_wait3A_366 = arith.constant 2 : i32
    %dma_wait3A_367 = arith.constant 2 : i32
    %dma_wait3A_368 = arith.constant 0 : i32
    %dma_wait3A_369 = arith.constant 0 : i32
    %dma_wait3A_370 = tpu.memref_slice %arg5[%dma_wait3A_366, %dma_wait3A_368, %dma_wait3A_369] : memref<5x160x128xf32, #tpu.memory_space<vmem>> -> memref<1x16x128xf32, #tpu.memory_space<vmem>>
    %dma_wait3A_371 = tpu.memref_squeeze %dma_wait3A_370 : memref<1x16x128xf32, #tpu.memory_space<vmem>> -> memref<16x128xf32, #tpu.memory_space<vmem>>
    %dma_wait3A_372 = arith.constant 0 : i32
    %dma_wait3A_373 = arith.constant 0 : i32
    %dma_wait3A_374 = tpu.memref_slice %arg7[%dma_wait3A_372, %dma_wait3A_373] : memref<1040x128xf32, #tpu.memory_space<vmem_shared>> -> memref<1040x128xf32, #tpu.memory_space<vmem_shared>>
    %dma_wait3A_375 = tpu.memref_slice %arg9[%dma_wait3A_367] : memref<5x!tpu.dma_semaphore, #tpu.memory_space<semaphore_mem>> -> memref<1x!tpu.dma_semaphore, #tpu.memory_space<semaphore_mem>>
    %dma_wait3A_376 = tpu.memref_squeeze %dma_wait3A_375 : memref<1x!tpu.dma_semaphore, #tpu.memory_space<semaphore_mem>> -> memref<!tpu.dma_semaphore, #tpu.memory_space<semaphore_mem>>
    tpu.wait_indirect_dma semaphore(%dma_wait3A_376 : memref<!tpu.dma_semaphore, #tpu.memory_space<semaphore_mem>>) src(%dma_wait3A_371 : memref<16x128xf32, #tpu.memory_space<vmem>>) dst(%dma_wait3A_374 : memref<1040x128xf32, #tpu.memory_space<vmem_shared>>)
    %dma_wait3A_377 = arith.constant 2 : i32
    %dma_wait3A_378 = arith.constant 2 : i32
    %dma_wait3A_379 = arith.constant 0 : i32
    %dma_wait3A_380 = arith.constant 0 : i32
    %dma_wait3A_381 = tpu.memref_slice %arg5[%dma_wait3A_377, %dma_wait3A_379, %dma_wait3A_380] : memref<5x160x128xf32, #tpu.memory_space<vmem>> -> memref<1x16x128xf32, #tpu.memory_space<vmem>>
    %dma_wait3A_382 = tpu.memref_squeeze %dma_wait3A_381 : memref<1x16x128xf32, #tpu.memory_space<vmem>> -> memref<16x128xf32, #tpu.memory_space<vmem>>
    %dma_wait3A_383 = arith.constant 0 : i32
    %dma_wait3A_384 = arith.constant 0 : i32
    %dma_wait3A_385 = tpu.memref_slice %arg7[%dma_wait3A_383, %dma_wait3A_384] : memref<1040x128xf32, #tpu.memory_space<vmem_shared>> -> memref<1040x128xf32, #tpu.memory_space<vmem_shared>>
    %dma_wait3A_386 = tpu.memref_slice %arg9[%dma_wait3A_378] : memref<5x!tpu.dma_semaphore, #tpu.memory_space<semaphore_mem>> -> memref<1x!tpu.dma_semaphore, #tpu.memory_space<semaphore_mem>>
    %dma_wait3A_387 = tpu.memref_squeeze %dma_wait3A_386 : memref<1x!tpu.dma_semaphore, #tpu.memory_space<semaphore_mem>> -> memref<!tpu.dma_semaphore, #tpu.memory_space<semaphore_mem>>
    tpu.wait_indirect_dma semaphore(%dma_wait3A_387 : memref<!tpu.dma_semaphore, #tpu.memory_space<semaphore_mem>>) src(%dma_wait3A_382 : memref<16x128xf32, #tpu.memory_space<vmem>>) dst(%dma_wait3A_385 : memref<1040x128xf32, #tpu.memory_space<vmem_shared>>)
    %dma_wait3A_388 = arith.constant 2 : i32
    %dma_wait3A_389 = arith.constant 2 : i32
    %dma_wait3A_390 = arith.constant 0 : i32
    %dma_wait3A_391 = arith.constant 0 : i32
    %dma_wait3A_392 = tpu.memref_slice %arg5[%dma_wait3A_388, %dma_wait3A_390, %dma_wait3A_391] : memref<5x160x128xf32, #tpu.memory_space<vmem>> -> memref<1x16x128xf32, #tpu.memory_space<vmem>>
    %dma_wait3A_393 = tpu.memref_squeeze %dma_wait3A_392 : memref<1x16x128xf32, #tpu.memory_space<vmem>> -> memref<16x128xf32, #tpu.memory_space<vmem>>
    %dma_wait3A_394 = arith.constant 0 : i32
    %dma_wait3A_395 = arith.constant 0 : i32
    %dma_wait3A_396 = tpu.memref_slice %arg7[%dma_wait3A_394, %dma_wait3A_395] : memref<1040x128xf32, #tpu.memory_space<vmem_shared>> -> memref<1040x128xf32, #tpu.memory_space<vmem_shared>>
    %dma_wait3A_397 = tpu.memref_slice %arg9[%dma_wait3A_389] : memref<5x!tpu.dma_semaphore, #tpu.memory_space<semaphore_mem>> -> memref<1x!tpu.dma_semaphore, #tpu.memory_space<semaphore_mem>>
    %dma_wait3A_398 = tpu.memref_squeeze %dma_wait3A_397 : memref<1x!tpu.dma_semaphore, #tpu.memory_space<semaphore_mem>> -> memref<!tpu.dma_semaphore, #tpu.memory_space<semaphore_mem>>
    tpu.wait_indirect_dma semaphore(%dma_wait3A_398 : memref<!tpu.dma_semaphore, #tpu.memory_space<semaphore_mem>>) src(%dma_wait3A_393 : memref<16x128xf32, #tpu.memory_space<vmem>>) dst(%dma_wait3A_396 : memref<1040x128xf32, #tpu.memory_space<vmem_shared>>)
    %dma_wait3A_399 = arith.constant 2 : i32
    %dma_wait3A_400 = arith.constant 2 : i32
    %dma_wait3A_401 = arith.constant 0 : i32
    %dma_wait3A_402 = arith.constant 0 : i32
    %dma_wait3A_403 = tpu.memref_slice %arg5[%dma_wait3A_399, %dma_wait3A_401, %dma_wait3A_402] : memref<5x160x128xf32, #tpu.memory_space<vmem>> -> memref<1x16x128xf32, #tpu.memory_space<vmem>>
    %dma_wait3A_404 = tpu.memref_squeeze %dma_wait3A_403 : memref<1x16x128xf32, #tpu.memory_space<vmem>> -> memref<16x128xf32, #tpu.memory_space<vmem>>
    %dma_wait3A_405 = arith.constant 0 : i32
    %dma_wait3A_406 = arith.constant 0 : i32
    %dma_wait3A_407 = tpu.memref_slice %arg7[%dma_wait3A_405, %dma_wait3A_406] : memref<1040x128xf32, #tpu.memory_space<vmem_shared>> -> memref<1040x128xf32, #tpu.memory_space<vmem_shared>>
    %dma_wait3A_408 = tpu.memref_slice %arg9[%dma_wait3A_400] : memref<5x!tpu.dma_semaphore, #tpu.memory_space<semaphore_mem>> -> memref<1x!tpu.dma_semaphore, #tpu.memory_space<semaphore_mem>>
    %dma_wait3A_409 = tpu.memref_squeeze %dma_wait3A_408 : memref<1x!tpu.dma_semaphore, #tpu.memory_space<semaphore_mem>> -> memref<!tpu.dma_semaphore, #tpu.memory_space<semaphore_mem>>
    tpu.wait_indirect_dma semaphore(%dma_wait3A_409 : memref<!tpu.dma_semaphore, #tpu.memory_space<semaphore_mem>>) src(%dma_wait3A_404 : memref<16x128xf32, #tpu.memory_space<vmem>>) dst(%dma_wait3A_407 : memref<1040x128xf32, #tpu.memory_space<vmem_shared>>)
    %dma_wait3A_410 = arith.constant 2 : i32
    %dma_wait3A_411 = arith.constant 2 : i32
    %dma_wait3A_412 = arith.constant 0 : i32
    %dma_wait3A_413 = arith.constant 0 : i32
    %dma_wait3A_414 = tpu.memref_slice %arg5[%dma_wait3A_410, %dma_wait3A_412, %dma_wait3A_413] : memref<5x160x128xf32, #tpu.memory_space<vmem>> -> memref<1x16x128xf32, #tpu.memory_space<vmem>>
    %dma_wait3A_415 = tpu.memref_squeeze %dma_wait3A_414 : memref<1x16x128xf32, #tpu.memory_space<vmem>> -> memref<16x128xf32, #tpu.memory_space<vmem>>
    %dma_wait3A_416 = arith.constant 0 : i32
    %dma_wait3A_417 = arith.constant 0 : i32
    %dma_wait3A_418 = tpu.memref_slice %arg7[%dma_wait3A_416, %dma_wait3A_417] : memref<1040x128xf32, #tpu.memory_space<vmem_shared>> -> memref<1040x128xf32, #tpu.memory_space<vmem_shared>>
    %dma_wait3A_419 = tpu.memref_slice %arg9[%dma_wait3A_411] : memref<5x!tpu.dma_semaphore, #tpu.memory_space<semaphore_mem>> -> memref<1x!tpu.dma_semaphore, #tpu.memory_space<semaphore_mem>>
    %dma_wait3A_420 = tpu.memref_squeeze %dma_wait3A_419 : memref<1x!tpu.dma_semaphore, #tpu.memory_space<semaphore_mem>> -> memref<!tpu.dma_semaphore, #tpu.memory_space<semaphore_mem>>
    tpu.wait_indirect_dma semaphore(%dma_wait3A_420 : memref<!tpu.dma_semaphore, #tpu.memory_space<semaphore_mem>>) src(%dma_wait3A_415 : memref<16x128xf32, #tpu.memory_space<vmem>>) dst(%dma_wait3A_418 : memref<1040x128xf32, #tpu.memory_space<vmem_shared>>)
    %get3A_421 = arith.constant 0 : index
    %get3A_422 = tpu.vector_load %arg6[%get3A_421] {strides = array<i32>} : memref<3200xi32, #tpu.memory_space<vmem>>, vector<16xi32>,
    %get3A_423 = vector.shape_cast %get3A_422 : vector<16xi32> to vector<16xi32>
    %dma_wait3A_424 = arith.constant 3 : i32
    %dma_wait3A_425 = arith.constant 3 : i32
    %dma_wait3A_426 = arith.constant 0 : i32
    %dma_wait3A_427 = arith.constant 0 : i32
    %dma_wait3A_428 = tpu.memref_slice %arg5[%dma_wait3A_424, %dma_wait3A_426, %dma_wait3A_427] : memref<5x160x128xf32, #tpu.memory_space<vmem>> -> memref<1x16x128xf32, #tpu.memory_space<vmem>>
    %dma_wait3A_429 = tpu.memref_squeeze %dma_wait3A_428 : memref<1x16x128xf32, #tpu.memory_space<vmem>> -> memref<16x128xf32, #tpu.memory_space<vmem>>
    %dma_wait3A_430 = arith.constant 0 : i32
    %dma_wait3A_431 = arith.constant 0 : i32
    %dma_wait3A_432 = tpu.memref_slice %arg7[%dma_wait3A_430, %dma_wait3A_431] : memref<1040x128xf32, #tpu.memory_space<vmem_shared>> -> memref<1040x128xf32, #tpu.memory_space<vmem_shared>>
    %dma_wait3A_433 = tpu.memref_slice %arg9[%dma_wait3A_425] : memref<5x!tpu.dma_semaphore, #tpu.memory_space<semaphore_mem>> -> memref<1x!tpu.dma_semaphore, #tpu.memory_space<semaphore_mem>>
    %dma_wait3A_434 = tpu.memref_squeeze %dma_wait3A_433 : memref<1x!tpu.dma_semaphore, #tpu.memory_space<semaphore_mem>> -> memref<!tpu.dma_semaphore, #tpu.memory_space<semaphore_mem>>
    tpu.wait_indirect_dma semaphore(%dma_wait3A_434 : memref<!tpu.dma_semaphore, #tpu.memory_space<semaphore_mem>>) src(%dma_wait3A_429 : memref<16x128xf32, #tpu.memory_space<vmem>>) dst(%dma_wait3A_432 : memref<1040x128xf32, #tpu.memory_space<vmem_shared>>)
    %dma_wait3A_435 = arith.constant 3 : i32
    %dma_wait3A_436 = arith.constant 3 : i32
    %dma_wait3A_437 = arith.constant 0 : i32
    %dma_wait3A_438 = arith.constant 0 : i32
    %dma_wait3A_439 = tpu.memref_slice %arg5[%dma_wait3A_435, %dma_wait3A_437, %dma_wait3A_438] : memref<5x160x128xf32, #tpu.memory_space<vmem>> -> memref<1x16x128xf32, #tpu.memory_space<vmem>>
    %dma_wait3A_440 = tpu.memref_squeeze %dma_wait3A_439 : memref<1x16x128xf32, #tpu.memory_space<vmem>> -> memref<16x128xf32, #tpu.memory_space<vmem>>
    %dma_wait3A_441 = arith.constant 0 : i32
    %dma_wait3A_442 = arith.constant 0 : i32
    %dma_wait3A_443 = tpu.memref_slice %arg7[%dma_wait3A_441, %dma_wait3A_442] : memref<1040x128xf32, #tpu.memory_space<vmem_shared>> -> memref<1040x128xf32, #tpu.memory_space<vmem_shared>>
    %dma_wait3A_444 = tpu.memref_slice %arg9[%dma_wait3A_436] : memref<5x!tpu.dma_semaphore, #tpu.memory_space<semaphore_mem>> -> memref<1x!tpu.dma_semaphore, #tpu.memory_space<semaphore_mem>>
    %dma_wait3A_445 = tpu.memref_squeeze %dma_wait3A_444 : memref<1x!tpu.dma_semaphore, #tpu.memory_space<semaphore_mem>> -> memref<!tpu.dma_semaphore, #tpu.memory_space<semaphore_mem>>
    tpu.wait_indirect_dma semaphore(%dma_wait3A_445 : memref<!tpu.dma_semaphore, #tpu.memory_space<semaphore_mem>>) src(%dma_wait3A_440 : memref<16x128xf32, #tpu.memory_space<vmem>>) dst(%dma_wait3A_443 : memref<1040x128xf32, #tpu.memory_space<vmem_shared>>)
    %dma_wait3A_446 = arith.constant 3 : i32
    %dma_wait3A_447 = arith.constant 3 : i32
    %dma_wait3A_448 = arith.constant 0 : i32
    %dma_wait3A_449 = arith.constant 0 : i32
    %dma_wait3A_450 = tpu.memref_slice %arg5[%dma_wait3A_446, %dma_wait3A_448, %dma_wait3A_449] : memref<5x160x128xf32, #tpu.memory_space<vmem>> -> memref<1x16x128xf32, #tpu.memory_space<vmem>>
    %dma_wait3A_451 = tpu.memref_squeeze %dma_wait3A_450 : memref<1x16x128xf32, #tpu.memory_space<vmem>> -> memref<16x128xf32, #tpu.memory_space<vmem>>
    %dma_wait3A_452 = arith.constant 0 : i32
    %dma_wait3A_453 = arith.constant 0 : i32
    %dma_wait3A_454 = tpu.memref_slice %arg7[%dma_wait3A_452, %dma_wait3A_453] : memref<1040x128xf32, #tpu.memory_space<vmem_shared>> -> memref<1040x128xf32, #tpu.memory_space<vmem_shared>>
    %dma_wait3A_455 = tpu.memref_slice %arg9[%dma_wait3A_447] : memref<5x!tpu.dma_semaphore, #tpu.memory_space<semaphore_mem>> -> memref<1x!tpu.dma_semaphore, #tpu.memory_space<semaphore_mem>>
    %dma_wait3A_456 = tpu.memref_squeeze %dma_wait3A_455 : memref<1x!tpu.dma_semaphore, #tpu.memory_space<semaphore_mem>> -> memref<!tpu.dma_semaphore, #tpu.memory_space<semaphore_mem>>
    tpu.wait_indirect_dma semaphore(%dma_wait3A_456 : memref<!tpu.dma_semaphore, #tpu.memory_space<semaphore_mem>>) src(%dma_wait3A_451 : memref<16x128xf32, #tpu.memory_space<vmem>>) dst(%dma_wait3A_454 : memref<1040x128xf32, #tpu.memory_space<vmem_shared>>)
    %dma_wait3A_457 = arith.constant 3 : i32
    %dma_wait3A_458 = arith.constant 3 : i32
    %dma_wait3A_459 = arith.constant 0 : i32
    %dma_wait3A_460 = arith.constant 0 : i32
    %dma_wait3A_461 = tpu.memref_slice %arg5[%dma_wait3A_457, %dma_wait3A_459, %dma_wait3A_460] : memref<5x160x128xf32, #tpu.memory_space<vmem>> -> memref<1x16x128xf32, #tpu.memory_space<vmem>>
    %dma_wait3A_462 = tpu.memref_squeeze %dma_wait3A_461 : memref<1x16x128xf32, #tpu.memory_space<vmem>> -> memref<16x128xf32, #tpu.memory_space<vmem>>
    %dma_wait3A_463 = arith.constant 0 : i32
    %dma_wait3A_464 = arith.constant 0 : i32
    %dma_wait3A_465 = tpu.memref_slice %arg7[%dma_wait3A_463, %dma_wait3A_464] : memref<1040x128xf32, #tpu.memory_space<vmem_shared>> -> memref<1040x128xf32, #tpu.memory_space<vmem_shared>>
    %dma_wait3A_466 = tpu.memref_slice %arg9[%dma_wait3A_458] : memref<5x!tpu.dma_semaphore, #tpu.memory_space<semaphore_mem>> -> memref<1x!tpu.dma_semaphore, #tpu.memory_space<semaphore_mem>>
    %dma_wait3A_467 = tpu.memref_squeeze %dma_wait3A_466 : memref<1x!tpu.dma_semaphore, #tpu.memory_space<semaphore_mem>> -> memref<!tpu.dma_semaphore, #tpu.memory_space<semaphore_mem>>
    tpu.wait_indirect_dma semaphore(%dma_wait3A_467 : memref<!tpu.dma_semaphore, #tpu.memory_space<semaphore_mem>>) src(%dma_wait3A_462 : memref<16x128xf32, #tpu.memory_space<vmem>>) dst(%dma_wait3A_465 : memref<1040x128xf32, #tpu.memory_space<vmem_shared>>)
    %dma_wait3A_468 = arith.constant 3 : i32
    %dma_wait3A_469 = arith.constant 3 : i32
    %dma_wait3A_470 = arith.constant 0 : i32
    %dma_wait3A_471 = arith.constant 0 : i32
    %dma_wait3A_472 = tpu.memref_slice %arg5[%dma_wait3A_468, %dma_wait3A_470, %dma_wait3A_471] : memref<5x160x128xf32, #tpu.memory_space<vmem>> -> memref<1x16x128xf32, #tpu.memory_space<vmem>>
    %dma_wait3A_473 = tpu.memref_squeeze %dma_wait3A_472 : memref<1x16x128xf32, #tpu.memory_space<vmem>> -> memref<16x128xf32, #tpu.memory_space<vmem>>
    %dma_wait3A_474 = arith.constant 0 : i32
    %dma_wait3A_475 = arith.constant 0 : i32
    %dma_wait3A_476 = tpu.memref_slice %arg7[%dma_wait3A_474, %dma_wait3A_475] : memref<1040x128xf32, #tpu.memory_space<vmem_shared>> -> memref<1040x128xf32, #tpu.memory_space<vmem_shared>>
    %dma_wait3A_477 = tpu.memref_slice %arg9[%dma_wait3A_469] : memref<5x!tpu.dma_semaphore, #tpu.memory_space<semaphore_mem>> -> memref<1x!tpu.dma_semaphore, #tpu.memory_space<semaphore_mem>>
    %dma_wait3A_478 = tpu.memref_squeeze %dma_wait3A_477 : memref<1x!tpu.dma_semaphore, #tpu.memory_space<semaphore_mem>> -> memref<!tpu.dma_semaphore, #tpu.memory_space<semaphore_mem>>
    tpu.wait_indirect_dma semaphore(%dma_wait3A_478 : memref<!tpu.dma_semaphore, #tpu.memory_space<semaphore_mem>>) src(%dma_wait3A_473 : memref<16x128xf32, #tpu.memory_space<vmem>>) dst(%dma_wait3A_476 : memref<1040x128xf32, #tpu.memory_space<vmem_shared>>)
    %dma_wait3A_479 = arith.constant 3 : i32
    %dma_wait3A_480 = arith.constant 3 : i32
    %dma_wait3A_481 = arith.constant 0 : i32
    %dma_wait3A_482 = arith.constant 0 : i32
    %dma_wait3A_483 = tpu.memref_slice %arg5[%dma_wait3A_479, %dma_wait3A_481, %dma_wait3A_482] : memref<5x160x128xf32, #tpu.memory_space<vmem>> -> memref<1x16x128xf32, #tpu.memory_space<vmem>>
    %dma_wait3A_484 = tpu.memref_squeeze %dma_wait3A_483 : memref<1x16x128xf32, #tpu.memory_space<vmem>> -> memref<16x128xf32, #tpu.memory_space<vmem>>
    %dma_wait3A_485 = arith.constant 0 : i32
    %dma_wait3A_486 = arith.constant 0 : i32
    %dma_wait3A_487 = tpu.memref_slice %arg7[%dma_wait3A_485, %dma_wait3A_486] : memref<1040x128xf32, #tpu.memory_space<vmem_shared>> -> memref<1040x128xf32, #tpu.memory_space<vmem_shared>>
    %dma_wait3A_488 = tpu.memref_slice %arg9[%dma_wait3A_480] : memref<5x!tpu.dma_semaphore, #tpu.memory_space<semaphore_mem>> -> memref<1x!tpu.dma_semaphore, #tpu.memory_space<semaphore_mem>>
    %dma_wait3A_489 = tpu.memref_squeeze %dma_wait3A_488 : memref<1x!tpu.dma_semaphore, #tpu.memory_space<semaphore_mem>> -> memref<!tpu.dma_semaphore, #tpu.memory_space<semaphore_mem>>
    tpu.wait_indirect_dma semaphore(%dma_wait3A_489 : memref<!tpu.dma_semaphore, #tpu.memory_space<semaphore_mem>>) src(%dma_wait3A_484 : memref<16x128xf32, #tpu.memory_space<vmem>>) dst(%dma_wait3A_487 : memref<1040x128xf32, #tpu.memory_space<vmem_shared>>)
    %dma_wait3A_490 = arith.constant 3 : i32
    %dma_wait3A_491 = arith.constant 3 : i32
    %dma_wait3A_492 = arith.constant 0 : i32
    %dma_wait3A_493 = arith.constant 0 : i32
    %dma_wait3A_494 = tpu.memref_slice %arg5[%dma_wait3A_490, %dma_wait3A_492, %dma_wait3A_493] : memref<5x160x128xf32, #tpu.memory_space<vmem>> -> memref<1x16x128xf32, #tpu.memory_space<vmem>>
    %dma_wait3A_495 = tpu.memref_squeeze %dma_wait3A_494 : memref<1x16x128xf32, #tpu.memory_space<vmem>> -> memref<16x128xf32, #tpu.memory_space<vmem>>
    %dma_wait3A_496 = arith.constant 0 : i32
    %dma_wait3A_497 = arith.constant 0 : i32
    %dma_wait3A_498 = tpu.memref_slice %arg7[%dma_wait3A_496, %dma_wait3A_497] : memref<1040x128xf32, #tpu.memory_space<vmem_shared>> -> memref<1040x128xf32, #tpu.memory_space<vmem_shared>>
    %dma_wait3A_499 = tpu.memref_slice %arg9[%dma_wait3A_491] : memref<5x!tpu.dma_semaphore, #tpu.memory_space<semaphore_mem>> -> memref<1x!tpu.dma_semaphore, #tpu.memory_space<semaphore_mem>>
    %dma_wait3A_500 = tpu.memref_squeeze %dma_wait3A_499 : memref<1x!tpu.dma_semaphore, #tpu.memory_space<semaphore_mem>> -> memref<!tpu.dma_semaphore, #tpu.memory_space<semaphore_mem>>
    tpu.wait_indirect_dma semaphore(%dma_wait3A_500 : memref<!tpu.dma_semaphore, #tpu.memory_space<semaphore_mem>>) src(%dma_wait3A_495 : memref<16x128xf32, #tpu.memory_space<vmem>>) dst(%dma_wait3A_498 : memref<1040x128xf32, #tpu.memory_space<vmem_shared>>)
    %dma_wait3A_501 = arith.constant 3 : i32
    %dma_wait3A_502 = arith.constant 3 : i32
    %dma_wait3A_503 = arith.constant 0 : i32
    %dma_wait3A_504 = arith.constant 0 : i32
    %dma_wait3A_505 = tpu.memref_slice %arg5[%dma_wait3A_501, %dma_wait3A_503, %dma_wait3A_504] : memref<5x160x128xf32, #tpu.memory_space<vmem>> -> memref<1x16x128xf32, #tpu.memory_space<vmem>>
    %dma_wait3A_506 = tpu.memref_squeeze %dma_wait3A_505 : memref<1x16x128xf32, #tpu.memory_space<vmem>> -> memref<16x128xf32, #tpu.memory_space<vmem>>
    %dma_wait3A_507 = arith.constant 0 : i32
    %dma_wait3A_508 = arith.constant 0 : i32
    %dma_wait3A_509 = tpu.memref_slice %arg7[%dma_wait3A_507, %dma_wait3A_508] : memref<1040x128xf32, #tpu.memory_space<vmem_shared>> -> memref<1040x128xf32, #tpu.memory_space<vmem_shared>>
    %dma_wait3A_510 = tpu.memref_slice %arg9[%dma_wait3A_502] : memref<5x!tpu.dma_semaphore, #tpu.memory_space<semaphore_mem>> -> memref<1x!tpu.dma_semaphore, #tpu.memory_space<semaphore_mem>>
    %dma_wait3A_511 = tpu.memref_squeeze %dma_wait3A_510 : memref<1x!tpu.dma_semaphore, #tpu.memory_space<semaphore_mem>> -> memref<!tpu.dma_semaphore, #tpu.memory_space<semaphore_mem>>
    tpu.wait_indirect_dma semaphore(%dma_wait3A_511 : memref<!tpu.dma_semaphore, #tpu.memory_space<semaphore_mem>>) src(%dma_wait3A_506 : memref<16x128xf32, #tpu.memory_space<vmem>>) dst(%dma_wait3A_509 : memref<1040x128xf32, #tpu.memory_space<vmem_shared>>)
    %dma_wait3A_512 = arith.constant 3 : i32
    %dma_wait3A_513 = arith.constant 3 : i32
    %dma_wait3A_514 = arith.constant 0 : i32
    %dma_wait3A_515 = arith.constant 0 : i32
    %dma_wait3A_516 = tpu.memref_slice %arg5[%dma_wait3A_512, %dma_wait3A_514, %dma_wait3A_515] : memref<5x160x128xf32, #tpu.memory_space<vmem>> -> memref<1x16x128xf32, #tpu.memory_space<vmem>>
    %dma_wait3A_517 = tpu.memref_squeeze %dma_wait3A_516 : memref<1x16x128xf32, #tpu.memory_space<vmem>> -> memref<16x128xf32, #tpu.memory_space<vmem>>
    %dma_wait3A_518 = arith.constant 0 : i32
    %dma_wait3A_519 = arith.constant 0 : i32
    %dma_wait3A_520 = tpu.memref_slice %arg7[%dma_wait3A_518, %dma_wait3A_519] : memref<1040x128xf32, #tpu.memory_space<vmem_shared>> -> memref<1040x128xf32, #tpu.memory_space<vmem_shared>>
    %dma_wait3A_521 = tpu.memref_slice %arg9[%dma_wait3A_513] : memref<5x!tpu.dma_semaphore, #tpu.memory_space<semaphore_mem>> -> memref<1x!tpu.dma_semaphore, #tpu.memory_space<semaphore_mem>>
    %dma_wait3A_522 = tpu.memref_squeeze %dma_wait3A_521 : memref<1x!tpu.dma_semaphore, #tpu.memory_space<semaphore_mem>> -> memref<!tpu.dma_semaphore, #tpu.memory_space<semaphore_mem>>
    tpu.wait_indirect_dma semaphore(%dma_wait3A_522 : memref<!tpu.dma_semaphore, #tpu.memory_space<semaphore_mem>>) src(%dma_wait3A_517 : memref<16x128xf32, #tpu.memory_space<vmem>>) dst(%dma_wait3A_520 : memref<1040x128xf32, #tpu.memory_space<vmem_shared>>)
    %dma_wait3A_523 = arith.constant 3 : i32
    %dma_wait3A_524 = arith.constant 3 : i32
    %dma_wait3A_525 = arith.constant 0 : i32
    %dma_wait3A_526 = arith.constant 0 : i32
    %dma_wait3A_527 = tpu.memref_slice %arg5[%dma_wait3A_523, %dma_wait3A_525, %dma_wait3A_526] : memref<5x160x128xf32, #tpu.memory_space<vmem>> -> memref<1x16x128xf32, #tpu.memory_space<vmem>>
    %dma_wait3A_528 = tpu.memref_squeeze %dma_wait3A_527 : memref<1x16x128xf32, #tpu.memory_space<vmem>> -> memref<16x128xf32, #tpu.memory_space<vmem>>
    %dma_wait3A_529 = arith.constant 0 : i32
    %dma_wait3A_530 = arith.constant 0 : i32
    %dma_wait3A_531 = tpu.memref_slice %arg7[%dma_wait3A_529, %dma_wait3A_530] : memref<1040x128xf32, #tpu.memory_space<vmem_shared>> -> memref<1040x128xf32, #tpu.memory_space<vmem_shared>>
    %dma_wait3A_532 = tpu.memref_slice %arg9[%dma_wait3A_524] : memref<5x!tpu.dma_semaphore, #tpu.memory_space<semaphore_mem>> -> memref<1x!tpu.dma_semaphore, #tpu.memory_space<semaphore_mem>>
    %dma_wait3A_533 = tpu.memref_squeeze %dma_wait3A_532 : memref<1x!tpu.dma_semaphore, #tpu.memory_space<semaphore_mem>> -> memref<!tpu.dma_semaphore, #tpu.memory_space<semaphore_mem>>
    tpu.wait_indirect_dma semaphore(%dma_wait3A_533 : memref<!tpu.dma_semaphore, #tpu.memory_space<semaphore_mem>>) src(%dma_wait3A_528 : memref<16x128xf32, #tpu.memory_space<vmem>>) dst(%dma_wait3A_531 : memref<1040x128xf32, #tpu.memory_space<vmem_shared>>)
    %get3A_534 = arith.constant 0 : index
    %get3A_535 = tpu.vector_load %arg6[%get3A_534] {strides = array<i32>} : memref<3200xi32, #tpu.memory_space<vmem>>, vector<16xi32>,
    %get3A_536 = vector.shape_cast %get3A_535 : vector<16xi32> to vector<16xi32>
    %dma_wait3A_537 = arith.constant 4 : i32
    %dma_wait3A_538 = arith.constant 4 : i32
    %dma_wait3A_539 = arith.constant 0 : i32
    %dma_wait3A_540 = arith.constant 0 : i32
    %dma_wait3A_541 = tpu.memref_slice %arg5[%dma_wait3A_537, %dma_wait3A_539, %dma_wait3A_540] : memref<5x160x128xf32, #tpu.memory_space<vmem>> -> memref<1x16x128xf32, #tpu.memory_space<vmem>>
    %dma_wait3A_542 = tpu.memref_squeeze %dma_wait3A_541 : memref<1x16x128xf32, #tpu.memory_space<vmem>> -> memref<16x128xf32, #tpu.memory_space<vmem>>
    %dma_wait3A_543 = arith.constant 0 : i32
    %dma_wait3A_544 = arith.constant 0 : i32
    %dma_wait3A_545 = tpu.memref_slice %arg7[%dma_wait3A_543, %dma_wait3A_544] : memref<1040x128xf32, #tpu.memory_space<vmem_shared>> -> memref<1040x128xf32, #tpu.memory_space<vmem_shared>>
    %dma_wait3A_546 = tpu.memref_slice %arg9[%dma_wait3A_538] : memref<5x!tpu.dma_semaphore, #tpu.memory_space<semaphore_mem>> -> memref<1x!tpu.dma_semaphore, #tpu.memory_space<semaphore_mem>>
    %dma_wait3A_547 = tpu.memref_squeeze %dma_wait3A_546 : memref<1x!tpu.dma_semaphore, #tpu.memory_space<semaphore_mem>> -> memref<!tpu.dma_semaphore, #tpu.memory_space<semaphore_mem>>
    tpu.wait_indirect_dma semaphore(%dma_wait3A_547 : memref<!tpu.dma_semaphore, #tpu.memory_space<semaphore_mem>>) src(%dma_wait3A_542 : memref<16x128xf32, #tpu.memory_space<vmem>>) dst(%dma_wait3A_545 : memref<1040x128xf32, #tpu.memory_space<vmem_shared>>)
    %dma_wait3A_548 = arith.constant 4 : i32
    %dma_wait3A_549 = arith.constant 4 : i32
    %dma_wait3A_550 = arith.constant 0 : i32
    %dma_wait3A_551 = arith.constant 0 : i32
    %dma_wait3A_552 = tpu.memref_slice %arg5[%dma_wait3A_548, %dma_wait3A_550, %dma_wait3A_551] : memref<5x160x128xf32, #tpu.memory_space<vmem>> -> memref<1x16x128xf32, #tpu.memory_space<vmem>>
    %dma_wait3A_553 = tpu.memref_squeeze %dma_wait3A_552 : memref<1x16x128xf32, #tpu.memory_space<vmem>> -> memref<16x128xf32, #tpu.memory_space<vmem>>
    %dma_wait3A_554 = arith.constant 0 : i32
    %dma_wait3A_555 = arith.constant 0 : i32
    %dma_wait3A_556 = tpu.memref_slice %arg7[%dma_wait3A_554, %dma_wait3A_555] : memref<1040x128xf32, #tpu.memory_space<vmem_shared>> -> memref<1040x128xf32, #tpu.memory_space<vmem_shared>>
    %dma_wait3A_557 = tpu.memref_slice %arg9[%dma_wait3A_549] : memref<5x!tpu.dma_semaphore, #tpu.memory_space<semaphore_mem>> -> memref<1x!tpu.dma_semaphore, #tpu.memory_space<semaphore_mem>>
    %dma_wait3A_558 = tpu.memref_squeeze %dma_wait3A_557 : memref<1x!tpu.dma_semaphore, #tpu.memory_space<semaphore_mem>> -> memref<!tpu.dma_semaphore, #tpu.memory_space<semaphore_mem>>
    tpu.wait_indirect_dma semaphore(%dma_wait3A_558 : memref<!tpu.dma_semaphore, #tpu.memory_space<semaphore_mem>>) src(%dma_wait3A_553 : memref<16x128xf32, #tpu.memory_space<vmem>>) dst(%dma_wait3A_556 : memref<1040x128xf32, #tpu.memory_space<vmem_shared>>)
    %dma_wait3A_559 = arith.constant 4 : i32
    %dma_wait3A_560 = arith.constant 4 : i32
    %dma_wait3A_561 = arith.constant 0 : i32
    %dma_wait3A_562 = arith.constant 0 : i32
    %dma_wait3A_563 = tpu.memref_slice %arg5[%dma_wait3A_559, %dma_wait3A_561, %dma_wait3A_562] : memref<5x160x128xf32, #tpu.memory_space<vmem>> -> memref<1x16x128xf32, #tpu.memory_space<vmem>>
    %dma_wait3A_564 = tpu.memref_squeeze %dma_wait3A_563 : memref<1x16x128xf32, #tpu.memory_space<vmem>> -> memref<16x128xf32, #tpu.memory_space<vmem>>
    %dma_wait3A_565 = arith.constant 0 : i32
    %dma_wait3A_566 = arith.constant 0 : i32
    %dma_wait3A_567 = tpu.memref_slice %arg7[%dma_wait3A_565, %dma_wait3A_566] : memref<1040x128xf32, #tpu.memory_space<vmem_shared>> -> memref<1040x128xf32, #tpu.memory_space<vmem_shared>>
    %dma_wait3A_568 = tpu.memref_slice %arg9[%dma_wait3A_560] : memref<5x!tpu.dma_semaphore, #tpu.memory_space<semaphore_mem>> -> memref<1x!tpu.dma_semaphore, #tpu.memory_space<semaphore_mem>>
    %dma_wait3A_569 = tpu.memref_squeeze %dma_wait3A_568 : memref<1x!tpu.dma_semaphore, #tpu.memory_space<semaphore_mem>> -> memref<!tpu.dma_semaphore, #tpu.memory_space<semaphore_mem>>
    tpu.wait_indirect_dma semaphore(%dma_wait3A_569 : memref<!tpu.dma_semaphore, #tpu.memory_space<semaphore_mem>>) src(%dma_wait3A_564 : memref<16x128xf32, #tpu.memory_space<vmem>>) dst(%dma_wait3A_567 : memref<1040x128xf32, #tpu.memory_space<vmem_shared>>)
    %dma_wait3A_570 = arith.constant 4 : i32
    %dma_wait3A_571 = arith.constant 4 : i32
    %dma_wait3A_572 = arith.constant 0 : i32
    %dma_wait3A_573 = arith.constant 0 : i32
    %dma_wait3A_574 = tpu.memref_slice %arg5[%dma_wait3A_570, %dma_wait3A_572, %dma_wait3A_573] : memref<5x160x128xf32, #tpu.memory_space<vmem>> -> memref<1x16x128xf32, #tpu.memory_space<vmem>>
    %dma_wait3A_575 = tpu.memref_squeeze %dma_wait3A_574 : memref<1x16x128xf32, #tpu.memory_space<vmem>> -> memref<16x128xf32, #tpu.memory_space<vmem>>
    %dma_wait3A_576 = arith.constant 0 : i32
    %dma_wait3A_577 = arith.constant 0 : i32
    %dma_wait3A_578 = tpu.memref_slice %arg7[%dma_wait3A_576, %dma_wait3A_577] : memref<1040x128xf32, #tpu.memory_space<vmem_shared>> -> memref<1040x128xf32, #tpu.memory_space<vmem_shared>>
    %dma_wait3A_579 = tpu.memref_slice %arg9[%dma_wait3A_571] : memref<5x!tpu.dma_semaphore, #tpu.memory_space<semaphore_mem>> -> memref<1x!tpu.dma_semaphore, #tpu.memory_space<semaphore_mem>>
    %dma_wait3A_580 = tpu.memref_squeeze %dma_wait3A_579 : memref<1x!tpu.dma_semaphore, #tpu.memory_space<semaphore_mem>> -> memref<!tpu.dma_semaphore, #tpu.memory_space<semaphore_mem>>
    tpu.wait_indirect_dma semaphore(%dma_wait3A_580 : memref<!tpu.dma_semaphore, #tpu.memory_space<semaphore_mem>>) src(%dma_wait3A_575 : memref<16x128xf32, #tpu.memory_space<vmem>>) dst(%dma_wait3A_578 : memref<1040x128xf32, #tpu.memory_space<vmem_shared>>)
    %dma_wait3A_581 = arith.constant 4 : i32
    %dma_wait3A_582 = arith.constant 4 : i32
    %dma_wait3A_583 = arith.constant 0 : i32
    %dma_wait3A_584 = arith.constant 0 : i32
    %dma_wait3A_585 = tpu.memref_slice %arg5[%dma_wait3A_581, %dma_wait3A_583, %dma_wait3A_584] : memref<5x160x128xf32, #tpu.memory_space<vmem>> -> memref<1x16x128xf32, #tpu.memory_space<vmem>>
    %dma_wait3A_586 = tpu.memref_squeeze %dma_wait3A_585 : memref<1x16x128xf32, #tpu.memory_space<vmem>> -> memref<16x128xf32, #tpu.memory_space<vmem>>
    %dma_wait3A_587 = arith.constant 0 : i32
    %dma_wait3A_588 = arith.constant 0 : i32
    %dma_wait3A_589 = tpu.memref_slice %arg7[%dma_wait3A_587, %dma_wait3A_588] : memref<1040x128xf32, #tpu.memory_space<vmem_shared>> -> memref<1040x128xf32, #tpu.memory_space<vmem_shared>>
    %dma_wait3A_590 = tpu.memref_slice %arg9[%dma_wait3A_582] : memref<5x!tpu.dma_semaphore, #tpu.memory_space<semaphore_mem>> -> memref<1x!tpu.dma_semaphore, #tpu.memory_space<semaphore_mem>>
    %dma_wait3A_591 = tpu.memref_squeeze %dma_wait3A_590 : memref<1x!tpu.dma_semaphore, #tpu.memory_space<semaphore_mem>> -> memref<!tpu.dma_semaphore, #tpu.memory_space<semaphore_mem>>
    tpu.wait_indirect_dma semaphore(%dma_wait3A_591 : memref<!tpu.dma_semaphore, #tpu.memory_space<semaphore_mem>>) src(%dma_wait3A_586 : memref<16x128xf32, #tpu.memory_space<vmem>>) dst(%dma_wait3A_589 : memref<1040x128xf32, #tpu.memory_space<vmem_shared>>)
    %dma_wait3A_592 = arith.constant 4 : i32
    %dma_wait3A_593 = arith.constant 4 : i32
    %dma_wait3A_594 = arith.constant 0 : i32
    %dma_wait3A_595 = arith.constant 0 : i32
    %dma_wait3A_596 = tpu.memref_slice %arg5[%dma_wait3A_592, %dma_wait3A_594, %dma_wait3A_595] : memref<5x160x128xf32, #tpu.memory_space<vmem>> -> memref<1x16x128xf32, #tpu.memory_space<vmem>>
    %dma_wait3A_597 = tpu.memref_squeeze %dma_wait3A_596 : memref<1x16x128xf32, #tpu.memory_space<vmem>> -> memref<16x128xf32, #tpu.memory_space<vmem>>
    %dma_wait3A_598 = arith.constant 0 : i32
    %dma_wait3A_599 = arith.constant 0 : i32
    %dma_wait3A_600 = tpu.memref_slice %arg7[%dma_wait3A_598, %dma_wait3A_599] : memref<1040x128xf32, #tpu.memory_space<vmem_shared>> -> memref<1040x128xf32, #tpu.memory_space<vmem_shared>>
    %dma_wait3A_601 = tpu.memref_slice %arg9[%dma_wait3A_593] : memref<5x!tpu.dma_semaphore, #tpu.memory_space<semaphore_mem>> -> memref<1x!tpu.dma_semaphore, #tpu.memory_space<semaphore_mem>>
    %dma_wait3A_602 = tpu.memref_squeeze %dma_wait3A_601 : memref<1x!tpu.dma_semaphore, #tpu.memory_space<semaphore_mem>> -> memref<!tpu.dma_semaphore, #tpu.memory_space<semaphore_mem>>
    tpu.wait_indirect_dma semaphore(%dma_wait3A_602 : memref<!tpu.dma_semaphore, #tpu.memory_space<semaphore_mem>>) src(%dma_wait3A_597 : memref<16x128xf32, #tpu.memory_space<vmem>>) dst(%dma_wait3A_600 : memref<1040x128xf32, #tpu.memory_space<vmem_shared>>)
    %dma_wait3A_603 = arith.constant 4 : i32
    %dma_wait3A_604 = arith.constant 4 : i32
    %dma_wait3A_605 = arith.constant 0 : i32
    %dma_wait3A_606 = arith.constant 0 : i32
    %dma_wait3A_607 = tpu.memref_slice %arg5[%dma_wait3A_603, %dma_wait3A_605, %dma_wait3A_606] : memref<5x160x128xf32, #tpu.memory_space<vmem>> -> memref<1x16x128xf32, #tpu.memory_space<vmem>>
    %dma_wait3A_608 = tpu.memref_squeeze %dma_wait3A_607 : memref<1x16x128xf32, #tpu.memory_space<vmem>> -> memref<16x128xf32, #tpu.memory_space<vmem>>
    %dma_wait3A_609 = arith.constant 0 : i32
    %dma_wait3A_610 = arith.constant 0 : i32
    %dma_wait3A_611 = tpu.memref_slice %arg7[%dma_wait3A_609, %dma_wait3A_610] : memref<1040x128xf32, #tpu.memory_space<vmem_shared>> -> memref<1040x128xf32, #tpu.memory_space<vmem_shared>>
    %dma_wait3A_612 = tpu.memref_slice %arg9[%dma_wait3A_604] : memref<5x!tpu.dma_semaphore, #tpu.memory_space<semaphore_mem>> -> memref<1x!tpu.dma_semaphore, #tpu.memory_space<semaphore_mem>>
    %dma_wait3A_613 = tpu.memref_squeeze %dma_wait3A_612 : memref<1x!tpu.dma_semaphore, #tpu.memory_space<semaphore_mem>> -> memref<!tpu.dma_semaphore, #tpu.memory_space<semaphore_mem>>
    tpu.wait_indirect_dma semaphore(%dma_wait3A_613 : memref<!tpu.dma_semaphore, #tpu.memory_space<semaphore_mem>>) src(%dma_wait3A_608 : memref<16x128xf32, #tpu.memory_space<vmem>>) dst(%dma_wait3A_611 : memref<1040x128xf32, #tpu.memory_space<vmem_shared>>)
    %dma_wait3A_614 = arith.constant 4 : i32
    %dma_wait3A_615 = arith.constant 4 : i32
    %dma_wait3A_616 = arith.constant 0 : i32
    %dma_wait3A_617 = arith.constant 0 : i32
    %dma_wait3A_618 = tpu.memref_slice %arg5[%dma_wait3A_614, %dma_wait3A_616, %dma_wait3A_617] : memref<5x160x128xf32, #tpu.memory_space<vmem>> -> memref<1x16x128xf32, #tpu.memory_space<vmem>>
    %dma_wait3A_619 = tpu.memref_squeeze %dma_wait3A_618 : memref<1x16x128xf32, #tpu.memory_space<vmem>> -> memref<16x128xf32, #tpu.memory_space<vmem>>
    %dma_wait3A_620 = arith.constant 0 : i32
    %dma_wait3A_621 = arith.constant 0 : i32
    %dma_wait3A_622 = tpu.memref_slice %arg7[%dma_wait3A_620, %dma_wait3A_621] : memref<1040x128xf32, #tpu.memory_space<vmem_shared>> -> memref<1040x128xf32, #tpu.memory_space<vmem_shared>>
    %dma_wait3A_623 = tpu.memref_slice %arg9[%dma_wait3A_615] : memref<5x!tpu.dma_semaphore, #tpu.memory_space<semaphore_mem>> -> memref<1x!tpu.dma_semaphore, #tpu.memory_space<semaphore_mem>>
    %dma_wait3A_624 = tpu.memref_squeeze %dma_wait3A_623 : memref<1x!tpu.dma_semaphore, #tpu.memory_space<semaphore_mem>> -> memref<!tpu.dma_semaphore, #tpu.memory_space<semaphore_mem>>
    tpu.wait_indirect_dma semaphore(%dma_wait3A_624 : memref<!tpu.dma_semaphore, #tpu.memory_space<semaphore_mem>>) src(%dma_wait3A_619 : memref<16x128xf32, #tpu.memory_space<vmem>>) dst(%dma_wait3A_622 : memref<1040x128xf32, #tpu.memory_space<vmem_shared>>)
    %dma_wait3A_625 = arith.constant 4 : i32
    %dma_wait3A_626 = arith.constant 4 : i32
    %dma_wait3A_627 = arith.constant 0 : i32
    %dma_wait3A_628 = arith.constant 0 : i32
    %dma_wait3A_629 = tpu.memref_slice %arg5[%dma_wait3A_625, %dma_wait3A_627, %dma_wait3A_628] : memref<5x160x128xf32, #tpu.memory_space<vmem>> -> memref<1x16x128xf32, #tpu.memory_space<vmem>>
    %dma_wait3A_630 = tpu.memref_squeeze %dma_wait3A_629 : memref<1x16x128xf32, #tpu.memory_space<vmem>> -> memref<16x128xf32, #tpu.memory_space<vmem>>
    %dma_wait3A_631 = arith.constant 0 : i32
    %dma_wait3A_632 = arith.constant 0 : i32
    %dma_wait3A_633 = tpu.memref_slice %arg7[%dma_wait3A_631, %dma_wait3A_632] : memref<1040x128xf32, #tpu.memory_space<vmem_shared>> -> memref<1040x128xf32, #tpu.memory_space<vmem_shared>>
    %dma_wait3A_634 = tpu.memref_slice %arg9[%dma_wait3A_626] : memref<5x!tpu.dma_semaphore, #tpu.memory_space<semaphore_mem>> -> memref<1x!tpu.dma_semaphore, #tpu.memory_space<semaphore_mem>>
    %dma_wait3A_635 = tpu.memref_squeeze %dma_wait3A_634 : memref<1x!tpu.dma_semaphore, #tpu.memory_space<semaphore_mem>> -> memref<!tpu.dma_semaphore, #tpu.memory_space<semaphore_mem>>
    tpu.wait_indirect_dma semaphore(%dma_wait3A_635 : memref<!tpu.dma_semaphore, #tpu.memory_space<semaphore_mem>>) src(%dma_wait3A_630 : memref<16x128xf32, #tpu.memory_space<vmem>>) dst(%dma_wait3A_633 : memref<1040x128xf32, #tpu.memory_space<vmem_shared>>)
    %dma_wait3A_636 = arith.constant 4 : i32
    %dma_wait3A_637 = arith.constant 4 : i32
    %dma_wait3A_638 = arith.constant 0 : i32
    %dma_wait3A_639 = arith.constant 0 : i32
    %dma_wait3A_640 = tpu.memref_slice %arg5[%dma_wait3A_636, %dma_wait3A_638, %dma_wait3A_639] : memref<5x160x128xf32, #tpu.memory_space<vmem>> -> memref<1x16x128xf32, #tpu.memory_space<vmem>>
    %dma_wait3A_641 = tpu.memref_squeeze %dma_wait3A_640 : memref<1x16x128xf32, #tpu.memory_space<vmem>> -> memref<16x128xf32, #tpu.memory_space<vmem>>
    %dma_wait3A_642 = arith.constant 0 : i32
    %dma_wait3A_643 = arith.constant 0 : i32
    %dma_wait3A_644 = tpu.memref_slice %arg7[%dma_wait3A_642, %dma_wait3A_643] : memref<1040x128xf32, #tpu.memory_space<vmem_shared>> -> memref<1040x128xf32, #tpu.memory_space<vmem_shared>>
    %dma_wait3A_645 = tpu.memref_slice %arg9[%dma_wait3A_637] : memref<5x!tpu.dma_semaphore, #tpu.memory_space<semaphore_mem>> -> memref<1x!tpu.dma_semaphore, #tpu.memory_space<semaphore_mem>>
    %dma_wait3A_646 = tpu.memref_squeeze %dma_wait3A_645 : memref<1x!tpu.dma_semaphore, #tpu.memory_space<semaphore_mem>> -> memref<!tpu.dma_semaphore, #tpu.memory_space<semaphore_mem>>
    tpu.wait_indirect_dma semaphore(%dma_wait3A_646 : memref<!tpu.dma_semaphore, #tpu.memory_space<semaphore_mem>>) src(%dma_wait3A_641 : memref<16x128xf32, #tpu.memory_space<vmem>>) dst(%dma_wait3A_644 : memref<1040x128xf32, #tpu.memory_space<vmem_shared>>)
    %barrier3A_647 = arith.constant 0 : index
    tpu.barrier barrier_id(%barrier3A_647)
    %mul3A_648 = arith.constant 64 : i32
    %mul3A_649 = arith.muli %arg1, %mul3A_648 : i32
    %mul3A_650 = arith.constant 64 : i32
    %mul3A_651 = arith.muli %arg1, %mul3A_650 : i32
    "tpu.region"() ({
      %run_scoped3A_652 = tpu.sem_alloc : memref<!tpu.dma_semaphore, #tpu.memory_space<semaphore_mem>>
      %dma_start3A_653 = arith.constant 0 : i32
      %dma_start3A_654 = tpu.memref_slice %arg4[%arg0, %mul3A_651, %dma_start3A_653] : memref<2x1024x128xf32, #tpu.memory_space<hbm>> -> memref<1x64x128xf32, #tpu.memory_space<hbm>>
      %dma_start3A_655 = tpu.memref_squeeze %dma_start3A_654 : memref<1x64x128xf32, #tpu.memory_space<hbm>> -> memref<64x128xf32, #tpu.memory_space<hbm>>
      %dma_start3A_656 = arith.constant 0 : i32
      %dma_start3A_657 = tpu.memref_slice %arg7[%mul3A_649, %dma_start3A_656] : memref<1040x128xf32, #tpu.memory_space<vmem_shared>> -> memref<64x128xf32, #tpu.memory_space<vmem_shared>>
      tpu.enqueue_dma source(%dma_start3A_657 : memref<64x128xf32, #tpu.memory_space<vmem_shared>>) target(%dma_start3A_655 : memref<64x128xf32, #tpu.memory_space<hbm>>) target_semaphore(%run_scoped3A_652 : memref<!tpu.dma_semaphore, #tpu.memory_space<semaphore_mem>>)
      %dma_wait3A_658 = arith.constant 0 : i32
      %dma_wait3A_659 = tpu.memref_slice %arg4[%arg0, %mul3A_651, %dma_wait3A_658] : memref<2x1024x128xf32, #tpu.memory_space<hbm>> -> memref<1x64x128xf32, #tpu.memory_space<hbm>>
      %dma_wait3A_660 = tpu.memref_squeeze %dma_wait3A_659 : memref<1x64x128xf32, #tpu.memory_space<hbm>> -> memref<64x128xf32, #tpu.memory_space<hbm>>
      %dma_wait3A_661 = arith.constant 0 : i32
      %dma_wait3A_662 = tpu.memref_slice %arg7[%mul3A_649, %dma_wait3A_661] : memref<1040x128xf32, #tpu.memory_space<vmem_shared>> -> memref<64x128xf32, #tpu.memory_space<vmem_shared>>
      tpu.wait_dma2 semaphore(%run_scoped3A_652 : memref<!tpu.dma_semaphore, #tpu.memory_space<semaphore_mem>>) src(%dma_wait3A_662 : memref<64x128xf32, #tpu.memory_space<vmem_shared>>) dst(%dma_wait3A_660 : memref<64x128xf32, #tpu.memory_space<hbm>>)
      tpu.yield
    }) : () -> ()
    return
  }
}

module attributes {stable_mosaic.version = 14 : i64} {
  func.func @_combine(%arg0: memref<2x1024x128xf32, #tpu.memory_space<vmem>>, %arg1: memref<1024x128xf32, #tpu.memory_space<vmem>>) attributes {dimension_semantics = [], scalar_prefetch = 0 : i64, scratch_operands = 0 : i64, tpu.core_type = #tpu.core_type<tc>} {
    %get3A = arith.constant 0 : index
    %get3A_0 = arith.constant 0 : index
    %get3A_1 = arith.constant 0 : index
    %get3A_2 = vector.load %arg0[%get3A, %get3A_0, %get3A_1] : memref<2x1024x128xf32, #tpu.memory_space<vmem>>, vector<1x1024x128xf32>
    %get3A_3 = vector.shape_cast %get3A_2 : vector<1x1024x128xf32> to vector<1024x128xf32>
    %get3A_4 = arith.constant 1 : index
    %get3A_5 = arith.constant 0 : index
    %get3A_6 = arith.constant 0 : index
    %get3A_7 = vector.load %arg0[%get3A_4, %get3A_5, %get3A_6] : memref<2x1024x128xf32, #tpu.memory_space<vmem>>, vector<1x1024x128xf32>
    %get3A_8 = vector.shape_cast %get3A_7 : vector<1x1024x128xf32> to vector<1024x128xf32>
    %add3A = arith.addf %get3A_3, %get3A_8 : vector<1024x128xf32>
    %swap3A = arith.constant 0 : index
    %swap3A_9 = arith.constant 0 : index
    %swap3A_10 = vector.load %arg1[%swap3A, %swap3A_9] : memref<1024x128xf32, #tpu.memory_space<vmem>>, vector<1024x128xf32>
    tpu.vector_store %arg1[%swap3A, %swap3A_9], %add3A {strides = array<i32>} : memref<1024x128xf32, #tpu.memory_space<vmem>>, vector<1024x128xf32>,
    return
  }
}

</mosaic_0001>

<sc_bundles>
// kernel: kernel.4.cloned.1.call-start
scs
__scs_entry_jumppad:
0x0: {  	(pc) =	sbr.rel $0x88, $3  }
0x1: {  	(tag) =	ssettag $0x0;
	lr =	simm.s32 $0x1  }
0x2: {  	[smem:$0x3F9F] =	sst lr;
	_ =	strace $0xD0000000  }
0x3: {  	_ = 	snop  }
0x4: {  	_ = 	snop  }
0x5: {  	_ = 	snop  }
0x6: {  	_ = 	snop  }
0x7: {  	_ = 	snop  }
__scs_overlays_trampoline_lowered:
0x8: {  	[smem:$0x3FAE] =	sst s0  }
0x9: {  	[smem:$0x3FAF] =	sst s1  }
0xa: {  	[smem:$0x3FB0] =	sst s2  }
0xb: {  	[smem:$0x3FB1] =	sst s3  }
0xc: {  	[smem:$0x3FB2] =	sst s4  }
0xd: {  	[smem:$0x3FB3] =	sst s5  }
0xe: {  	[smem:$0x3FB4] =	sst s6  }
0xf: {  	[smem:$0x3FB5] =	sst s7  }
0x10: {  	[smem:$0x3FB6] =	sst s8  }
0x11: {  	[smem:$0x3FB7] =	sst s9;
	s0 =	simm.s32 @!p0 $0x0  }
0x12: {  	s1 =	sld [smem:$0x3F9D];
	s0 =	simm.s32 @p0 $0x1  }
0x13: {  	[smem:$0x3FB8] =	sst s0;
	s0 =	simm.s32 @!p1 $0x0  }
0x14: {  	s2 =	sld [smem:$0x3F9C];
	s0 =	simm.s32 @p1 $0x1  }
0x15: {  	[smem:$0x3FB9] =	sst s0;
	s0 =	simm.s32 @!p2 $0x0  }
0x16: {  	s3 =	sld [smem:$0x3FDB];
	s0 =	simm.s32 @p2 $0x1  }
0x17: {  	s4 =	simm.s32 $0x1BF5;
	[smem:$0x3FBB] =	sst s0  }
0x18: {  	s0 =	sld [smem:$0x3F9E];
	_ =	swait.ge [sflag:s4], $0x0  }
0x19: {  	s7 =	sld [smem:$0x3F9F]  }
0x1a: {  	s8 =	sadd.s32 $0xFFFFE003, lr  }
0x1b: {  	s9 =	sadd.s32 $0xFFFFFEF7, lr;
	s5 =	simm.s32 $0xFFFFFFFF;
	p2 =	slt.u32 s8, $0xFFFFF086  }
0x1c: {  	p1 =	slt.u32 s9, $0xF7A;
	s5 =	simm.s32 @!p2 $0x0  }
0x1d: {  	s5 =	simm.s32 @p1 $0x1;
	p0 =	seq.s32 s7, s2  }
0x1e: {  	s7 =	smul.u32 @!p0 $0xF7A, s2;
	p2 =	seq.s32 @!p0 s5, $0x0  }
0x1f: {  	s9 =	smul.u32 $0xF7A, s1;
	s8 =	simm.s32 @!p0 $0x1BF5;
	p2 =	por !p2, p0  }
0x20: {  	[sflag:s8] =	ssyncset.s32 @!p0 $0xFFFFF086;
	s6 =	sadd.s32 @!p0 s3, s7;
	s7 =	simm.s32 @!p0 $0x108  }
0x21: {  	s3 =	sadd.s32 s3, s9;
	s6 =	sadd.s32 @!p0 $0x88, s6;
	s7 =	simm.s32 @p2 $0x1082  }
0x22: {  	[simem:s7], [sflag:s8] =	dma.local @!p0 [hbm:s6], $0xF7A  }
0x23: {  	s9 =	sor.u32 $0xD0000000, s2;
	s6 =	simm.s32 $0x108;
	_ =	swait.ge @!p0 [sflag:s8], $0x0  }
0x24: {  	s3 =	sadd.s32 $0x88, s3;
	s6 =	simm.s32 @!p1 $0x1082;
	[sflag:s4] =	ssyncset.s32 $0xFFFFF086  }
0x25: {  	[simem:s6], [sflag:s4] =	dma.local [hbm:s3], $0xF7A  }
0x26: {  	[smem:$0x3F9F] =	sst s1;
	(tag) =	ssettag s2;
	_ =	strace s9  }
0x27: {  	s1 =	sld [smem:$0x3FAF]  }
0x28: {  	s2 =	sld [smem:$0x3FB0]  }
0x29: {  	s4 =	sld [smem:$0x3FB2]  }
0x2a: {  	p0 =	seq.s32 s5, $0x0;
	s5 =	sld [smem:$0x3FB3]  }
0x2b: {  	s6 =	sld [smem:$0x3FB4]  }
0x2c: {  	s7 =	sld [smem:$0x3FB5]  }
0x2d: {  	s3 =	simm.s32 $0x108;
	s8 =	sld [smem:$0x3FB6]  }
0x2e: {  	s3 =	simm.s32 @!p0 $0x1082;
	s9 =	sld [smem:$0x3FB7]  }
0x2f: {  	lr =	sadd.s32 s0, s3;
	s0 =	sld [smem:$0x3FAE]  }
0x30: {  	s3 =	sld [smem:$0x3FB1]  }
0x31: {  	[smem:$0x3FBA] =	sst s10  }
0x32: {  	s10 =	sld [smem:$0x3FB8];
	_ =	sdelay $0x3  }
0x33: {  	p0 =	seq.s32 s10, $0x1;
	s10 =	sld [smem:$0x3FBA];
	_ =	sdelay $0x3  }
0x34: {  	[smem:$0x3FBA] =	sst s10  }
0x35: {  	s10 =	sld [smem:$0x3FB9];
	_ =	sdelay $0x3  }
0x36: {  	p1 =	seq.s32 s10, $0x1;
	s10 =	sld [smem:$0x3FBA];
	_ =	sdelay $0x3  }
0x37: {  	[smem:$0x3FBA] =	sst s10  }
0x38: {  	s10 =	sld [smem:$0x3FBB]  }
0x39: {  	_ = 	snop;
	(pc) =	sbr.ind lr, $3  }
0x3a: {  	_ = 	snop  }
0x3b: {  	_ = 	snop  }
0x3c: {  	p2 =	seq.s32 s10, $0x1;
	s10 =	sld [smem:$0x3FBA]  }
0x3d: {  	_ =	shalt  }
0x3e: {  	_ =	shalt  }
0x3f: {  	_ =	shalt  }
0x40: {  	_ =	shalt  }
0x41: {  	_ =	shalt  }
0x42: {  	_ =	shalt  }
0x43: {  	_ =	shalt  }
0x44: {  	_ =	shalt  }
0x45: {  	_ =	shalt  }
0x46: {  	_ =	shalt  }
0x47: {  	_ =	shalt  }
0x48: {  	_ =	shalt  }
0x49: {  	_ =	shalt  }
0x4a: {  	_ =	shalt  }
0x4b: {  	_ =	shalt  }
0x4c: {  	_ =	shalt  }
0x4d: {  	_ =	shalt  }
0x4e: {  	_ =	shalt  }
0x4f: {  	_ =	shalt  }
0x50: {  	_ =	shalt  }
0x51: {  	_ =	shalt  }
0x52: {  	_ =	shalt  }
0x53: {  	_ =	shalt  }
0x54: {  	_ =	shalt  }
0x55: {  	_ =	shalt  }
0x56: {  	_ =	shalt  }
0x57: {  	_ =	shalt  }
0x58: {  	_ =	shalt  }
0x59: {  	_ =	shalt  }
0x5a: {  	_ =	shalt  }
0x5b: {  	_ =	shalt  }
0x5c: {  	_ =	shalt  }
0x5d: {  	_ =	shalt  }
0x5e: {  	_ =	shalt  }
0x5f: {  	_ =	shalt  }
0x60: {  	_ =	shalt  }
0x61: {  	_ =	shalt  }
0x62: {  	_ =	shalt  }
0x63: {  	_ =	shalt  }
0x64: {  	_ =	shalt  }
0x65: {  	_ =	shalt  }
0x66: {  	_ =	shalt  }
0x67: {  	_ =	shalt  }
0x68: {  	_ =	shalt  }
0x69: {  	_ =	shalt  }
0x6a: {  	_ =	shalt  }
0x6b: {  	_ =	shalt  }
0x6c: {  	_ =	shalt  }
0x6d: {  	_ =	shalt  }
0x6e: {  	_ =	shalt  }
0x6f: {  	_ =	shalt  }
0x70: {  	_ =	shalt  }
0x71: {  	_ =	shalt  }
0x72: {  	_ =	shalt  }
0x73: {  	_ =	shalt  }
0x74: {  	_ =	shalt  }
0x75: {  	_ =	shalt  }
0x76: {  	_ =	shalt  }
0x77: {  	_ =	shalt  }
0x78: {  	_ =	shalt  }
0x79: {  	_ =	shalt  }
0x7a: {  	_ =	shalt  }
0x7b: {  	_ =	shalt  }
0x7c: {  	_ =	shalt  }
0x7d: {  	_ =	shalt  }
0x7e: {  	_ =	shalt  }
0x7f: {  	_ =	shalt  }
0x80: {  	_ =	shalt  }
0x81: {  	_ =	shalt  }
0x82: {  	_ =	shalt  }
0x83: {  	_ =	shalt  }
0x84: {  	_ =	shalt  }
0x85: {  	_ =	shalt  }
0x86: {  	_ =	shalt  }
0x87: {  	_ =	shalt  }
.Lfunc_end0:
.L_simem_size_0:
called_computation_lowered:
.L_overlay_start_0:
0x88: {  	s2 =	sld [smem:$0x3FD9]  }
0x89: {  	s3 =	sld [smem:$0x3FFE];
	_ =	sdelay $0x1  }
0x8a: {  	s1 =	srdreg.scid  }
0x8b: {  	s0 =	sand.u32 $0x1, s1  }
0x8c: {  	s17 =	sshll.u32 s0, $0xA;
	s2 =	sadd.s32 s3, s2  }
0x8d: {  	s2 =	sadd.s32 s2, s17  }
0x8e: {  	[smem:$0x3FC6] =	sst s2  }
0x8f: {  	_ = 	snop  }
0x90: {  	s2 =	sld [smem:$0x3FC9]  }
0x91: {  	s18 =	sld [smem:$0x3FC8];
	(tm) =	ssettm $0x1  }
0x92: {  	s4 =	sld [smem:$0x3FFB];
	_ =	sdelay $0x3  }
0x93: {  	_ =	strace s4  }
0x94: {  	s4 =	sld [smem:$0x3FFC];
	_ =	sdelay $0x3  }
0x95: {  	_ =	strace s4  }
0x96: {  	s4 =	sld [smem:$0x3FFD];
	_ =	sdelay $0x3  }
0x97: {  	_ =	strace s4  }
0x98: {  	_ =	strace $0x8FFFFFFF  }
0x99: {  	s19 =	sld [smem:$0x3FDB];
	_ =	sdelay $0x1  }
0x9a: {  	s5 =	simm.s32 $_scs_section_size  }
0x9b: {  	s6 =	simm.s32 $_size__tile_overlayer_lowered;
	s7 =	simm.s32 $_tile_overlayer_lowered  }
0x9c: {  	s22 =	simm.s32 $0x1BFF;
	s21 =	sshll.u32 s7, $0x1;
	s4 =	sadd.s32 s5, s19  }
0x9d: {  	s8 =	simm.s32 $0x0;
	s20 =	sshll.u32 s6, $0x1;
	s6 =	sadd.s32 s21, s4  }
0x9e: {  	[timem:s8], [sflag:s22] =	dma.local [hbm:s6], s20  }
0x9f: {  	_ =	swait.ge [sflag:s22], s20  }
0xa0: {  	s5 =	ssub.s32 $0x0, s20;
	[sflag:s22] =	ssyncset.done $0x0  }
0xa1: {  	[sflag:s22] =	ssyncadd.s32 s5;
	_ =	sdelay $0x1  }
0xa2: {  	s23 =	simm.s32 $0x1B8B  }
0xa3: {  	_ =	swait.ge [sflag:s23], $0x1  }
0xa4: {  	[sflag:s23] =	ssyncset.done $0x0  }
0xa5: {  	s25 =	simm.s32 $0x1B8E;
	s24 =	sld [smem:$0x3FFE];
	[sflag:s23] =	ssyncadd.s32 $0xFFFFFFFF  }
0xa6: {  	s26 =	simm.s32 $execute0_lowered;
	[smem:$0x3FD2] =	sst s25  }
0xa7: {  	s6 =	sshll.u32 s26, $0x1;
	_ =	strace $0x80000046;
	[dreg:$0x1] =	wrdreg $0xFFFFFFFF  }
0xa8: {  	s28 =	simm.s32 $_size_execute0_lowered;
	s4 =	sadd.s32 s4, s6;
	[dreg:$0x0] =	wrdreg $0x0  }
0xa9: {  	s6 =	sshll.u32 s28, $0x1;
	[dreg:$0x2] =	wrdreg s4  }
0xaa: {  	[dreg:$0x3] =	wrdreg s6  }
0xab: {  	[dreg:$0x4] =	wrdreg $0xC0  }
0xac: {  	_ =	task [dreg:s8], $0x5FFFF  }
0xad: {  	[dreg:$0x1] =	wrdreg $0xFFFFFFFF  }
0xae: {  	[dreg:$0x0] =	wrdreg $0x60  }
0xaf: {  	[dreg:$0x2] =	wrdreg s2  }
0xb0: {  	[dreg:$0x3] =	wrdreg s18  }
0xb1: {  	[dreg:$0x4] =	wrdreg s24  }
0xb2: {  	[dreg:$0x5] =	wrdreg $0x19C800  }
0xb3: {  	[dreg:$0x6] =	wrdreg $0x9  }
0xb4: {  	_ =	task.clear_ibuf [dreg:s8], $0x7FFFF;
	_ =	strace $0x90000046  }
0xb5: {  	s29 =	simm.s32 $0x9;
	_ =	strace $0x80000048  }
0xb6: {  	_ =	swait.ge [sflag:s29], $0x1  }
0xb7: {  	[sflag:s29] =	ssyncadd.s32 $0xFFFFFFFF  }
0xb8: {  	_ =	strace $0x90000048  }
0xb9: {  	_ =	sfence  }
0xba: {  	s30 =	sld [smem:$0x0];
	_ =	sdelay $0x2  }
0xbb: {  	s31 =	sshll.u32 s1, $0xD;
	s1 =	sshrl.u32 s1, $0x2  }
0xbc: {  	s3 =	sand.u32 $0x4000, s31;
	s1 =	sadd.s32 s1, s30  }
0xbd: {  	s0 =	sor.u32 s3, s0;
	s1 =	sshll.u32 s1, $0x11  }
0xbe: {  	s0 =	sor.u32 s1, s0  }
0xbf: {  	s0 =	sadd.s32 $0x8F2B, s0  }
0xc0: {  	[sflag:s0] =	ssyncadd.remote.s32 $0x1  }
0xc1: {  	_ =	sfence.sel $0xFFFF  }
0xc2: {  	[dreg:$0x0] =	wrdreg $0xFFFFFFFF;
	(pc) =	sbr.abs _section_cstart, $3  }
0xc3: {  	[dreg:$0x1] =	wrdreg $0xFFFFFFFF  }
0xc4: {  	_ =	task.clear_ibuf [dreg:s8], $0x2FFFF;
	_ =	strace $0x9FFFFFFF  }
0xc5: {  	(tm) =	ssettm $0x7FFFFFFF  }
tec
execute0_lowered:
.L_overlay_start_1:
0x0: {  	(tag) =	ssettag $0x1  }
0x1: {  	s1 =	rddreg [dreg:$0x0]  }
0x2: {  	s6 =	rddreg [dreg:$0x1];
	s0 =	stileid.u32  }
0x3: {  	s2 =	srdreg.scid;
	s4 =	rddreg [dreg:$0x2];
	s24 =	simm.s32 $0x0  }
0x4: {  	s18 =	simm.s32 $0x8;
	s19 =	simm.s32 $0x9;
	s20 =	simm.s32 $0xA  }
0x5: {  	s22 =	simm.s32 $0x0;
	s9 =	sand.u32 $0x1, s2;
	s2 =	rddreg [dreg:$0x3]  }
0x6: {  	s3 =	sshll.u32 s0, $0x1;
	[smem:$0x7FF] =	sst s24;
	s29 =	smul.u32 $0x8200, s0  }
0x7: {  	s8 =	sshll.u32 s0, $0xA;
	s15 =	smul.u32 $0x26, s0;
	s31 =	sshll.u32 s0, $0xD  }
0x8: {  	s13 =	sor.u32 s9, s3;
	_ =	strace $0x80000047;
	s7 =	ssub.s32 $0x2, s9  }
0x9: {  	s14 =	sadd.s32 s8, s4;
	s4 =	simm.s32 $0x14;
	s16 =	smul.u32 $0x13, s9  }
0xa: {  	s9 =	sshll.u32 s9, $0xE;
	s21 =	sadd.s32 s31, s2;
	s5 =	smul.u32 $0x13, s13  }
0xb: {  	s10 =	smin.u32 s13, $0x11;
	s11 =	sshrl.u32 s7, $0x1;
	p0 =	slt.u32 s13, $0x11  }
0xc: {  	s14 =	sadd.s32 s9, s14;
	s21 =	sshrl.u32 s21, $0x3;
	s4 =	simm.s32 @!p0 $0x13  }
0xd: {  	s11 =	ssub.s32 s7, s11;
	s5 =	sadd.s32 s10, s5;
	s30 =	smul.u32 $0x14000, s4  }
0xe: {  	p0 =	seq.s32 s13, $0x1F;
	s10 =	sadd.s32 s15, s10;
	s12 =	smul.u32 $0x14, s5  }
0xf: {  	s11 =	smax.u32 s11, $0x1;
	s15 =	simm.s32 $0xC;
	s25 =	smul.u32 $0xA00, s5  }
0x10: {  	s26 =	smul.u32 $0x5000, s5;
	s10 =	sadd.s32 s16, s10;
	s16 =	simm.s32 $0x6  }
0x11: {  	s17 =	smul.u32 $0xA00, s10;
	s10 =	sadd.s32 $0x600, s14;
	[dreg:$0x5] =	wrdreg s30  }
0x12: {  	s28 =	sadd.s32 s6, s12;
	s6 =	sadd.s32 $0x2F58, s6;
	s8 =	sshrl.u32 s26, $0x3  }
0x13: {  	s7 =	sadd.s32 s1, s25;
	s12 =	sshrl.u32 s29, $0x2;
	[dreg:$0x6] =	wrdreg s28  }
0x14: {  	s8 =	sadd.s32 s1, s8;
	s9 =	sadd.s32 s12, s2;
	s1 =	sadd.s32 s17, s1  }
0x15: {  	v0 =	vimm.f32 $0.0e+00;
	vm0 =	vmmov $0xffff;
	s17 =	simm.s32 $0x7;
	s8 =	sadd.s32 $0xA00, s8;
	s12 =	sadd.s32 $0x1400, s1  }
.LBB2_1:
0x16: {  	s1 =	simm.s32 @p0 $0x0;
	s13 =	simm.s32 @p0 $0x19000  }
0x17: {  	v1 =	vimm.s32 @p0 $0x400;
	[tilespmem:s13], [sflag:$0xB] =	stream.linear.gather @p0 [hbm4b:s6+s1], $0xBE0, $0x38;
	[tilespmem:$0x1BD00] =	vst v63  }
0x18: {  	[tilespmem:$0x19BE0] =	vst @p0 v1  }
0x19: {  	[tilespmem:$0x19BF0] =	vst @p0 v1  }
0x1a: {  	[tilespmem:$0x19C00] =	vst @p0 v1  }
0x1b: {  	[tilespmem:$0x19C10] =	vst @p0 v1  }
0x1c: {  	[tilespmem:$0x19C20] =	vst @p0 v1  }
0x1d: {  	[tilespmem:$0x19C30] =	vst @p0 v1  }
0x1e: {  	[tilespmem:$0x19C40] =	vst @p0 v1  }
0x1f: {  	[tilespmem:$0x19C50] =	vst @p0 v1  }
0x20: {  	[tilespmem:$0x19C60] =	vst @p0 v1  }
0x21: {  	s0 =	rddreg [dreg:$0x6];
	s1 =	simm.s32 @!p0 $0x0;
	s13 =	simm.s32 @!p0 $0x19000;
	[tilespmem:$0x19C70] =	vst @p0 v1  }
0x22: {  	[tilespmem:s13], [sflag:$0xB] =	stream.linear.gather @!p0 [hbm4b:s0+s1], $0xC80, $0x38;
	[tilespmem:$0x1BD00] =	vst v63  }
0x23: {  	s30 =	simm.s32 $0x0  }
0x24: {  	[tilespmem:s30], [sflag:$0x1] =	stream.linear.gather [hbm4b:s7+s30], $0x5000, $0x38;
	[tilespmem:$0x1BD00] =	vst v63  }
0x25: {  	s31 =	simm.s32 $0x5000;
	s1 =	simm.s32 $0x0;
	s13 =	simm.s32 $0x200  }
0x26: {  	[tilespmem:s31], [sflag:$0x2] =	stream.linear.gather [hbm4b:s8+s30], $0x5000, $0x38;
	[tilespmem:$0x1BD00] =	vst v63  }
.LBB2_2:
0x27: {  	p1 =	sne.s32 s13, $0x8000;
	[tilespmem:s1+$0x14070] =	vst v0  }
0x28: {  	[tilespmem:s1+$0x14000] =	vst v0  }
0x29: {  	[tilespmem:s1+$0x14010] =	vst v0  }
.Ltmp0:
0x2a: {  	[tilespmem:s1+$0x14020] =	vst v0;
	(pc) =	sbr.rel @p1 .LBB2_2-.Ltmp0, $4  }
0x2b: {  	[tilespmem:s1+$0x14030] =	vst v0  }
0x2c: {  	[tilespmem:s1+$0x14040] =	vst v0  }
0x2d: {  	[tilespmem:s1+$0x14050] =	vst v0  }
0x2e: {  	[tilespmem:s1+$0x14060] =	vst v0;
	s1 =	sshra.s32 s13, $0x2;
	s13 =	sadd.s32 $0x200, s13  }
0x2f: {  	[tilespmem:s1+$0x14070] =	vst v0  }
0x30: {  	[tilespmem:s1+$0x14000] =	vst v0  }
0x31: {  	[tilespmem:s1+$0x14010] =	vst v0  }
0x32: {  	[tilespmem:s1+$0x14020] =	vst v0  }
0x33: {  	[tilespmem:s1+$0x14030] =	vst v0  }
0x34: {  	[tilespmem:s1+$0x14040] =	vst v0  }
0x35: {  	[tilespmem:s1+$0x14050] =	vst v0  }
0x36: {  	[tilespmem:s1+$0x14060] =	vst v0;
	s0 =	simm.s32 $0x14000  }
0x37: {  	[spmem:s9] =	stream.linear.scatter [tilespmem:s0], [sflag:$0xC], $0x2080, $0x38;
	[tilespmem:$0x1BD00] =	vst v63  }
0x38: {  	_ =	swait.ge [sflag:s15], $0x2080  }
0x39: {  	[sflag:s15] =	ssyncset.done $0x0  }
0x3a: {  	[sflag:s15] =	ssyncadd.s32 $0xFFFFDF80  }
0x3b: {  	s1 =	simm.s32 @p0 $0xB;
	[bflag:$0x0] =	sbarrier.arrive $0xFFFF  }
0x3c: {  	s23 =	simm.s32 $0x8;
	_ =	swait.ge @p0 [sflag:s1], $0xBE0  }
0x3d: {  	s24 =	simm.s32 $0x2;
	s25 =	simm.s32 $0x3;
	[sflag:s1] =	ssyncset.done @p0 $0x0  }
0x3e: {  	s26 =	simm.s32 $0x0;
	[sflag:s1] =	ssyncadd.s32 @p0 $0xFFFFF420;
	s1 =	simm.s32 @!p0 $0xB  }
0x3f: {  	s28 =	simm.s32 $0x6;
	s29 =	simm.s32 $0x1;
	_ =	swait.ge @!p0 [sflag:s1], $0xC80  }
0x40: {  	s30 =	simm.s32 $0x19050;
	s31 =	smov.u32 s12;
	[sflag:s1] =	ssyncset.done @!p0 $0x0  }
0x41: {  	s13 =	simm.s32 $0x0;
	[sflag:s1] =	ssyncadd.s32 @!p0 $0xFFFFF380;
	s1 =	simm.s32 $0x0  }
.LBB2_4:
0x42: {  	s14 =	smulhi.u32 $0xCCCCCCCD, s13;
	_ =	sdelay $0x1  }
0x43: {  	s14 =	sshrl.u32 s14, $0x2  }
0x44: {  	s0 =	smul.u32 $0xFFFFFFEC, s14;
	_ =	sdelay $0x1  }
0x45: {  	s0 =	sshra.s32 s0, $0x2  }
0x46: {  	s3 =	sadd.s32 s0, s29  }
0x47: {  	_ =	swait.ge [sflag:s3], $0x5000  }
0x48: {  	[sflag:s3] =	ssyncset.done $0x0  }
0x49: {  	[sflag:s3] =	ssyncadd.s32 $0xFFFFB000  }
0x4a: {  	v1 =	vld [tilespmem:s30+$0xFFFFFFB0];
	_ =	sdelay $0x3  }
0x4b: {  	s14 =	smul.u32 $0xFFF9C000, s14;
	_ =	sdelay $0x1  }
0x4c: {  	s5 =	sshra.s32 s1, $0x2;
	s3 =	sshra.s32 s14, $0x2  }
0x4d: {  	s0 =	sadd.s32 s0, s28;
	s3 =	sadd.s32 s5, s3  }
0x4e: {  	[spmem:s2] =	stream.indirect_vreg.scatter.add.f32 [tilespmem:s3], [sflag:s0], $0x80, v1, vm0, $0xb8;
	[tilespmem:$0x1BD00] =	vst v63  }
0x4f: {  	v1 =	vld [tilespmem:s30+$0xFFFFFFC0];
	_ =	sdelay $0x6  }
0x50: {  	s14 =	sadd.s32 $0x800, s3  }
0x51: {  	[spmem:s2] =	stream.indirect_vreg.scatter.add.f32 [tilespmem:s14], [sflag:s0], $0x80, v1, vm0, $0xb8;
	[tilespmem:$0x1BD00] =	vst v63  }
0x52: {  	v1 =	vld [tilespmem:s30+$0xFFFFFFD0];
	_ =	sdelay $0x6  }
0x53: {  	s5 =	sadd.s32 $0x1000, s3  }
0x54: {  	[spmem:s2] =	stream.indirect_vreg.scatter.add.f32 [tilespmem:s5], [sflag:s0], $0x80, v1, vm0, $0xb8;
	[tilespmem:$0x1BD00] =	vst v63  }
0x55: {  	v1 =	vld [tilespmem:s30+$0xFFFFFFE0];
	_ =	sdelay $0x6  }
0x56: {  	s5 =	sadd.s32 $0x1800, s3  }
0x57: {  	[spmem:s2] =	stream.indirect_vreg.scatter.add.f32 [tilespmem:s5], [sflag:s0], $0x80, v1, vm0, $0xb8;
	[tilespmem:$0x1BD00] =	vst v63  }
0x58: {  	v1 =	vld [tilespmem:s30+$0xFFFFFFF0];
	_ =	sdelay $0x6  }
0x59: {  	s5 =	sadd.s32 $0x2000, s3  }
0x5a: {  	[spmem:s2] =	stream.indirect_vreg.scatter.add.f32 [tilespmem:s5], [sflag:s0], $0x80, v1, vm0, $0xb8;
	[tilespmem:$0x1BD00] =	vst v63  }
0x5b: {  	v1 =	vld [tilespmem:s30+$0x0];
	_ =	sdelay $0x6  }
0x5c: {  	s5 =	sadd.s32 $0x2800, s3  }
0x5d: {  	[spmem:s2] =	stream.indirect_vreg.scatter.add.f32 [tilespmem:s5], [sflag:s0], $0x80, v1, vm0, $0xb8;
	[tilespmem:$0x1BD00] =	vst v63  }
0x5e: {  	v1 =	vld [tilespmem:s30+$0x10];
	_ =	sdelay $0x6  }
0x5f: {  	s5 =	sadd.s32 $0x3000, s3  }
0x60: {  	[spmem:s2] =	stream.indirect_vreg.scatter.add.f32 [tilespmem:s5], [sflag:s0], $0x80, v1, vm0, $0xb8;
	[tilespmem:$0x1BD00] =	vst v63  }
0x61: {  	v1 =	vld [tilespmem:s30+$0x20];
	_ =	sdelay $0x6  }
0x62: {  	s5 =	sadd.s32 $0x3800, s3  }
0x63: {  	[spmem:s2] =	stream.indirect_vreg.scatter.add.f32 [tilespmem:s5], [sflag:s0], $0x80, v1, vm0, $0xb8;
	[tilespmem:$0x1BD00] =	vst v63  }
0x64: {  	s5 =	sand.u32 $0x7FFFFFE0, s26  }
0x65: {  	v1 =	vld [tilespmem:s5+$0x19080];
	_ =	sdelay $0x6  }
0x66: {  	s5 =	sadd.s32 $0x4000, s3  }
0x67: {  	[spmem:s2] =	stream.indirect_vreg.scatter.add.f32 [tilespmem:s5], [sflag:s0], $0x80, v1, vm0, $0xb8;
	[tilespmem:$0x1BD00] =	vst v63  }
0x68: {  	v1 =	vld [tilespmem:s30+$0x40];
	_ =	sdelay $0x4  }
0x69: {  	s5 =	smulhi.u32 $0xCCCCCCCD, s24;
	_ =	sdelay $0x1  }
0x6a: {  	s3 =	sadd.s32 $0x4800, s3;
	s14 =	sshrl.u32 s5, $0x2  }
0x6b: {  	[spmem:s2] =	stream.indirect_vreg.scatter.add.f32 [tilespmem:s3], [sflag:s0], $0x80, v1, vm0, $0xb8;
	[tilespmem:$0x1BD00] =	vst v63  }
0x6c: {  	s5 =	sadd.s32 $0x2, s13;
	s0 =	smul.u32 $0xFFFFFFEC, s14  }
0x6d: {  	p1 =	sge.u32 s5, s4  }
0x6e: {  	p2 =	slt.u32 @!p1 s13, $0x3;
	s0 =	sshra.s32 s0, $0x2  }
0x6f: {  	p2 =	por p2, p1;
	s3 =	sadd.s32 s0, s23  }
0x70: {  	_ =	swait.ge @!p2 [sflag:s3], $0x800  }
0x71: {  	[sflag:s3] =	ssyncset.done @!p2 $0x0  }
0x72: {  	[sflag:s3] =	ssyncadd.s32 @!p2 $0xFFFFF800  }
0x73: {  	_ =	swait.ge @!p2 [sflag:s3], $0x800  }
0x74: {  	[sflag:s3] =	ssyncset.done @!p2 $0x0  }
0x75: {  	[sflag:s3] =	ssyncadd.s32 @!p2 $0xFFFFF800  }
0x76: {  	_ =	swait.ge @!p2 [sflag:s3], $0x800  }
0x77: {  	[sflag:s3] =	ssyncset.done @!p2 $0x0  }
0x78: {  	[sflag:s3] =	ssyncadd.s32 @!p2 $0xFFFFF800  }
0x79: {  	_ =	swait.ge @!p2 [sflag:s3], $0x800  }
0x7a: {  	[sflag:s3] =	ssyncset.done @!p2 $0x0  }
0x7b: {  	[sflag:s3] =	ssyncadd.s32 @!p2 $0xFFFFF800  }
0x7c: {  	_ =	swait.ge @!p2 [sflag:s3], $0x800  }
0x7d: {  	[sflag:s3] =	ssyncset.done @!p2 $0x0  }
0x7e: {  	[sflag:s3] =	ssyncadd.s32 @!p2 $0xFFFFF800  }
0x7f: {  	_ =	swait.ge @!p2 [sflag:s3], $0x800  }
0x80: {  	[sflag:s3] =	ssyncset.done @!p2 $0x0  }
0x81: {  	[sflag:s3] =	ssyncadd.s32 @!p2 $0xFFFFF800  }
0x82: {  	_ =	swait.ge @!p2 [sflag:s3], $0x800  }
0x83: {  	[sflag:s3] =	ssyncset.done @!p2 $0x0  }
0x84: {  	[sflag:s3] =	ssyncadd.s32 @!p2 $0xFFFFF800  }
0x85: {  	_ =	swait.ge @!p2 [sflag:s3], $0x800  }
0x86: {  	[sflag:s3] =	ssyncset.done @!p2 $0x0  }
0x87: {  	[sflag:s3] =	ssyncadd.s32 @!p2 $0xFFFFF800  }
0x88: {  	_ =	swait.ge @!p2 [sflag:s3], $0x800  }
0x89: {  	[sflag:s3] =	ssyncset.done @!p2 $0x0  }
0x8a: {  	s14 =	smul.u32 $0xFFF9C000, s14;
	[sflag:s3] =	ssyncadd.s32 @!p2 $0xFFFFF800  }
0x8b: {  	s5 =	sshra.s32 @!p1 s1, $0x2;
	_ =	swait.ge @!p2 [sflag:s3], $0x800  }
0x8c: {  	s1 =	sadd.s32 $0x14000, s1;
	s14 =	sshra.s32 s14, $0x2;
	[sflag:s3] =	ssyncset.done @!p2 $0x0  }
0x8d: {  	s0 =	sadd.s32 s0, s25;
	s14 =	sadd.s32 $0xA000, s14;
	[sflag:s3] =	ssyncadd.s32 @!p2 $0xFFFFF800  }
0x8e: {  	s3 =	sadd.s32 @!p1 s5, s14;
	s5 =	simm.s32 @!p1 $0x0;
	s14 =	rddreg [dreg:$0x5]  }
0x8f: {  	[tilespmem:s3], [sflag:s0] =	stream.linear.gather @!p1 [hbm4b:s31+s5], $0x5000, $0x38;
	[tilespmem:$0x1BD00] =	vst v63  }
0x90: {  	p1 =	sne.s32 s14, s1  }
.Ltmp1:
0x91: {  	_ = 	snop;
	(pc) =	sbr.rel @p1 .LBB2_4-.Ltmp1, $4  }
0x92: {  	_ = 	snop  }
0x93: {  	s28 =	sadd.s32 $0x1, s28;
	s29 =	sadd.s32 $0x1, s29;
	s26 =	sadd.s32 $0xA0, s26  }
0x94: {  	s24 =	sadd.s32 $0x1, s24;
	s30 =	sadd.s32 $0xA0, s30;
	s13 =	sadd.s32 $0x1, s13  }
0x95: {  	s23 =	sadd.s32 $0x1, s23;
	s25 =	sadd.s32 $0x1, s25;
	s31 =	sadd.s32 $0xA00, s31  }
0x96: {  	_ =	swait.ge [sflag:s16], $0x800  }
0x97: {  	[sflag:s16] =	ssyncset.done $0x0  }
0x98: {  	[sflag:s16] =	ssyncadd.s32 $0xFFFFF800  }
0x99: {  	_ =	swait.ge [sflag:s16], $0x800  }
0x9a: {  	[sflag:s16] =	ssyncset.done $0x0  }
0x9b: {  	[sflag:s16] =	ssyncadd.s32 $0xFFFFF800  }
0x9c: {  	_ =	swait.ge [sflag:s16], $0x800  }
0x9d: {  	[sflag:s16] =	ssyncset.done $0x0  }
0x9e: {  	[sflag:s16] =	ssyncadd.s32 $0xFFFFF800  }
0x9f: {  	_ =	swait.ge [sflag:s16], $0x800  }
0xa0: {  	[sflag:s16] =	ssyncset.done $0x0  }
0xa1: {  	[sflag:s16] =	ssyncadd.s32 $0xFFFFF800  }
0xa2: {  	_ =	swait.ge [sflag:s16], $0x800  }
0xa3: {  	[sflag:s16] =	ssyncset.done $0x0  }
0xa4: {  	[sflag:s16] =	ssyncadd.s32 $0xFFFFF800  }
0xa5: {  	_ =	swait.ge [sflag:s16], $0x800  }
0xa6: {  	[sflag:s16] =	ssyncset.done $0x0  }
0xa7: {  	[sflag:s16] =	ssyncadd.s32 $0xFFFFF800  }
0xa8: {  	_ =	swait.ge [sflag:s16], $0x800  }
0xa9: {  	[sflag:s16] =	ssyncset.done $0x0  }
0xaa: {  	[sflag:s16] =	ssyncadd.s32 $0xFFFFF800  }
0xab: {  	_ =	swait.ge [sflag:s16], $0x800  }
0xac: {  	[sflag:s16] =	ssyncset.done $0x0  }
0xad: {  	[sflag:s16] =	ssyncadd.s32 $0xFFFFF800  }
0xae: {  	_ =	swait.ge [sflag:s16], $0x800  }
0xaf: {  	[sflag:s16] =	ssyncset.done $0x0  }
0xb0: {  	[sflag:s16] =	ssyncadd.s32 $0xFFFFF800  }
0xb1: {  	_ =	swait.ge [sflag:s16], $0x800  }
0xb2: {  	[sflag:s16] =	ssyncset.done $0x0  }
0xb3: {  	[sflag:s16] =	ssyncadd.s32 $0xFFFFF800  }
0xb4: {  	_ =	swait.ge [sflag:s17], $0x800  }
0xb5: {  	[sflag:s17] =	ssyncset.done $0x0  }
0xb6: {  	[sflag:s17] =	ssyncadd.s32 $0xFFFFF800  }
0xb7: {  	_ =	swait.ge [sflag:s17], $0x800  }
0xb8: {  	[sflag:s17] =	ssyncset.done $0x0  }
0xb9: {  	[sflag:s17] =	ssyncadd.s32 $0xFFFFF800  }
0xba: {  	_ =	swait.ge [sflag:s17], $0x800  }
0xbb: {  	[sflag:s17] =	ssyncset.done $0x0  }
0xbc: {  	[sflag:s17] =	ssyncadd.s32 $0xFFFFF800  }
0xbd: {  	_ =	swait.ge [sflag:s17], $0x800  }
0xbe: {  	[sflag:s17] =	ssyncset.done $0x0  }
0xbf: {  	[sflag:s17] =	ssyncadd.s32 $0xFFFFF800  }
0xc0: {  	_ =	swait.ge [sflag:s17], $0x800  }
0xc1: {  	[sflag:s17] =	ssyncset.done $0x0  }
0xc2: {  	[sflag:s17] =	ssyncadd.s32 $0xFFFFF800  }
0xc3: {  	_ =	swait.ge [sflag:s17], $0x800  }
0xc4: {  	[sflag:s17] =	ssyncset.done $0x0  }
0xc5: {  	[sflag:s17] =	ssyncadd.s32 $0xFFFFF800  }
0xc6: {  	_ =	swait.ge [sflag:s17], $0x800  }
0xc7: {  	[sflag:s17] =	ssyncset.done $0x0  }
0xc8: {  	[sflag:s17] =	ssyncadd.s32 $0xFFFFF800  }
0xc9: {  	_ =	swait.ge [sflag:s17], $0x800  }
0xca: {  	[sflag:s17] =	ssyncset.done $0x0  }
0xcb: {  	[sflag:s17] =	ssyncadd.s32 $0xFFFFF800  }
0xcc: {  	_ =	swait.ge [sflag:s17], $0x800  }
0xcd: {  	[sflag:s17] =	ssyncset.done $0x0  }
0xce: {  	[sflag:s17] =	ssyncadd.s32 $0xFFFFF800  }
0xcf: {  	_ =	swait.ge [sflag:s17], $0x800  }
0xd0: {  	[sflag:s17] =	ssyncset.done $0x0  }
0xd1: {  	[sflag:s17] =	ssyncadd.s32 $0xFFFFF800  }
0xd2: {  	_ =	swait.ge [sflag:s18], $0x800  }
0xd3: {  	[sflag:s18] =	ssyncset.done $0x0  }
0xd4: {  	[sflag:s18] =	ssyncadd.s32 $0xFFFFF800  }
0xd5: {  	_ =	swait.ge [sflag:s18], $0x800  }
0xd6: {  	[sflag:s18] =	ssyncset.done $0x0  }
0xd7: {  	[sflag:s18] =	ssyncadd.s32 $0xFFFFF800  }
0xd8: {  	_ =	swait.ge [sflag:s18], $0x800  }
0xd9: {  	[sflag:s18] =	ssyncset.done $0x0  }
0xda: {  	[sflag:s18] =	ssyncadd.s32 $0xFFFFF800  }
0xdb: {  	_ =	swait.ge [sflag:s18], $0x800  }
0xdc: {  	[sflag:s18] =	ssyncset.done $0x0  }
0xdd: {  	[sflag:s18] =	ssyncadd.s32 $0xFFFFF800  }
0xde: {  	_ =	swait.ge [sflag:s18], $0x800  }
0xdf: {  	[sflag:s18] =	ssyncset.done $0x0  }
0xe0: {  	[sflag:s18] =	ssyncadd.s32 $0xFFFFF800  }
0xe1: {  	_ =	swait.ge [sflag:s18], $0x800  }
0xe2: {  	[sflag:s18] =	ssyncset.done $0x0  }
0xe3: {  	[sflag:s18] =	ssyncadd.s32 $0xFFFFF800  }
0xe4: {  	_ =	swait.ge [sflag:s18], $0x800  }
0xe5: {  	[sflag:s18] =	ssyncset.done $0x0  }
0xe6: {  	[sflag:s18] =	ssyncadd.s32 $0xFFFFF800  }
0xe7: {  	_ =	swait.ge [sflag:s18], $0x800  }
0xe8: {  	[sflag:s18] =	ssyncset.done $0x0  }
0xe9: {  	[sflag:s18] =	ssyncadd.s32 $0xFFFFF800  }
0xea: {  	_ =	swait.ge [sflag:s18], $0x800  }
0xeb: {  	[sflag:s18] =	ssyncset.done $0x0  }
0xec: {  	[sflag:s18] =	ssyncadd.s32 $0xFFFFF800  }
0xed: {  	_ =	swait.ge [sflag:s18], $0x800  }
0xee: {  	[sflag:s18] =	ssyncset.done $0x0  }
0xef: {  	[sflag:s18] =	ssyncadd.s32 $0xFFFFF800  }
0xf0: {  	_ =	swait.ge [sflag:s19], $0x800  }
0xf1: {  	[sflag:s19] =	ssyncset.done $0x0  }
0xf2: {  	[sflag:s19] =	ssyncadd.s32 $0xFFFFF800  }
0xf3: {  	_ =	swait.ge [sflag:s19], $0x800  }
0xf4: {  	[sflag:s19] =	ssyncset.done $0x0  }
0xf5: {  	[sflag:s19] =	ssyncadd.s32 $0xFFFFF800  }
0xf6: {  	_ =	swait.ge [sflag:s19], $0x800  }
0xf7: {  	[sflag:s19] =	ssyncset.done $0x0  }
0xf8: {  	[sflag:s19] =	ssyncadd.s32 $0xFFFFF800  }
0xf9: {  	_ =	swait.ge [sflag:s19], $0x800  }
0xfa: {  	[sflag:s19] =	ssyncset.done $0x0  }
0xfb: {  	[sflag:s19] =	ssyncadd.s32 $0xFFFFF800  }
0xfc: {  	_ =	swait.ge [sflag:s19], $0x800  }
0xfd: {  	[sflag:s19] =	ssyncset.done $0x0  }
0xfe: {  	[sflag:s19] =	ssyncadd.s32 $0xFFFFF800  }
0xff: {  	_ =	swait.ge [sflag:s19], $0x800  }
0x100: {  	[sflag:s19] =	ssyncset.done $0x0  }
0x101: {  	[sflag:s19] =	ssyncadd.s32 $0xFFFFF800  }
0x102: {  	_ =	swait.ge [sflag:s19], $0x800  }
0x103: {  	[sflag:s19] =	ssyncset.done $0x0  }
0x104: {  	[sflag:s19] =	ssyncadd.s32 $0xFFFFF800  }
0x105: {  	_ =	swait.ge [sflag:s19], $0x800  }
0x106: {  	[sflag:s19] =	ssyncset.done $0x0  }
0x107: {  	[sflag:s19] =	ssyncadd.s32 $0xFFFFF800  }
0x108: {  	_ =	swait.ge [sflag:s19], $0x800  }
0x109: {  	[sflag:s19] =	ssyncset.done $0x0  }
0x10a: {  	[sflag:s19] =	ssyncadd.s32 $0xFFFFF800  }
0x10b: {  	_ =	swait.ge [sflag:s19], $0x800  }
0x10c: {  	[sflag:s19] =	ssyncset.done $0x0  }
0x10d: {  	[sflag:s19] =	ssyncadd.s32 $0xFFFFF800  }
0x10e: {  	_ =	swait.ge [sflag:s20], $0x800  }
0x10f: {  	[sflag:s20] =	ssyncset.done $0x0  }
0x110: {  	[sflag:s20] =	ssyncadd.s32 $0xFFFFF800  }
0x111: {  	_ =	swait.ge [sflag:s20], $0x800  }
0x112: {  	[sflag:s20] =	ssyncset.done $0x0  }
0x113: {  	[sflag:s20] =	ssyncadd.s32 $0xFFFFF800  }
0x114: {  	_ =	swait.ge [sflag:s20], $0x800  }
0x115: {  	[sflag:s20] =	ssyncset.done $0x0  }
0x116: {  	[sflag:s20] =	ssyncadd.s32 $0xFFFFF800  }
0x117: {  	_ =	swait.ge [sflag:s20], $0x800  }
0x118: {  	[sflag:s20] =	ssyncset.done $0x0  }
0x119: {  	[sflag:s20] =	ssyncadd.s32 $0xFFFFF800  }
0x11a: {  	_ =	swait.ge [sflag:s20], $0x800  }
0x11b: {  	[sflag:s20] =	ssyncset.done $0x0  }
0x11c: {  	[sflag:s20] =	ssyncadd.s32 $0xFFFFF800  }
0x11d: {  	_ =	swait.ge [sflag:s20], $0x800  }
0x11e: {  	[sflag:s20] =	ssyncset.done $0x0  }
0x11f: {  	[sflag:s20] =	ssyncadd.s32 $0xFFFFF800  }
0x120: {  	_ =	swait.ge [sflag:s20], $0x800  }
0x121: {  	[sflag:s20] =	ssyncset.done $0x0  }
0x122: {  	[sflag:s20] =	ssyncadd.s32 $0xFFFFF800  }
0x123: {  	_ =	swait.ge [sflag:s20], $0x800  }
0x124: {  	[sflag:s20] =	ssyncset.done $0x0  }
0x125: {  	[sflag:s20] =	ssyncadd.s32 $0xFFFFF800  }
0x126: {  	_ =	swait.ge [sflag:s20], $0x800  }
0x127: {  	[sflag:s20] =	ssyncset.done $0x0  }
0x128: {  	[sflag:s20] =	ssyncadd.s32 $0xFFFFF800  }
0x129: {  	_ =	swait.ge [sflag:s20], $0x800  }
0x12a: {  	s0 =	stileid.u32;
	s22 =	sadd.s32 $0x1, s22;
	[sflag:s20] =	ssyncset.done $0x0  }
0x12b: {  	s0 =	sshll.u32 s0, $0x6;
	p1 =	sne.s32 s22, s11;
	[sflag:s20] =	ssyncadd.s32 $0xFFFFF800  }
.Ltmp2:
0x12c: {  	s0 =	sor.u32 $0x1C0C, s0;
	[bflag:$0x0] =	sbarrier.arrive $0xFFFF;
	(pc) =	sbr.rel @p1 .LBB2_1-.Ltmp2, $4  }
0x12d: {  	[hbm:s10], [sflag:s0] =	dma.local [spmem:s21], $0x400  }
0x12e: {  	_ =	swait.ge [sflag:s15], $0x400  }
0x12f: {  	[sflag:s15] =	ssyncset.done $0x0  }
0x130: {  	[sflag:s15] =	ssyncadd.s32 $0xFFFFFC00  }
0x131: {  	_ =	sfence.sel $0x180000  }
0x132: {  	[bflag:$0x0] =	sbarrier.arrive $0xFFFF  }
0x133: {  	_ =	strace $0x90000047  }
0x134: {  	s0 =	stileid.u32;
	[bflag:$0x2] =	sbarrier.arrive $0xFFFF  }
0x135: {  	p0 =	sne.s32 s0, $0x0;
	s0 =	rddreg [dreg:$0x4]  }
0x136: {  	s0 =	sadd.s32 @!p0 $0x100000, s0  }
0x137: {  	[sflag:s0] =	ssyncadd.tile.s32 @!p0 $0x1;
	_ =	shalt  }
.Lfunc_end2:
_tile_overlayer_lowered:
.L_overlay_start_2:
0x138: {  	(tag) =	ssettag $0x2  }
0x139: {  	s0 =	rddreg [dreg:$0x0];
	s2 =	stileid.u32  }
0x13a: {  	s1 =	rddreg [dreg:$0x1];
	p0 =	sne.s32 s2, $0x0  }
0x13b: {  	s3 =	rddreg [dreg:$0x2];
	[bflag:$0x3] =	sbarrier.arrive $0xFFFF;
	s2 =	simm.s32 @!p0 $0x1C0C  }
0x13c: {  	[timem:s3], [sflag:s2] =	dma.local @!p0 [hbm:s0], s1  }
0x13d: {  	s0 =	simm.s32 @!p0 $0xC  }
0x13e: {  	_ =	swait.ge @!p0 [sflag:s0], s1  }
0x13f: {  	s1 =	ssub.s32 @!p0 $0x0, s1;
	[sflag:s0] =	ssyncset.done @!p0 $0x0  }
0x140: {  	[sflag:s0] =	ssyncadd.s32 @!p0 s1  }
0x141: {  	[bflag:$0x3] =	sbarrier.arrive $0xFFFF  }
0x142: {  	_ =	shalt  }

</sc_bundles>
